<compile_context>
chip_gen: v7x
topology: tpu7x:2x2x1
jax: 0.10.2.dev20260603
libtpu: 0.0.44.dev20260713+nightly
codegen_flags: <defaults>
</compile_context>

<pallas_src>
import functools

import jax
import jax.numpy as jnp
from jax import lax
from jax.experimental import pallas as pl
from jax.experimental.pallas import tpu as pltpu
from jax.experimental.pallas import tpu_sc as plsc

NUM_EMB = 100000
DIM = 128
EPS = 1e-5
B = 4096 * 50
NC, NS = 2, 16
NW = NC * NS
BPW = B // NW
CHUNK = 128
SUB = 2
MROWS = CHUNK * SUB
NCHUNK = BPW // CHUNK
MC = BPW // MROWS
NBUF = 3

RED_BLK = 25000


def _scale_body(w_ref, acc_ref):
    @pl.when(pl.program_id(0) == 0)
    def _():
        acc_ref[...] = jnp.zeros_like(acc_ref)

    x = jnp.abs(w_ref[...])
    acc_ref[...] += jnp.sum(x.reshape(RED_BLK // 8, 8, DIM), axis=0)

    @pl.when(pl.program_id(0) == NUM_EMB // RED_BLK - 1)
    def _():
        s = jnp.maximum(jnp.sum(acc_ref[...]) / (NUM_EMB * DIM), EPS)
        acc_ref[...] = jnp.full((8, DIM), s, jnp.float32)


def _scale_bcast(weight):
    return pl.pallas_call(
        _scale_body,
        grid=(NUM_EMB // RED_BLK,),
        in_specs=[pl.BlockSpec((RED_BLK, DIM), lambda i: (i, 0))],
        out_specs=pl.BlockSpec((8, DIM), lambda i: (0, 0)),
        out_shape=jax.ShapeDtypeStruct((8, DIM), jnp.float32),
    )(weight)


_MESH = plsc.VectorSubcoreMesh(core_axis_name="c", subcore_axis_name="s")


@functools.partial(
    pl.kernel,
    out_type=jax.ShapeDtypeStruct((B, DIM), jnp.float32),
    mesh=_MESH,
    scratch_types=[
        pltpu.VMEM((NCHUNK, CHUNK), jnp.int32),
        [pltpu.VMEM((MROWS, DIM), jnp.float32) for _ in range(NBUF)],
        pltpu.VMEM((8, DIM), jnp.float32),
        [pltpu.SemaphoreType.DMA for _ in range(NBUF)],
        [pltpu.SemaphoreType.DMA for _ in range(NBUF)],
    ],
)
def _sc_lookup(idx_hbm, scale_hbm, w_hbm, out_hbm,
               idx_v, bufs, scale_v, gsems, ssems):
    wid = lax.axis_index("s") * NC + lax.axis_index("c")
    base = wid * BPW
    pltpu.sync_copy(scale_hbm, scale_v)
    pltpu.sync_copy(idx_hbm.at[wid], idx_v)
    scale = scale_v[0, pl.ds(0, 16)]
    scale_bits = lax.bitcast_convert_type(scale, jnp.int32)
    sign_mask = jnp.full((16,), -(2**31), jnp.int32)

    def fire(m, b):
        for s in range(SUB):
            pltpu.async_copy(w_hbm.at[idx_v.at[m * SUB + s]],
                             bufs[b].at[pl.ds(s * CHUNK, CHUNK)], gsems[b])

    def wait_scatter(m, b):
        pltpu.make_async_copy(
            bufs[b], out_hbm.at[pl.ds(base + m * MROWS, MROWS)], ssems[b]
        ).wait()

    def squash(m, b):
        rows = bufs[b]
        for s in range(SUB):
            pltpu.make_async_copy(w_hbm.at[idx_v.at[m * SUB + s]],
                                  rows.at[pl.ds(s * CHUNK, CHUNK)],
                                  gsems[b]).wait()

        @plsc.parallel_loop(0, MROWS, 1, unroll=2)
        def row_body(r):
            for j in range(DIM // 16):
                w = rows[r, pl.ds(j * 16, 16)]
                wb = lax.bitcast_convert_type(w, jnp.int32)
                q = lax.bitcast_convert_type((wb & sign_mask) | scale_bits,
                                             jnp.float32)
                rows[r, pl.ds(j * 16, 16)] = jnp.where(w == 0.0, 0.0, q)
        pltpu.async_copy(
            rows, out_hbm.at[pl.ds(base + m * MROWS, MROWS)], ssems[b]
        )

    fire(0, 0)
    fire(1, 1)
    squash(0, 0)
    fire(2, 2)
    squash(1, 1)

    NG = (MC - 4) // 3

    def group_body(i, _):
        m0 = 3 * i + 2
        for k in range(3):
            m = m0 + k
            wait_scatter(m - 2, k)
            fire(m + 1, k)
            squash(m, (2 + k) % 3)
        return 0

    lax.fori_loop(0, NG, group_body, 0)
    for m in range(3 * NG + 2, MC):
        wait_scatter(m - 2, (m + 1) % 3)
        if m + 1 < MC:
            fire(m + 1, (m + 1) % 3)
        squash(m, m % 3)
    wait_scatter(MC - 2, (MC - 2) % 3)
    wait_scatter(MC - 1, (MC - 1) % 3)


def kernel(input, weight):
    scale_bcast = _scale_bcast(weight)
    idx = input.T.reshape(NW, NCHUNK, CHUNK).astype(jnp.int32)
    out = _sc_lookup(idx, scale_bcast, weight)
    n, m = input.shape
    return out.reshape(m, n, DIM).transpose(1, 0, 2)

# --- scband reference (transcript-rebuilt; emitter-appended) ---
"""Pipeline reference for scband-quantized-embedding-86732569576133 (READ-ONLY COPY).

The authoritative reference and input builder live on the scoring server;
editing this copy changes nothing except your own understanding.
"""

import jax, jax.numpy as jnp
import numpy as np

NUM_EMBEDDINGS = 100000
EMBEDDING_DIM = 128
EPS = 1e-05


def quantize_tensor(w, eps):
    # 1-bit (sign) quantization with absmean scale, guarded by eps
    scale = jnp.maximum(jnp.mean(jnp.abs(w)), eps)
    return jnp.sign(w) * scale


def setup_inputs(seed: int = 0) -> dict:
    key = jax.random.key(seed)
    k1, k2 = jax.random.split(key)
    weight = jax.random.normal(k1, (NUM_EMBEDDINGS, EMBEDDING_DIM), dtype=jnp.float32)
    inp = jax.random.randint(k2, (4096, 50), 0, NUM_EMBEDDINGS)
    return {"input": inp, "weight": weight}


def reference(input, weight):
    quantized_weight = quantize_tensor(weight, EPS)
    return jnp.take(quantized_weight, input, axis=0)

if __name__ == "__main__":
    import jax
    _d = setup_inputs()
    print(jax.jit(kernel)(*tuple(_d.values())))

</pallas_src>

<mosaic_0001>
#map = affine_map<(d0, d1) -> (0, 0, 0)>
#map1 = affine_map<(d0, d1) -> (0, 0)>
module attributes {stable_mosaic.version = 14 : i64} {
  func.func @_sc_lookup(%arg0: i32, %arg1: i32, %arg2: memref<32x50x128xi32, #tpu.memory_space<hbm>>, %arg3: memref<8x128xf32, #tpu.memory_space<hbm>>, %arg4: memref<100000x128xf32, #tpu.memory_space<hbm>>, %arg5: memref<204800x128xf32, #tpu.memory_space<hbm>>, %arg6: memref<50x128xi32, #tpu.memory_space<vmem>>, %arg7: memref<256x128xf32, #tpu.memory_space<vmem>>, %arg8: memref<256x128xf32, #tpu.memory_space<vmem>>, %arg9: memref<256x128xf32, #tpu.memory_space<vmem>>, %arg10: memref<8x128xf32, #tpu.memory_space<vmem>>, %arg11: memref<!tpu.dma_semaphore, #tpu.memory_space<semaphore_mem>>, %arg12: memref<!tpu.dma_semaphore, #tpu.memory_space<semaphore_mem>>, %arg13: memref<!tpu.dma_semaphore, #tpu.memory_space<semaphore_mem>>, %arg14: memref<!tpu.dma_semaphore, #tpu.memory_space<semaphore_mem>>, %arg15: memref<!tpu.dma_semaphore, #tpu.memory_space<semaphore_mem>>, %arg16: memref<!tpu.dma_semaphore, #tpu.memory_space<semaphore_mem>>) attributes {dimension_semantics = [#tpu.dimension_semantics<core_parallel>, #tpu.dimension_semantics<subcore_parallel>], iteration_bounds = array<i64: 2, 16>, scalar_prefetch = 0 : i64, scratch_operands = 11 : i64, tpu.core_type = #tpu.core_type<sc_vector_subcore>, window_params = [{transform_indices = #map}, {transform_indices = #map1}, {transform_indices = #map1}, {transform_indices = #map1}]} {
    %mul3A = arith.constant 2 : i32
    %mul3A_0 = arith.muli %arg1, %mul3A : i32
    %add3A = arith.addi %mul3A_0, %arg0 : i32
    %mul3A_1 = arith.constant 6400 : i32
    %mul3A_2 = arith.muli %add3A, %mul3A_1 : i32
    "tpu.region"() ({
      %run_scoped3A = tpu.sem_alloc : memref<!tpu.dma_semaphore, #tpu.memory_space<semaphore_mem>>
      tpu.enqueue_dma source(%arg3 : memref<8x128xf32, #tpu.memory_space<hbm>>) target(%arg10 : memref<8x128xf32, #tpu.memory_space<vmem>>) target_semaphore(%run_scoped3A : memref<!tpu.dma_semaphore, #tpu.memory_space<semaphore_mem>>)
      tpu.wait_dma2 semaphore(%run_scoped3A : memref<!tpu.dma_semaphore, #tpu.memory_space<semaphore_mem>>) src(%arg3 : memref<8x128xf32, #tpu.memory_space<hbm>>) dst(%arg10 : memref<8x128xf32, #tpu.memory_space<vmem>>)
      tpu.yield
    }) : () -> ()
    "tpu.region"() ({
      %run_scoped3A = tpu.sem_alloc : memref<!tpu.dma_semaphore, #tpu.memory_space<semaphore_mem>>
      %dma_start3A_231 = arith.constant 0 : i32
      %dma_start3A_232 = arith.constant 0 : i32
      %dma_start3A_233 = tpu.memref_slice %arg2[%add3A, %dma_start3A_231, %dma_start3A_232] : memref<32x50x128xi32, #tpu.memory_space<hbm>> -> memref<1x50x128xi32, #tpu.memory_space<hbm>>
      %dma_start3A_234 = tpu.memref_squeeze %dma_start3A_233 : memref<1x50x128xi32, #tpu.memory_space<hbm>> -> memref<50x128xi32, #tpu.memory_space<hbm>>
      %dma_start3A_235 = arith.constant 0 : i32
      %dma_start3A_236 = arith.constant 0 : i32
      %dma_start3A_237 = tpu.memref_slice %arg2[%add3A, %dma_start3A_235, %dma_start3A_236] : memref<32x50x128xi32, #tpu.memory_space<hbm>> -> memref<1x50x128xi32, #tpu.memory_space<hbm>>
      %dma_start3A_238 = tpu.memref_squeeze %dma_start3A_237 : memref<1x50x128xi32, #tpu.memory_space<hbm>> -> memref<50x128xi32, #tpu.memory_space<hbm>>
      tpu.enqueue_dma source(%dma_start3A_238 : memref<50x128xi32, #tpu.memory_space<hbm>>) target(%arg6 : memref<50x128xi32, #tpu.memory_space<vmem>>) target_semaphore(%run_scoped3A : memref<!tpu.dma_semaphore, #tpu.memory_space<semaphore_mem>>)
      %dma_wait3A_239 = arith.constant 0 : i32
      %dma_wait3A_240 = arith.constant 0 : i32
      %dma_wait3A_241 = tpu.memref_slice %arg2[%add3A, %dma_wait3A_239, %dma_wait3A_240] : memref<32x50x128xi32, #tpu.memory_space<hbm>> -> memref<1x50x128xi32, #tpu.memory_space<hbm>>
      %dma_wait3A_242 = tpu.memref_squeeze %dma_wait3A_241 : memref<1x50x128xi32, #tpu.memory_space<hbm>> -> memref<50x128xi32, #tpu.memory_space<hbm>>
      %dma_wait3A_243 = arith.constant 0 : i32
      %dma_wait3A_244 = arith.constant 0 : i32
      %dma_wait3A_245 = tpu.memref_slice %arg2[%add3A, %dma_wait3A_243, %dma_wait3A_244] : memref<32x50x128xi32, #tpu.memory_space<hbm>> -> memref<1x50x128xi32, #tpu.memory_space<hbm>>
      %dma_wait3A_246 = tpu.memref_squeeze %dma_wait3A_245 : memref<1x50x128xi32, #tpu.memory_space<hbm>> -> memref<50x128xi32, #tpu.memory_space<hbm>>
      tpu.wait_dma2 semaphore(%run_scoped3A : memref<!tpu.dma_semaphore, #tpu.memory_space<semaphore_mem>>) src(%dma_wait3A_246 : memref<50x128xi32, #tpu.memory_space<hbm>>) dst(%arg6 : memref<50x128xi32, #tpu.memory_space<vmem>>)
      tpu.yield
    }) : () -> ()
    %get3A = arith.constant 0 : i32
    %get3A_3 = arith.index_cast %get3A : i32 to index
    %get3A_4 = arith.constant 0 : index
    %get3A_5 = tpu.vector_load %arg10[%get3A_3, %get3A_4] {strides = array<i32>} : memref<8x128xf32, #tpu.memory_space<vmem>>, vector<1x16xf32>,
    %get3A_6 = vector.shape_cast %get3A_5 : vector<1x16xf32> to vector<16xf32>
    %bitcast_convert_type3A = tpu.bitcast %get3A_6 : vector<16xf32> -> vector<16xi32>
    %broadcast_in_dim3A = arith.constant -2147483648 : i32
    %broadcast_in_dim3A_7 = vector.broadcast %broadcast_in_dim3A : i32 to vector<16xi32>
    %dma_start3A = arith.constant 0 : i32
    %dma_start3A_8 = arith.constant 0 : i32
    %dma_start3A_9 = arith.constant 0 : i32
    %dma_start3A_10 = tpu.memref_slice %arg7[%dma_start3A_8, %dma_start3A_9] : memref<256x128xf32, #tpu.memory_space<vmem>> -> memref<128x128xf32, #tpu.memory_space<vmem>>
    %dma_start3A_11 = arith.constant 0 : i32
    %dma_start3A_12 = tpu.memref_slice %arg6[%dma_start3A, %dma_start3A_11] : memref<50x128xi32, #tpu.memory_space<vmem>> -> memref<1x128xi32, #tpu.memory_space<vmem>>
    %dma_start3A_13 = tpu.memref_squeeze %dma_start3A_12 : memref<1x128xi32, #tpu.memory_space<vmem>> -> memref<128xi32, #tpu.memory_space<vmem>>
    %dma_start3A_14 = arith.constant 0 : i32
    %dma_start3A_15 = arith.constant 0 : i32
    %dma_start3A_16 = tpu.memref_slice %arg4[%dma_start3A_14, %dma_start3A_15] : memref<100000x128xf32, #tpu.memory_space<hbm>> -> memref<100000x128xf32, #tpu.memory_space<hbm>>
    tpu.enqueue_indirect_dma source(%dma_start3A_16 : memref<100000x128xf32, #tpu.memory_space<hbm>>) target(%dma_start3A_10 : memref<128x128xf32, #tpu.memory_space<vmem>>) offsets(%dma_start3A_13 : memref<128xi32, #tpu.memory_space<vmem>>) semaphore(%arg11 : memref<!tpu.dma_semaphore, #tpu.memory_space<semaphore_mem>>)
    %dma_start3A_17 = arith.constant 1 : i32
    %dma_start3A_18 = arith.constant 128 : i32
    %dma_start3A_19 = arith.constant 0 : i32
    %dma_start3A_20 = tpu.memref_slice %arg7[%dma_start3A_18, %dma_start3A_19] : memref<256x128xf32, #tpu.memory_space<vmem>> -> memref<128x128xf32, #tpu.memory_space<vmem>>
    %dma_start3A_21 = arith.constant 0 : i32
    %dma_start3A_22 = tpu.memref_slice %arg6[%dma_start3A_17, %dma_start3A_21] : memref<50x128xi32, #tpu.memory_space<vmem>> -> memref<1x128xi32, #tpu.memory_space<vmem>>
    %dma_start3A_23 = tpu.memref_squeeze %dma_start3A_22 : memref<1x128xi32, #tpu.memory_space<vmem>> -> memref<128xi32, #tpu.memory_space<vmem>>
    %dma_start3A_24 = arith.constant 0 : i32
    %dma_start3A_25 = arith.constant 0 : i32
    %dma_start3A_26 = tpu.memref_slice %arg4[%dma_start3A_24, %dma_start3A_25] : memref<100000x128xf32, #tpu.memory_space<hbm>> -> memref<100000x128xf32, #tpu.memory_space<hbm>>
    tpu.enqueue_indirect_dma source(%dma_start3A_26 : memref<100000x128xf32, #tpu.memory_space<hbm>>) target(%dma_start3A_20 : memref<128x128xf32, #tpu.memory_space<vmem>>) offsets(%dma_start3A_23 : memref<128xi32, #tpu.memory_space<vmem>>) semaphore(%arg11 : memref<!tpu.dma_semaphore, #tpu.memory_space<semaphore_mem>>)
    %dma_start3A_27 = arith.constant 2 : i32
    %dma_start3A_28 = arith.constant 0 : i32
    %dma_start3A_29 = arith.constant 0 : i32
    %dma_start3A_30 = tpu.memref_slice %arg8[%dma_start3A_28, %dma_start3A_29] : memref<256x128xf32, #tpu.memory_space<vmem>> -> memref<128x128xf32, #tpu.memory_space<vmem>>
    %dma_start3A_31 = arith.constant 0 : i32
    %dma_start3A_32 = tpu.memref_slice %arg6[%dma_start3A_27, %dma_start3A_31] : memref<50x128xi32, #tpu.memory_space<vmem>> -> memref<1x128xi32, #tpu.memory_space<vmem>>
    %dma_start3A_33 = tpu.memref_squeeze %dma_start3A_32 : memref<1x128xi32, #tpu.memory_space<vmem>> -> memref<128xi32, #tpu.memory_space<vmem>>
    %dma_start3A_34 = arith.constant 0 : i32
    %dma_start3A_35 = arith.constant 0 : i32
    %dma_start3A_36 = tpu.memref_slice %arg4[%dma_start3A_34, %dma_start3A_35] : memref<100000x128xf32, #tpu.memory_space<hbm>> -> memref<100000x128xf32, #tpu.memory_space<hbm>>
    tpu.enqueue_indirect_dma source(%dma_start3A_36 : memref<100000x128xf32, #tpu.memory_space<hbm>>) target(%dma_start3A_30 : memref<128x128xf32, #tpu.memory_space<vmem>>) offsets(%dma_start3A_33 : memref<128xi32, #tpu.memory_space<vmem>>) semaphore(%arg12 : memref<!tpu.dma_semaphore, #tpu.memory_space<semaphore_mem>>)
    %dma_start3A_37 = arith.constant 3 : i32
    %dma_start3A_38 = arith.constant 128 : i32
    %dma_start3A_39 = arith.constant 0 : i32
    %dma_start3A_40 = tpu.memref_slice %arg8[%dma_start3A_38, %dma_start3A_39] : memref<256x128xf32, #tpu.memory_space<vmem>> -> memref<128x128xf32, #tpu.memory_space<vmem>>
    %dma_start3A_41 = arith.constant 0 : i32
    %dma_start3A_42 = tpu.memref_slice %arg6[%dma_start3A_37, %dma_start3A_41] : memref<50x128xi32, #tpu.memory_space<vmem>> -> memref<1x128xi32, #tpu.memory_space<vmem>>
    %dma_start3A_43 = tpu.memref_squeeze %dma_start3A_42 : memref<1x128xi32, #tpu.memory_space<vmem>> -> memref<128xi32, #tpu.memory_space<vmem>>
    %dma_start3A_44 = arith.constant 0 : i32
    %dma_start3A_45 = arith.constant 0 : i32
    %dma_start3A_46 = tpu.memref_slice %arg4[%dma_start3A_44, %dma_start3A_45] : memref<100000x128xf32, #tpu.memory_space<hbm>> -> memref<100000x128xf32, #tpu.memory_space<hbm>>
    tpu.enqueue_indirect_dma source(%dma_start3A_46 : memref<100000x128xf32, #tpu.memory_space<hbm>>) target(%dma_start3A_40 : memref<128x128xf32, #tpu.memory_space<vmem>>) offsets(%dma_start3A_43 : memref<128xi32, #tpu.memory_space<vmem>>) semaphore(%arg12 : memref<!tpu.dma_semaphore, #tpu.memory_space<semaphore_mem>>)
    %dma_wait3A = arith.constant 0 : i32
    %dma_wait3A_47 = arith.constant 0 : i32
    %dma_wait3A_48 = arith.constant 0 : i32
    %dma_wait3A_49 = tpu.memref_slice %arg7[%dma_wait3A_47, %dma_wait3A_48] : memref<256x128xf32, #tpu.memory_space<vmem>> -> memref<128x128xf32, #tpu.memory_space<vmem>>
    %dma_wait3A_50 = arith.constant 0 : i32
    %dma_wait3A_51 = tpu.memref_slice %arg6[%dma_wait3A, %dma_wait3A_50] : memref<50x128xi32, #tpu.memory_space<vmem>> -> memref<1x128xi32, #tpu.memory_space<vmem>>
    %dma_wait3A_52 = tpu.memref_squeeze %dma_wait3A_51 : memref<1x128xi32, #tpu.memory_space<vmem>> -> memref<128xi32, #tpu.memory_space<vmem>>
    %dma_wait3A_53 = arith.constant 0 : i32
    %dma_wait3A_54 = arith.constant 0 : i32
    %dma_wait3A_55 = tpu.memref_slice %arg4[%dma_wait3A_53, %dma_wait3A_54] : memref<100000x128xf32, #tpu.memory_space<hbm>> -> memref<100000x128xf32, #tpu.memory_space<hbm>>
    tpu.wait_indirect_dma semaphore(%arg11 : memref<!tpu.dma_semaphore, #tpu.memory_space<semaphore_mem>>) src(%dma_wait3A_55 : memref<100000x128xf32, #tpu.memory_space<hbm>>) dst(%dma_wait3A_49 : memref<128x128xf32, #tpu.memory_space<vmem>>)
    %dma_wait3A_56 = arith.constant 1 : i32
    %dma_wait3A_57 = arith.constant 128 : i32
    %dma_wait3A_58 = arith.constant 0 : i32
    %dma_wait3A_59 = tpu.memref_slice %arg7[%dma_wait3A_57, %dma_wait3A_58] : memref<256x128xf32, #tpu.memory_space<vmem>> -> memref<128x128xf32, #tpu.memory_space<vmem>>
    %dma_wait3A_60 = arith.constant 0 : i32
    %dma_wait3A_61 = tpu.memref_slice %arg6[%dma_wait3A_56, %dma_wait3A_60] : memref<50x128xi32, #tpu.memory_space<vmem>> -> memref<1x128xi32, #tpu.memory_space<vmem>>
    %dma_wait3A_62 = tpu.memref_squeeze %dma_wait3A_61 : memref<1x128xi32, #tpu.memory_space<vmem>> -> memref<128xi32, #tpu.memory_space<vmem>>
    %dma_wait3A_63 = arith.constant 0 : i32
    %dma_wait3A_64 = arith.constant 0 : i32
    %dma_wait3A_65 = tpu.memref_slice %arg4[%dma_wait3A_63, %dma_wait3A_64] : memref<100000x128xf32, #tpu.memory_space<hbm>> -> memref<100000x128xf32, #tpu.memory_space<hbm>>
    tpu.wait_indirect_dma semaphore(%arg11 : memref<!tpu.dma_semaphore, #tpu.memory_space<semaphore_mem>>) src(%dma_wait3A_65 : memref<100000x128xf32, #tpu.memory_space<hbm>>) dst(%dma_wait3A_59 : memref<128x128xf32, #tpu.memory_space<vmem>>)
    %parallel_loop3A = arith.constant 0 : i32
    %parallel_loop3A_66 = arith.constant 256 : i32
    %parallel_loop3A_67 = arith.constant 1 : i32
    scf.for %parallel_loop3A_231 = %parallel_loop3A to %parallel_loop3A_66 step %parallel_loop3A_67  : i32 {
      %parallel_loop3A_232 = arith.index_cast %parallel_loop3A_231 : i32 to index
      %parallel_loop3A_233 = arith.constant 0 : index
      %parallel_loop3A_234 = tpu.vector_load %arg7[%parallel_loop3A_232, %parallel_loop3A_233] {strides = array<i32>} : memref<256x128xf32, #tpu.memory_space<vmem>>, vector<1x16xf32>,
      %parallel_loop3A_235 = vector.shape_cast %parallel_loop3A_234 : vector<1x16xf32> to vector<16xf32>
      %parallel_loop3A_236 = tpu.bitcast %parallel_loop3A_235 : vector<16xf32> -> vector<16xi32>
      %parallel_loop3A_237 = arith.andi %parallel_loop3A_236, %broadcast_in_dim3A_7 : vector<16xi32>
      %parallel_loop3A_238 = arith.ori %parallel_loop3A_237, %bitcast_convert_type3A : vector<16xi32>
      %parallel_loop3A_239 = tpu.bitcast %parallel_loop3A_238 : vector<16xi32> -> vector<16xf32>
      %parallel_loop3A_240 = arith.constant 0.000000e+00 : f32
      %parallel_loop3A_241 = vector.broadcast %parallel_loop3A_240 : f32 to vector<16xf32>
      %parallel_loop3A_242 = arith.cmpf oeq, %parallel_loop3A_235, %parallel_loop3A_241 : vector<16xf32>
      %parallel_loop3A_243 = arith.constant 0.000000e+00 : f32
      %parallel_loop3A_244 = vector.broadcast %parallel_loop3A_243 : f32 to vector<16xf32>
      %parallel_loop3A_245 = arith.select %parallel_loop3A_242, %parallel_loop3A_244, %parallel_loop3A_239 : vector<16xi1>, vector<16xf32>
      %parallel_loop3A_246 = arith.index_cast %parallel_loop3A_231 : i32 to index
      %parallel_loop3A_247 = arith.constant 0 : index
      %parallel_loop3A_248 = tpu.vector_load %arg7[%parallel_loop3A_246, %parallel_loop3A_247] {strides = array<i32>} : memref<256x128xf32, #tpu.memory_space<vmem>>, vector<1x16xf32>,
      %parallel_loop3A_249 = vector.shape_cast %parallel_loop3A_248 : vector<1x16xf32> to vector<16xf32>
      %parallel_loop3A_250 = vector.shape_cast %parallel_loop3A_245 : vector<16xf32> to vector<1x16xf32>
      tpu.vector_store %arg7[%parallel_loop3A_246, %parallel_loop3A_247], %parallel_loop3A_250 {strides = array<i32>} : memref<256x128xf32, #tpu.memory_space<vmem>>, vector<1x16xf32>,
      %parallel_loop3A_251 = arith.index_cast %parallel_loop3A_231 : i32 to index
      %parallel_loop3A_252 = arith.constant 16 : index
      %parallel_loop3A_253 = tpu.vector_load %arg7[%parallel_loop3A_251, %parallel_loop3A_252] {strides = array<i32>} : memref<256x128xf32, #tpu.memory_space<vmem>>, vector<1x16xf32>,
      %parallel_loop3A_254 = vector.shape_cast %parallel_loop3A_253 : vector<1x16xf32> to vector<16xf32>
      %parallel_loop3A_255 = tpu.bitcast %parallel_loop3A_254 : vector<16xf32> -> vector<16xi32>
      %parallel_loop3A_256 = arith.andi %parallel_loop3A_255, %broadcast_in_dim3A_7 : vector<16xi32>
      %parallel_loop3A_257 = arith.ori %parallel_loop3A_256, %bitcast_convert_type3A : vector<16xi32>
      %parallel_loop3A_258 = tpu.bitcast %parallel_loop3A_257 : vector<16xi32> -> vector<16xf32>
      %parallel_loop3A_259 = arith.constant 0.000000e+00 : f32
      %parallel_loop3A_260 = vector.broadcast %parallel_loop3A_259 : f32 to vector<16xf32>
      %parallel_loop3A_261 = arith.cmpf oeq, %parallel_loop3A_254, %parallel_loop3A_260 : vector<16xf32>
      %parallel_loop3A_262 = arith.constant 0.000000e+00 : f32
      %parallel_loop3A_263 = vector.broadcast %parallel_loop3A_262 : f32 to vector<16xf32>
      %parallel_loop3A_264 = arith.select %parallel_loop3A_261, %parallel_loop3A_263, %parallel_loop3A_258 : vector<16xi1>, vector<16xf32>
      %parallel_loop3A_265 = arith.index_cast %parallel_loop3A_231 : i32 to index
      %parallel_loop3A_266 = arith.constant 16 : index
      %parallel_loop3A_267 = tpu.vector_load %arg7[%parallel_loop3A_265, %parallel_loop3A_266] {strides = array<i32>} : memref<256x128xf32, #tpu.memory_space<vmem>>, vector<1x16xf32>,
      %parallel_loop3A_268 = vector.shape_cast %parallel_loop3A_267 : vector<1x16xf32> to vector<16xf32>
      %parallel_loop3A_269 = vector.shape_cast %parallel_loop3A_264 : vector<16xf32> to vector<1x16xf32>
      tpu.vector_store %arg7[%parallel_loop3A_265, %parallel_loop3A_266], %parallel_loop3A_269 {strides = array<i32>} : memref<256x128xf32, #tpu.memory_space<vmem>>, vector<1x16xf32>,
      %parallel_loop3A_270 = arith.index_cast %parallel_loop3A_231 : i32 to index
      %parallel_loop3A_271 = arith.constant 32 : index
      %parallel_loop3A_272 = tpu.vector_load %arg7[%parallel_loop3A_270, %parallel_loop3A_271] {strides = array<i32>} : memref<256x128xf32, #tpu.memory_space<vmem>>, vector<1x16xf32>,
      %parallel_loop3A_273 = vector.shape_cast %parallel_loop3A_272 : vector<1x16xf32> to vector<16xf32>
      %parallel_loop3A_274 = tpu.bitcast %parallel_loop3A_273 : vector<16xf32> -> vector<16xi32>
      %parallel_loop3A_275 = arith.andi %parallel_loop3A_274, %broadcast_in_dim3A_7 : vector<16xi32>
      %parallel_loop3A_276 = arith.ori %parallel_loop3A_275, %bitcast_convert_type3A : vector<16xi32>
      %parallel_loop3A_277 = tpu.bitcast %parallel_loop3A_276 : vector<16xi32> -> vector<16xf32>
      %parallel_loop3A_278 = arith.constant 0.000000e+00 : f32
      %parallel_loop3A_279 = vector.broadcast %parallel_loop3A_278 : f32 to vector<16xf32>
      %parallel_loop3A_280 = arith.cmpf oeq, %parallel_loop3A_273, %parallel_loop3A_279 : vector<16xf32>
      %parallel_loop3A_281 = arith.constant 0.000000e+00 : f32
      %parallel_loop3A_282 = vector.broadcast %parallel_loop3A_281 : f32 to vector<16xf32>
      %parallel_loop3A_283 = arith.select %parallel_loop3A_280, %parallel_loop3A_282, %parallel_loop3A_277 : vector<16xi1>, vector<16xf32>
      %parallel_loop3A_284 = arith.index_cast %parallel_loop3A_231 : i32 to index
      %parallel_loop3A_285 = arith.constant 32 : index
      %parallel_loop3A_286 = tpu.vector_load %arg7[%parallel_loop3A_284, %parallel_loop3A_285] {strides = array<i32>} : memref<256x128xf32, #tpu.memory_space<vmem>>, vector<1x16xf32>,
      %parallel_loop3A_287 = vector.shape_cast %parallel_loop3A_286 : vector<1x16xf32> to vector<16xf32>
      %parallel_loop3A_288 = vector.shape_cast %parallel_loop3A_283 : vector<16xf32> to vector<1x16xf32>
      tpu.vector_store %arg7[%parallel_loop3A_284, %parallel_loop3A_285], %parallel_loop3A_288 {strides = array<i32>} : memref<256x128xf32, #tpu.memory_space<vmem>>, vector<1x16xf32>,
      %parallel_loop3A_289 = arith.index_cast %parallel_loop3A_231 : i32 to index
      %parallel_loop3A_290 = arith.constant 48 : index
      %parallel_loop3A_291 = tpu.vector_load %arg7[%parallel_loop3A_289, %parallel_loop3A_290] {strides = array<i32>} : memref<256x128xf32, #tpu.memory_space<vmem>>, vector<1x16xf32>,
      %parallel_loop3A_292 = vector.shape_cast %parallel_loop3A_291 : vector<1x16xf32> to vector<16xf32>
      %parallel_loop3A_293 = tpu.bitcast %parallel_loop3A_292 : vector<16xf32> -> vector<16xi32>
      %parallel_loop3A_294 = arith.andi %parallel_loop3A_293, %broadcast_in_dim3A_7 : vector<16xi32>
      %parallel_loop3A_295 = arith.ori %parallel_loop3A_294, %bitcast_convert_type3A : vector<16xi32>
      %parallel_loop3A_296 = tpu.bitcast %parallel_loop3A_295 : vector<16xi32> -> vector<16xf32>
      %parallel_loop3A_297 = arith.constant 0.000000e+00 : f32
      %parallel_loop3A_298 = vector.broadcast %parallel_loop3A_297 : f32 to vector<16xf32>
      %parallel_loop3A_299 = arith.cmpf oeq, %parallel_loop3A_292, %parallel_loop3A_298 : vector<16xf32>
      %parallel_loop3A_300 = arith.constant 0.000000e+00 : f32
      %parallel_loop3A_301 = vector.broadcast %parallel_loop3A_300 : f32 to vector<16xf32>
      %parallel_loop3A_302 = arith.select %parallel_loop3A_299, %parallel_loop3A_301, %parallel_loop3A_296 : vector<16xi1>, vector<16xf32>
      %parallel_loop3A_303 = arith.index_cast %parallel_loop3A_231 : i32 to index
      %parallel_loop3A_304 = arith.constant 48 : index
      %parallel_loop3A_305 = tpu.vector_load %arg7[%parallel_loop3A_303, %parallel_loop3A_304] {strides = array<i32>} : memref<256x128xf32, #tpu.memory_space<vmem>>, vector<1x16xf32>,
      %parallel_loop3A_306 = vector.shape_cast %parallel_loop3A_305 : vector<1x16xf32> to vector<16xf32>
      %parallel_loop3A_307 = vector.shape_cast %parallel_loop3A_302 : vector<16xf32> to vector<1x16xf32>
      tpu.vector_store %arg7[%parallel_loop3A_303, %parallel_loop3A_304], %parallel_loop3A_307 {strides = array<i32>} : memref<256x128xf32, #tpu.memory_space<vmem>>, vector<1x16xf32>,
      %parallel_loop3A_308 = arith.index_cast %parallel_loop3A_231 : i32 to index
      %parallel_loop3A_309 = arith.constant 64 : index
      %parallel_loop3A_310 = tpu.vector_load %arg7[%parallel_loop3A_308, %parallel_loop3A_309] {strides = array<i32>} : memref<256x128xf32, #tpu.memory_space<vmem>>, vector<1x16xf32>,
      %parallel_loop3A_311 = vector.shape_cast %parallel_loop3A_310 : vector<1x16xf32> to vector<16xf32>
      %parallel_loop3A_312 = tpu.bitcast %parallel_loop3A_311 : vector<16xf32> -> vector<16xi32>
      %parallel_loop3A_313 = arith.andi %parallel_loop3A_312, %broadcast_in_dim3A_7 : vector<16xi32>
      %parallel_loop3A_314 = arith.ori %parallel_loop3A_313, %bitcast_convert_type3A : vector<16xi32>
      %parallel_loop3A_315 = tpu.bitcast %parallel_loop3A_314 : vector<16xi32> -> vector<16xf32>
      %parallel_loop3A_316 = arith.constant 0.000000e+00 : f32
      %parallel_loop3A_317 = vector.broadcast %parallel_loop3A_316 : f32 to vector<16xf32>
      %parallel_loop3A_318 = arith.cmpf oeq, %parallel_loop3A_311, %parallel_loop3A_317 : vector<16xf32>
      %parallel_loop3A_319 = arith.constant 0.000000e+00 : f32
      %parallel_loop3A_320 = vector.broadcast %parallel_loop3A_319 : f32 to vector<16xf32>
      %parallel_loop3A_321 = arith.select %parallel_loop3A_318, %parallel_loop3A_320, %parallel_loop3A_315 : vector<16xi1>, vector<16xf32>
      %parallel_loop3A_322 = arith.index_cast %parallel_loop3A_231 : i32 to index
      %parallel_loop3A_323 = arith.constant 64 : index
      %parallel_loop3A_324 = tpu.vector_load %arg7[%parallel_loop3A_322, %parallel_loop3A_323] {strides = array<i32>} : memref<256x128xf32, #tpu.memory_space<vmem>>, vector<1x16xf32>,
      %parallel_loop3A_325 = vector.shape_cast %parallel_loop3A_324 : vector<1x16xf32> to vector<16xf32>
      %parallel_loop3A_326 = vector.shape_cast %parallel_loop3A_321 : vector<16xf32> to vector<1x16xf32>
      tpu.vector_store %arg7[%parallel_loop3A_322, %parallel_loop3A_323], %parallel_loop3A_326 {strides = array<i32>} : memref<256x128xf32, #tpu.memory_space<vmem>>, vector<1x16xf32>,
      %parallel_loop3A_327 = arith.index_cast %parallel_loop3A_231 : i32 to index
      %parallel_loop3A_328 = arith.constant 80 : index
      %parallel_loop3A_329 = tpu.vector_load %arg7[%parallel_loop3A_327, %parallel_loop3A_328] {strides = array<i32>} : memref<256x128xf32, #tpu.memory_space<vmem>>, vector<1x16xf32>,
      %parallel_loop3A_330 = vector.shape_cast %parallel_loop3A_329 : vector<1x16xf32> to vector<16xf32>
      %parallel_loop3A_331 = tpu.bitcast %parallel_loop3A_330 : vector<16xf32> -> vector<16xi32>
      %parallel_loop3A_332 = arith.andi %parallel_loop3A_331, %broadcast_in_dim3A_7 : vector<16xi32>
      %parallel_loop3A_333 = arith.ori %parallel_loop3A_332, %bitcast_convert_type3A : vector<16xi32>
      %parallel_loop3A_334 = tpu.bitcast %parallel_loop3A_333 : vector<16xi32> -> vector<16xf32>
      %parallel_loop3A_335 = arith.constant 0.000000e+00 : f32
      %parallel_loop3A_336 = vector.broadcast %parallel_loop3A_335 : f32 to vector<16xf32>
      %parallel_loop3A_337 = arith.cmpf oeq, %parallel_loop3A_330, %parallel_loop3A_336 : vector<16xf32>
      %parallel_loop3A_338 = arith.constant 0.000000e+00 : f32
      %parallel_loop3A_339 = vector.broadcast %parallel_loop3A_338 : f32 to vector<16xf32>
      %parallel_loop3A_340 = arith.select %parallel_loop3A_337, %parallel_loop3A_339, %parallel_loop3A_334 : vector<16xi1>, vector<16xf32>
      %parallel_loop3A_341 = arith.index_cast %parallel_loop3A_231 : i32 to index
      %parallel_loop3A_342 = arith.constant 80 : index
      %parallel_loop3A_343 = tpu.vector_load %arg7[%parallel_loop3A_341, %parallel_loop3A_342] {strides = array<i32>} : memref<256x128xf32, #tpu.memory_space<vmem>>, vector<1x16xf32>,
      %parallel_loop3A_344 = vector.shape_cast %parallel_loop3A_343 : vector<1x16xf32> to vector<16xf32>
      %parallel_loop3A_345 = vector.shape_cast %parallel_loop3A_340 : vector<16xf32> to vector<1x16xf32>
      tpu.vector_store %arg7[%parallel_loop3A_341, %parallel_loop3A_342], %parallel_loop3A_345 {strides = array<i32>} : memref<256x128xf32, #tpu.memory_space<vmem>>, vector<1x16xf32>,
      %parallel_loop3A_346 = arith.index_cast %parallel_loop3A_231 : i32 to index
      %parallel_loop3A_347 = arith.constant 96 : index
      %parallel_loop3A_348 = tpu.vector_load %arg7[%parallel_loop3A_346, %parallel_loop3A_347] {strides = array<i32>} : memref<256x128xf32, #tpu.memory_space<vmem>>, vector<1x16xf32>,
      %parallel_loop3A_349 = vector.shape_cast %parallel_loop3A_348 : vector<1x16xf32> to vector<16xf32>
      %parallel_loop3A_350 = tpu.bitcast %parallel_loop3A_349 : vector<16xf32> -> vector<16xi32>
      %parallel_loop3A_351 = arith.andi %parallel_loop3A_350, %broadcast_in_dim3A_7 : vector<16xi32>
      %parallel_loop3A_352 = arith.ori %parallel_loop3A_351, %bitcast_convert_type3A : vector<16xi32>
      %parallel_loop3A_353 = tpu.bitcast %parallel_loop3A_352 : vector<16xi32> -> vector<16xf32>
      %parallel_loop3A_354 = arith.constant 0.000000e+00 : f32
      %parallel_loop3A_355 = vector.broadcast %parallel_loop3A_354 : f32 to vector<16xf32>
      %parallel_loop3A_356 = arith.cmpf oeq, %parallel_loop3A_349, %parallel_loop3A_355 : vector<16xf32>
      %parallel_loop3A_357 = arith.constant 0.000000e+00 : f32
      %parallel_loop3A_358 = vector.broadcast %parallel_loop3A_357 : f32 to vector<16xf32>
      %parallel_loop3A_359 = arith.select %parallel_loop3A_356, %parallel_loop3A_358, %parallel_loop3A_353 : vector<16xi1>, vector<16xf32>
      %parallel_loop3A_360 = arith.index_cast %parallel_loop3A_231 : i32 to index
      %parallel_loop3A_361 = arith.constant 96 : index
      %parallel_loop3A_362 = tpu.vector_load %arg7[%parallel_loop3A_360, %parallel_loop3A_361] {strides = array<i32>} : memref<256x128xf32, #tpu.memory_space<vmem>>, vector<1x16xf32>,
      %parallel_loop3A_363 = vector.shape_cast %parallel_loop3A_362 : vector<1x16xf32> to vector<16xf32>
      %parallel_loop3A_364 = vector.shape_cast %parallel_loop3A_359 : vector<16xf32> to vector<1x16xf32>
      tpu.vector_store %arg7[%parallel_loop3A_360, %parallel_loop3A_361], %parallel_loop3A_364 {strides = array<i32>} : memref<256x128xf32, #tpu.memory_space<vmem>>, vector<1x16xf32>,
      %parallel_loop3A_365 = arith.index_cast %parallel_loop3A_231 : i32 to index
      %parallel_loop3A_366 = arith.constant 112 : index
      %parallel_loop3A_367 = tpu.vector_load %arg7[%parallel_loop3A_365, %parallel_loop3A_366] {strides = array<i32>} : memref<256x128xf32, #tpu.memory_space<vmem>>, vector<1x16xf32>,
      %parallel_loop3A_368 = vector.shape_cast %parallel_loop3A_367 : vector<1x16xf32> to vector<16xf32>
      %parallel_loop3A_369 = tpu.bitcast %parallel_loop3A_368 : vector<16xf32> -> vector<16xi32>
      %parallel_loop3A_370 = arith.andi %parallel_loop3A_369, %broadcast_in_dim3A_7 : vector<16xi32>
      %parallel_loop3A_371 = arith.ori %parallel_loop3A_370, %bitcast_convert_type3A : vector<16xi32>
      %parallel_loop3A_372 = tpu.bitcast %parallel_loop3A_371 : vector<16xi32> -> vector<16xf32>
      %parallel_loop3A_373 = arith.constant 0.000000e+00 : f32
      %parallel_loop3A_374 = vector.broadcast %parallel_loop3A_373 : f32 to vector<16xf32>
      %parallel_loop3A_375 = arith.cmpf oeq, %parallel_loop3A_368, %parallel_loop3A_374 : vector<16xf32>
      %parallel_loop3A_376 = arith.constant 0.000000e+00 : f32
      %parallel_loop3A_377 = vector.broadcast %parallel_loop3A_376 : f32 to vector<16xf32>
      %parallel_loop3A_378 = arith.select %parallel_loop3A_375, %parallel_loop3A_377, %parallel_loop3A_372 : vector<16xi1>, vector<16xf32>
      %parallel_loop3A_379 = arith.index_cast %parallel_loop3A_231 : i32 to index
      %parallel_loop3A_380 = arith.constant 112 : index
      %parallel_loop3A_381 = tpu.vector_load %arg7[%parallel_loop3A_379, %parallel_loop3A_380] {strides = array<i32>} : memref<256x128xf32, #tpu.memory_space<vmem>>, vector<1x16xf32>,
      %parallel_loop3A_382 = vector.shape_cast %parallel_loop3A_381 : vector<1x16xf32> to vector<16xf32>
      %parallel_loop3A_383 = vector.shape_cast %parallel_loop3A_378 : vector<16xf32> to vector<1x16xf32>
      tpu.vector_store %arg7[%parallel_loop3A_379, %parallel_loop3A_380], %parallel_loop3A_383 {strides = array<i32>} : memref<256x128xf32, #tpu.memory_space<vmem>>, vector<1x16xf32>,
    } {sc.loop_unroll_factor = 2 : i64, sc.parallel_access}
    %add3A_68 = arith.constant 0 : i32
    %add3A_69 = arith.addi %mul3A_2, %add3A_68 : i32
    %dma_start3A_70 = arith.constant 0 : i32
    %dma_start3A_71 = tpu.memref_slice %arg5[%add3A_69, %dma_start3A_70] : memref<204800x128xf32, #tpu.memory_space<hbm>> -> memref<256x128xf32, #tpu.memory_space<hbm>>
    %dma_start3A_72 = arith.constant 0 : i32
    %dma_start3A_73 = tpu.memref_slice %arg5[%add3A_69, %dma_start3A_72] : memref<204800x128xf32, #tpu.memory_space<hbm>> -> memref<256x128xf32, #tpu.memory_space<hbm>>
    tpu.enqueue_dma source(%arg7 : memref<256x128xf32, #tpu.memory_space<vmem>>) target(%dma_start3A_73 : memref<256x128xf32, #tpu.memory_space<hbm>>) target_semaphore(%arg14 : memref<!tpu.dma_semaphore, #tpu.memory_space<semaphore_mem>>)
    %dma_start3A_74 = arith.constant 4 : i32
    %dma_start3A_75 = arith.constant 0 : i32
    %dma_start3A_76 = arith.constant 0 : i32
    %dma_start3A_77 = tpu.memref_slice %arg9[%dma_start3A_75, %dma_start3A_76] : memref<256x128xf32, #tpu.memory_space<vmem>> -> memref<128x128xf32, #tpu.memory_space<vmem>>
    %dma_start3A_78 = arith.constant 0 : i32
    %dma_start3A_79 = tpu.memref_slice %arg6[%dma_start3A_74, %dma_start3A_78] : memref<50x128xi32, #tpu.memory_space<vmem>> -> memref<1x128xi32, #tpu.memory_space<vmem>>
    %dma_start3A_80 = tpu.memref_squeeze %dma_start3A_79 : memref<1x128xi32, #tpu.memory_space<vmem>> -> memref<128xi32, #tpu.memory_space<vmem>>
    %dma_start3A_81 = arith.constant 0 : i32
    %dma_start3A_82 = arith.constant 0 : i32
    %dma_start3A_83 = tpu.memref_slice %arg4[%dma_start3A_81, %dma_start3A_82] : memref<100000x128xf32, #tpu.memory_space<hbm>> -> memref<100000x128xf32, #tpu.memory_space<hbm>>
    tpu.enqueue_indirect_dma source(%dma_start3A_83 : memref<100000x128xf32, #tpu.memory_space<hbm>>) target(%dma_start3A_77 : memref<128x128xf32, #tpu.memory_space<vmem>>) offsets(%dma_start3A_80 : memref<128xi32, #tpu.memory_space<vmem>>) semaphore(%arg13 : memref<!tpu.dma_semaphore, #tpu.memory_space<semaphore_mem>>)
    %dma_start3A_84 = arith.constant 5 : i32
    %dma_start3A_85 = arith.constant 128 : i32
    %dma_start3A_86 = arith.constant 0 : i32
    %dma_start3A_87 = tpu.memref_slice %arg9[%dma_start3A_85, %dma_start3A_86] : memref<256x128xf32, #tpu.memory_space<vmem>> -> memref<128x128xf32, #tpu.memory_space<vmem>>
    %dma_start3A_88 = arith.constant 0 : i32
    %dma_start3A_89 = tpu.memref_slice %arg6[%dma_start3A_84, %dma_start3A_88] : memref<50x128xi32, #tpu.memory_space<vmem>> -> memref<1x128xi32, #tpu.memory_space<vmem>>
    %dma_start3A_90 = tpu.memref_squeeze %dma_start3A_89 : memref<1x128xi32, #tpu.memory_space<vmem>> -> memref<128xi32, #tpu.memory_space<vmem>>
    %dma_start3A_91 = arith.constant 0 : i32
    %dma_start3A_92 = arith.constant 0 : i32
    %dma_start3A_93 = tpu.memref_slice %arg4[%dma_start3A_91, %dma_start3A_92] : memref<100000x128xf32, #tpu.memory_space<hbm>> -> memref<100000x128xf32, #tpu.memory_space<hbm>>
    tpu.enqueue_indirect_dma source(%dma_start3A_93 : memref<100000x128xf32, #tpu.memory_space<hbm>>) target(%dma_start3A_87 : memref<128x128xf32, #tpu.memory_space<vmem>>) offsets(%dma_start3A_90 : memref<128xi32, #tpu.memory_space<vmem>>) semaphore(%arg13 : memref<!tpu.dma_semaphore, #tpu.memory_space<semaphore_mem>>)
    %dma_wait3A_94 = arith.constant 2 : i32
    %dma_wait3A_95 = arith.constant 0 : i32
    %dma_wait3A_96 = arith.constant 0 : i32
    %dma_wait3A_97 = tpu.memref_slice %arg8[%dma_wait3A_95, %dma_wait3A_96] : memref<256x128xf32, #tpu.memory_space<vmem>> -> memref<128x128xf32, #tpu.memory_space<vmem>>
    %dma_wait3A_98 = arith.constant 0 : i32
    %dma_wait3A_99 = tpu.memref_slice %arg6[%dma_wait3A_94, %dma_wait3A_98] : memref<50x128xi32, #tpu.memory_space<vmem>> -> memref<1x128xi32, #tpu.memory_space<vmem>>
    %dma_wait3A_100 = tpu.memref_squeeze %dma_wait3A_99 : memref<1x128xi32, #tpu.memory_space<vmem>> -> memref<128xi32, #tpu.memory_space<vmem>>
    %dma_wait3A_101 = arith.constant 0 : i32
    %dma_wait3A_102 = arith.constant 0 : i32
    %dma_wait3A_103 = tpu.memref_slice %arg4[%dma_wait3A_101, %dma_wait3A_102] : memref<100000x128xf32, #tpu.memory_space<hbm>> -> memref<100000x128xf32, #tpu.memory_space<hbm>>
    tpu.wait_indirect_dma semaphore(%arg12 : memref<!tpu.dma_semaphore, #tpu.memory_space<semaphore_mem>>) src(%dma_wait3A_103 : memref<100000x128xf32, #tpu.memory_space<hbm>>) dst(%dma_wait3A_97 : memref<128x128xf32, #tpu.memory_space<vmem>>)
    %dma_wait3A_104 = arith.constant 3 : i32
    %dma_wait3A_105 = arith.constant 128 : i32
    %dma_wait3A_106 = arith.constant 0 : i32
    %dma_wait3A_107 = tpu.memref_slice %arg8[%dma_wait3A_105, %dma_wait3A_106] : memref<256x128xf32, #tpu.memory_space<vmem>> -> memref<128x128xf32, #tpu.memory_space<vmem>>
    %dma_wait3A_108 = arith.constant 0 : i32
    %dma_wait3A_109 = tpu.memref_slice %arg6[%dma_wait3A_104, %dma_wait3A_108] : memref<50x128xi32, #tpu.memory_space<vmem>> -> memref<1x128xi32, #tpu.memory_space<vmem>>
    %dma_wait3A_110 = tpu.memref_squeeze %dma_wait3A_109 : memref<1x128xi32, #tpu.memory_space<vmem>> -> memref<128xi32, #tpu.memory_space<vmem>>
    %dma_wait3A_111 = arith.constant 0 : i32
    %dma_wait3A_112 = arith.constant 0 : i32
    %dma_wait3A_113 = tpu.memref_slice %arg4[%dma_wait3A_111, %dma_wait3A_112] : memref<100000x128xf32, #tpu.memory_space<hbm>> -> memref<100000x128xf32, #tpu.memory_space<hbm>>
    tpu.wait_indirect_dma semaphore(%arg12 : memref<!tpu.dma_semaphore, #tpu.memory_space<semaphore_mem>>) src(%dma_wait3A_113 : memref<100000x128xf32, #tpu.memory_space<hbm>>) dst(%dma_wait3A_107 : memref<128x128xf32, #tpu.memory_space<vmem>>)
    %parallel_loop3A_114 = arith.constant 0 : i32
    %parallel_loop3A_115 = arith.constant 256 : i32
    %parallel_loop3A_116 = arith.constant 1 : i32
    scf.for %parallel_loop3A_231 = %parallel_loop3A_114 to %parallel_loop3A_115 step %parallel_loop3A_116  : i32 {
      %parallel_loop3A_232 = arith.index_cast %parallel_loop3A_231 : i32 to index
      %parallel_loop3A_233 = arith.constant 0 : index
      %parallel_loop3A_234 = tpu.vector_load %arg8[%parallel_loop3A_232, %parallel_loop3A_233] {strides = array<i32>} : memref<256x128xf32, #tpu.memory_space<vmem>>, vector<1x16xf32>,
      %parallel_loop3A_235 = vector.shape_cast %parallel_loop3A_234 : vector<1x16xf32> to vector<16xf32>
      %parallel_loop3A_236 = tpu.bitcast %parallel_loop3A_235 : vector<16xf32> -> vector<16xi32>
      %parallel_loop3A_237 = arith.andi %parallel_loop3A_236, %broadcast_in_dim3A_7 : vector<16xi32>
      %parallel_loop3A_238 = arith.ori %parallel_loop3A_237, %bitcast_convert_type3A : vector<16xi32>
      %parallel_loop3A_239 = tpu.bitcast %parallel_loop3A_238 : vector<16xi32> -> vector<16xf32>
      %parallel_loop3A_240 = arith.constant 0.000000e+00 : f32
      %parallel_loop3A_241 = vector.broadcast %parallel_loop3A_240 : f32 to vector<16xf32>
      %parallel_loop3A_242 = arith.cmpf oeq, %parallel_loop3A_235, %parallel_loop3A_241 : vector<16xf32>
      %parallel_loop3A_243 = arith.constant 0.000000e+00 : f32
      %parallel_loop3A_244 = vector.broadcast %parallel_loop3A_243 : f32 to vector<16xf32>
      %parallel_loop3A_245 = arith.select %parallel_loop3A_242, %parallel_loop3A_244, %parallel_loop3A_239 : vector<16xi1>, vector<16xf32>
      %parallel_loop3A_246 = arith.index_cast %parallel_loop3A_231 : i32 to index
      %parallel_loop3A_247 = arith.constant 0 : index
      %parallel_loop3A_248 = tpu.vector_load %arg8[%parallel_loop3A_246, %parallel_loop3A_247] {strides = array<i32>} : memref<256x128xf32, #tpu.memory_space<vmem>>, vector<1x16xf32>,
      %parallel_loop3A_249 = vector.shape_cast %parallel_loop3A_248 : vector<1x16xf32> to vector<16xf32>
      %parallel_loop3A_250 = vector.shape_cast %parallel_loop3A_245 : vector<16xf32> to vector<1x16xf32>
      tpu.vector_store %arg8[%parallel_loop3A_246, %parallel_loop3A_247], %parallel_loop3A_250 {strides = array<i32>} : memref<256x128xf32, #tpu.memory_space<vmem>>, vector<1x16xf32>,
      %parallel_loop3A_251 = arith.index_cast %parallel_loop3A_231 : i32 to index
      %parallel_loop3A_252 = arith.constant 16 : index
      %parallel_loop3A_253 = tpu.vector_load %arg8[%parallel_loop3A_251, %parallel_loop3A_252] {strides = array<i32>} : memref<256x128xf32, #tpu.memory_space<vmem>>, vector<1x16xf32>,
      %parallel_loop3A_254 = vector.shape_cast %parallel_loop3A_253 : vector<1x16xf32> to vector<16xf32>
      %parallel_loop3A_255 = tpu.bitcast %parallel_loop3A_254 : vector<16xf32> -> vector<16xi32>
      %parallel_loop3A_256 = arith.andi %parallel_loop3A_255, %broadcast_in_dim3A_7 : vector<16xi32>
      %parallel_loop3A_257 = arith.ori %parallel_loop3A_256, %bitcast_convert_type3A : vector<16xi32>
      %parallel_loop3A_258 = tpu.bitcast %parallel_loop3A_257 : vector<16xi32> -> vector<16xf32>
      %parallel_loop3A_259 = arith.constant 0.000000e+00 : f32
      %parallel_loop3A_260 = vector.broadcast %parallel_loop3A_259 : f32 to vector<16xf32>
      %parallel_loop3A_261 = arith.cmpf oeq, %parallel_loop3A_254, %parallel_loop3A_260 : vector<16xf32>
      %parallel_loop3A_262 = arith.constant 0.000000e+00 : f32
      %parallel_loop3A_263 = vector.broadcast %parallel_loop3A_262 : f32 to vector<16xf32>
      %parallel_loop3A_264 = arith.select %parallel_loop3A_261, %parallel_loop3A_263, %parallel_loop3A_258 : vector<16xi1>, vector<16xf32>
      %parallel_loop3A_265 = arith.index_cast %parallel_loop3A_231 : i32 to index
      %parallel_loop3A_266 = arith.constant 16 : index
      %parallel_loop3A_267 = tpu.vector_load %arg8[%parallel_loop3A_265, %parallel_loop3A_266] {strides = array<i32>} : memref<256x128xf32, #tpu.memory_space<vmem>>, vector<1x16xf32>,
      %parallel_loop3A_268 = vector.shape_cast %parallel_loop3A_267 : vector<1x16xf32> to vector<16xf32>
      %parallel_loop3A_269 = vector.shape_cast %parallel_loop3A_264 : vector<16xf32> to vector<1x16xf32>
      tpu.vector_store %arg8[%parallel_loop3A_265, %parallel_loop3A_266], %parallel_loop3A_269 {strides = array<i32>} : memref<256x128xf32, #tpu.memory_space<vmem>>, vector<1x16xf32>,
      %parallel_loop3A_270 = arith.index_cast %parallel_loop3A_231 : i32 to index
      %parallel_loop3A_271 = arith.constant 32 : index
      %parallel_loop3A_272 = tpu.vector_load %arg8[%parallel_loop3A_270, %parallel_loop3A_271] {strides = array<i32>} : memref<256x128xf32, #tpu.memory_space<vmem>>, vector<1x16xf32>,
      %parallel_loop3A_273 = vector.shape_cast %parallel_loop3A_272 : vector<1x16xf32> to vector<16xf32>
      %parallel_loop3A_274 = tpu.bitcast %parallel_loop3A_273 : vector<16xf32> -> vector<16xi32>
      %parallel_loop3A_275 = arith.andi %parallel_loop3A_274, %broadcast_in_dim3A_7 : vector<16xi32>
      %parallel_loop3A_276 = arith.ori %parallel_loop3A_275, %bitcast_convert_type3A : vector<16xi32>
      %parallel_loop3A_277 = tpu.bitcast %parallel_loop3A_276 : vector<16xi32> -> vector<16xf32>
      %parallel_loop3A_278 = arith.constant 0.000000e+00 : f32
      %parallel_loop3A_279 = vector.broadcast %parallel_loop3A_278 : f32 to vector<16xf32>
      %parallel_loop3A_280 = arith.cmpf oeq, %parallel_loop3A_273, %parallel_loop3A_279 : vector<16xf32>
      %parallel_loop3A_281 = arith.constant 0.000000e+00 : f32
      %parallel_loop3A_282 = vector.broadcast %parallel_loop3A_281 : f32 to vector<16xf32>
      %parallel_loop3A_283 = arith.select %parallel_loop3A_280, %parallel_loop3A_282, %parallel_loop3A_277 : vector<16xi1>, vector<16xf32>
      %parallel_loop3A_284 = arith.index_cast %parallel_loop3A_231 : i32 to index
      %parallel_loop3A_285 = arith.constant 32 : index
      %parallel_loop3A_286 = tpu.vector_load %arg8[%parallel_loop3A_284, %parallel_loop3A_285] {strides = array<i32>} : memref<256x128xf32, #tpu.memory_space<vmem>>, vector<1x16xf32>,
      %parallel_loop3A_287 = vector.shape_cast %parallel_loop3A_286 : vector<1x16xf32> to vector<16xf32>
      %parallel_loop3A_288 = vector.shape_cast %parallel_loop3A_283 : vector<16xf32> to vector<1x16xf32>
      tpu.vector_store %arg8[%parallel_loop3A_284, %parallel_loop3A_285], %parallel_loop3A_288 {strides = array<i32>} : memref<256x128xf32, #tpu.memory_space<vmem>>, vector<1x16xf32>,
      %parallel_loop3A_289 = arith.index_cast %parallel_loop3A_231 : i32 to index
      %parallel_loop3A_290 = arith.constant 48 : index
      %parallel_loop3A_291 = tpu.vector_load %arg8[%parallel_loop3A_289, %parallel_loop3A_290] {strides = array<i32>} : memref<256x128xf32, #tpu.memory_space<vmem>>, vector<1x16xf32>,
      %parallel_loop3A_292 = vector.shape_cast %parallel_loop3A_291 : vector<1x16xf32> to vector<16xf32>
      %parallel_loop3A_293 = tpu.bitcast %parallel_loop3A_292 : vector<16xf32> -> vector<16xi32>
      %parallel_loop3A_294 = arith.andi %parallel_loop3A_293, %broadcast_in_dim3A_7 : vector<16xi32>
      %parallel_loop3A_295 = arith.ori %parallel_loop3A_294, %bitcast_convert_type3A : vector<16xi32>
      %parallel_loop3A_296 = tpu.bitcast %parallel_loop3A_295 : vector<16xi32> -> vector<16xf32>
      %parallel_loop3A_297 = arith.constant 0.000000e+00 : f32
      %parallel_loop3A_298 = vector.broadcast %parallel_loop3A_297 : f32 to vector<16xf32>
      %parallel_loop3A_299 = arith.cmpf oeq, %parallel_loop3A_292, %parallel_loop3A_298 : vector<16xf32>
      %parallel_loop3A_300 = arith.constant 0.000000e+00 : f32
      %parallel_loop3A_301 = vector.broadcast %parallel_loop3A_300 : f32 to vector<16xf32>
      %parallel_loop3A_302 = arith.select %parallel_loop3A_299, %parallel_loop3A_301, %parallel_loop3A_296 : vector<16xi1>, vector<16xf32>
      %parallel_loop3A_303 = arith.index_cast %parallel_loop3A_231 : i32 to index
      %parallel_loop3A_304 = arith.constant 48 : index
      %parallel_loop3A_305 = tpu.vector_load %arg8[%parallel_loop3A_303, %parallel_loop3A_304] {strides = array<i32>} : memref<256x128xf32, #tpu.memory_space<vmem>>, vector<1x16xf32>,
      %parallel_loop3A_306 = vector.shape_cast %parallel_loop3A_305 : vector<1x16xf32> to vector<16xf32>
      %parallel_loop3A_307 = vector.shape_cast %parallel_loop3A_302 : vector<16xf32> to vector<1x16xf32>
      tpu.vector_store %arg8[%parallel_loop3A_303, %parallel_loop3A_304], %parallel_loop3A_307 {strides = array<i32>} : memref<256x128xf32, #tpu.memory_space<vmem>>, vector<1x16xf32>,
      %parallel_loop3A_308 = arith.index_cast %parallel_loop3A_231 : i32 to index
      %parallel_loop3A_309 = arith.constant 64 : index
      %parallel_loop3A_310 = tpu.vector_load %arg8[%parallel_loop3A_308, %parallel_loop3A_309] {strides = array<i32>} : memref<256x128xf32, #tpu.memory_space<vmem>>, vector<1x16xf32>,
      %parallel_loop3A_311 = vector.shape_cast %parallel_loop3A_310 : vector<1x16xf32> to vector<16xf32>
      %parallel_loop3A_312 = tpu.bitcast %parallel_loop3A_311 : vector<16xf32> -> vector<16xi32>
      %parallel_loop3A_313 = arith.andi %parallel_loop3A_312, %broadcast_in_dim3A_7 : vector<16xi32>
      %parallel_loop3A_314 = arith.ori %parallel_loop3A_313, %bitcast_convert_type3A : vector<16xi32>
      %parallel_loop3A_315 = tpu.bitcast %parallel_loop3A_314 : vector<16xi32> -> vector<16xf32>
      %parallel_loop3A_316 = arith.constant 0.000000e+00 : f32
      %parallel_loop3A_317 = vector.broadcast %parallel_loop3A_316 : f32 to vector<16xf32>
      %parallel_loop3A_318 = arith.cmpf oeq, %parallel_loop3A_311, %parallel_loop3A_317 : vector<16xf32>
      %parallel_loop3A_319 = arith.constant 0.000000e+00 : f32
      %parallel_loop3A_320 = vector.broadcast %parallel_loop3A_319 : f32 to vector<16xf32>
      %parallel_loop3A_321 = arith.select %parallel_loop3A_318, %parallel_loop3A_320, %parallel_loop3A_315 : vector<16xi1>, vector<16xf32>
      %parallel_loop3A_322 = arith.index_cast %parallel_loop3A_231 : i32 to index
      %parallel_loop3A_323 = arith.constant 64 : index
      %parallel_loop3A_324 = tpu.vector_load %arg8[%parallel_loop3A_322, %parallel_loop3A_323] {strides = array<i32>} : memref<256x128xf32, #tpu.memory_space<vmem>>, vector<1x16xf32>,
      %parallel_loop3A_325 = vector.shape_cast %parallel_loop3A_324 : vector<1x16xf32> to vector<16xf32>
      %parallel_loop3A_326 = vector.shape_cast %parallel_loop3A_321 : vector<16xf32> to vector<1x16xf32>
      tpu.vector_store %arg8[%parallel_loop3A_322, %parallel_loop3A_323], %parallel_loop3A_326 {strides = array<i32>} : memref<256x128xf32, #tpu.memory_space<vmem>>, vector<1x16xf32>,
      %parallel_loop3A_327 = arith.index_cast %parallel_loop3A_231 : i32 to index
      %parallel_loop3A_328 = arith.constant 80 : index
      %parallel_loop3A_329 = tpu.vector_load %arg8[%parallel_loop3A_327, %parallel_loop3A_328] {strides = array<i32>} : memref<256x128xf32, #tpu.memory_space<vmem>>, vector<1x16xf32>,
      %parallel_loop3A_330 = vector.shape_cast %parallel_loop3A_329 : vector<1x16xf32> to vector<16xf32>
      %parallel_loop3A_331 = tpu.bitcast %parallel_loop3A_330 : vector<16xf32> -> vector<16xi32>
      %parallel_loop3A_332 = arith.andi %parallel_loop3A_331, %broadcast_in_dim3A_7 : vector<16xi32>
      %parallel_loop3A_333 = arith.ori %parallel_loop3A_332, %bitcast_convert_type3A : vector<16xi32>
      %parallel_loop3A_334 = tpu.bitcast %parallel_loop3A_333 : vector<16xi32> -> vector<16xf32>
      %parallel_loop3A_335 = arith.constant 0.000000e+00 : f32
      %parallel_loop3A_336 = vector.broadcast %parallel_loop3A_335 : f32 to vector<16xf32>
      %parallel_loop3A_337 = arith.cmpf oeq, %parallel_loop3A_330, %parallel_loop3A_336 : vector<16xf32>
      %parallel_loop3A_338 = arith.constant 0.000000e+00 : f32
      %parallel_loop3A_339 = vector.broadcast %parallel_loop3A_338 : f32 to vector<16xf32>
      %parallel_loop3A_340 = arith.select %parallel_loop3A_337, %parallel_loop3A_339, %parallel_loop3A_334 : vector<16xi1>, vector<16xf32>
      %parallel_loop3A_341 = arith.index_cast %parallel_loop3A_231 : i32 to index
      %parallel_loop3A_342 = arith.constant 80 : index
      %parallel_loop3A_343 = tpu.vector_load %arg8[%parallel_loop3A_341, %parallel_loop3A_342] {strides = array<i32>} : memref<256x128xf32, #tpu.memory_space<vmem>>, vector<1x16xf32>,
      %parallel_loop3A_344 = vector.shape_cast %parallel_loop3A_343 : vector<1x16xf32> to vector<16xf32>
      %parallel_loop3A_345 = vector.shape_cast %parallel_loop3A_340 : vector<16xf32> to vector<1x16xf32>
      tpu.vector_store %arg8[%parallel_loop3A_341, %parallel_loop3A_342], %parallel_loop3A_345 {strides = array<i32>} : memref<256x128xf32, #tpu.memory_space<vmem>>, vector<1x16xf32>,
      %parallel_loop3A_346 = arith.index_cast %parallel_loop3A_231 : i32 to index
      %parallel_loop3A_347 = arith.constant 96 : index
      %parallel_loop3A_348 = tpu.vector_load %arg8[%parallel_loop3A_346, %parallel_loop3A_347] {strides = array<i32>} : memref<256x128xf32, #tpu.memory_space<vmem>>, vector<1x16xf32>,
      %parallel_loop3A_349 = vector.shape_cast %parallel_loop3A_348 : vector<1x16xf32> to vector<16xf32>
      %parallel_loop3A_350 = tpu.bitcast %parallel_loop3A_349 : vector<16xf32> -> vector<16xi32>
      %parallel_loop3A_351 = arith.andi %parallel_loop3A_350, %broadcast_in_dim3A_7 : vector<16xi32>
      %parallel_loop3A_352 = arith.ori %parallel_loop3A_351, %bitcast_convert_type3A : vector<16xi32>
      %parallel_loop3A_353 = tpu.bitcast %parallel_loop3A_352 : vector<16xi32> -> vector<16xf32>
      %parallel_loop3A_354 = arith.constant 0.000000e+00 : f32
      %parallel_loop3A_355 = vector.broadcast %parallel_loop3A_354 : f32 to vector<16xf32>
      %parallel_loop3A_356 = arith.cmpf oeq, %parallel_loop3A_349, %parallel_loop3A_355 : vector<16xf32>
      %parallel_loop3A_357 = arith.constant 0.000000e+00 : f32
      %parallel_loop3A_358 = vector.broadcast %parallel_loop3A_357 : f32 to vector<16xf32>
      %parallel_loop3A_359 = arith.select %parallel_loop3A_356, %parallel_loop3A_358, %parallel_loop3A_353 : vector<16xi1>, vector<16xf32>
      %parallel_loop3A_360 = arith.index_cast %parallel_loop3A_231 : i32 to index
      %parallel_loop3A_361 = arith.constant 96 : index
      %parallel_loop3A_362 = tpu.vector_load %arg8[%parallel_loop3A_360, %parallel_loop3A_361] {strides = array<i32>} : memref<256x128xf32, #tpu.memory_space<vmem>>, vector<1x16xf32>,
      %parallel_loop3A_363 = vector.shape_cast %parallel_loop3A_362 : vector<1x16xf32> to vector<16xf32>
      %parallel_loop3A_364 = vector.shape_cast %parallel_loop3A_359 : vector<16xf32> to vector<1x16xf32>
      tpu.vector_store %arg8[%parallel_loop3A_360, %parallel_loop3A_361], %parallel_loop3A_364 {strides = array<i32>} : memref<256x128xf32, #tpu.memory_space<vmem>>, vector<1x16xf32>,
      %parallel_loop3A_365 = arith.index_cast %parallel_loop3A_231 : i32 to index
      %parallel_loop3A_366 = arith.constant 112 : index
      %parallel_loop3A_367 = tpu.vector_load %arg8[%parallel_loop3A_365, %parallel_loop3A_366] {strides = array<i32>} : memref<256x128xf32, #tpu.memory_space<vmem>>, vector<1x16xf32>,
      %parallel_loop3A_368 = vector.shape_cast %parallel_loop3A_367 : vector<1x16xf32> to vector<16xf32>
      %parallel_loop3A_369 = tpu.bitcast %parallel_loop3A_368 : vector<16xf32> -> vector<16xi32>
      %parallel_loop3A_370 = arith.andi %parallel_loop3A_369, %broadcast_in_dim3A_7 : vector<16xi32>
      %parallel_loop3A_371 = arith.ori %parallel_loop3A_370, %bitcast_convert_type3A : vector<16xi32>
      %parallel_loop3A_372 = tpu.bitcast %parallel_loop3A_371 : vector<16xi32> -> vector<16xf32>
      %parallel_loop3A_373 = arith.constant 0.000000e+00 : f32
      %parallel_loop3A_374 = vector.broadcast %parallel_loop3A_373 : f32 to vector<16xf32>
      %parallel_loop3A_375 = arith.cmpf oeq, %parallel_loop3A_368, %parallel_loop3A_374 : vector<16xf32>
      %parallel_loop3A_376 = arith.constant 0.000000e+00 : f32
      %parallel_loop3A_377 = vector.broadcast %parallel_loop3A_376 : f32 to vector<16xf32>
      %parallel_loop3A_378 = arith.select %parallel_loop3A_375, %parallel_loop3A_377, %parallel_loop3A_372 : vector<16xi1>, vector<16xf32>
      %parallel_loop3A_379 = arith.index_cast %parallel_loop3A_231 : i32 to index
      %parallel_loop3A_380 = arith.constant 112 : index
      %parallel_loop3A_381 = tpu.vector_load %arg8[%parallel_loop3A_379, %parallel_loop3A_380] {strides = array<i32>} : memref<256x128xf32, #tpu.memory_space<vmem>>, vector<1x16xf32>,
      %parallel_loop3A_382 = vector.shape_cast %parallel_loop3A_381 : vector<1x16xf32> to vector<16xf32>
      %parallel_loop3A_383 = vector.shape_cast %parallel_loop3A_378 : vector<16xf32> to vector<1x16xf32>
      tpu.vector_store %arg8[%parallel_loop3A_379, %parallel_loop3A_380], %parallel_loop3A_383 {strides = array<i32>} : memref<256x128xf32, #tpu.memory_space<vmem>>, vector<1x16xf32>,
    } {sc.loop_unroll_factor = 2 : i64, sc.parallel_access}
    %add3A_117 = arith.constant 256 : i32
    %add3A_118 = arith.addi %mul3A_2, %add3A_117 : i32
    %dma_start3A_119 = arith.constant 0 : i32
    %dma_start3A_120 = tpu.memref_slice %arg5[%add3A_118, %dma_start3A_119] : memref<204800x128xf32, #tpu.memory_space<hbm>> -> memref<256x128xf32, #tpu.memory_space<hbm>>
    %dma_start3A_121 = arith.constant 0 : i32
    %dma_start3A_122 = tpu.memref_slice %arg5[%add3A_118, %dma_start3A_121] : memref<204800x128xf32, #tpu.memory_space<hbm>> -> memref<256x128xf32, #tpu.memory_space<hbm>>
    tpu.enqueue_dma source(%arg8 : memref<256x128xf32, #tpu.memory_space<vmem>>) target(%dma_start3A_122 : memref<256x128xf32, #tpu.memory_space<hbm>>) target_semaphore(%arg15 : memref<!tpu.dma_semaphore, #tpu.memory_space<semaphore_mem>>)
    %scan3A = arith.constant 0 : i32
    %scan3A_123 = arith.constant 0 : i32
    %scan3A_124 = arith.constant 7 : i32
    %scan3A_125 = arith.addi %scan3A_123, %scan3A_124 : i32
    %scan3A_126 = arith.constant 1 : i32
    %scan3A_127 = scf.for %scan3A_231 = %scan3A_123 to %scan3A_125 step %scan3A_126 iter_args(%scan3A_232 = %scan3A) -> (i32)  : i32 {
      %mul3A_233 = arith.constant 3 : i32
      %mul3A_234 = arith.muli %mul3A_233, %scan3A_231 : i32
      %add3A_235 = arith.constant 2 : i32
      %add3A_236 = arith.addi %mul3A_234, %add3A_235 : i32
      %add3A_237 = arith.constant 0 : i32
      %add3A_238 = arith.addi %add3A_236, %add3A_237 : i32
      %sub3A = arith.constant 2 : i32
      %sub3A_239 = arith.subi %add3A_238, %sub3A : i32
      %mul3A_240 = arith.constant 256 : i32
      %mul3A_241 = arith.muli %sub3A_239, %mul3A_240 : i32
      %add3A_242 = arith.addi %mul3A_2, %mul3A_241 : i32
      %dma_wait3A_243 = arith.constant 0 : i32
      %dma_wait3A_244 = tpu.memref_slice %arg5[%add3A_242, %dma_wait3A_243] : memref<204800x128xf32, #tpu.memory_space<hbm>> -> memref<256x128xf32, #tpu.memory_space<hbm>>
      %dma_wait3A_245 = arith.constant 0 : i32
      %dma_wait3A_246 = tpu.memref_slice %arg5[%add3A_242, %dma_wait3A_245] : memref<204800x128xf32, #tpu.memory_space<hbm>> -> memref<256x128xf32, #tpu.memory_space<hbm>>
      tpu.wait_dma2 semaphore(%arg14 : memref<!tpu.dma_semaphore, #tpu.memory_space<semaphore_mem>>) src(%arg7 : memref<256x128xf32, #tpu.memory_space<vmem>>) dst(%dma_wait3A_246 : memref<256x128xf32, #tpu.memory_space<hbm>>)
      %add3A_247 = arith.constant 1 : i32
      %add3A_248 = arith.addi %add3A_238, %add3A_247 : i32
      %mul3A_249 = arith.constant 2 : i32
      %mul3A_250 = arith.muli %add3A_248, %mul3A_249 : i32
      %add3A_251 = arith.constant 0 : i32
      %add3A_252 = arith.addi %mul3A_250, %add3A_251 : i32
      %dma_start3A_253 = arith.constant 0 : i32
      %dma_start3A_254 = arith.constant 0 : i32
      %dma_start3A_255 = tpu.memref_slice %arg7[%dma_start3A_253, %dma_start3A_254] : memref<256x128xf32, #tpu.memory_space<vmem>> -> memref<128x128xf32, #tpu.memory_space<vmem>>
      %dma_start3A_256 = arith.constant 0 : i32
      %dma_start3A_257 = tpu.memref_slice %arg6[%add3A_252, %dma_start3A_256] : memref<50x128xi32, #tpu.memory_space<vmem>> -> memref<1x128xi32, #tpu.memory_space<vmem>>
      %dma_start3A_258 = tpu.memref_squeeze %dma_start3A_257 : memref<1x128xi32, #tpu.memory_space<vmem>> -> memref<128xi32, #tpu.memory_space<vmem>>
      %dma_start3A_259 = arith.constant 0 : i32
      %dma_start3A_260 = arith.constant 0 : i32
      %dma_start3A_261 = tpu.memref_slice %arg4[%dma_start3A_259, %dma_start3A_260] : memref<100000x128xf32, #tpu.memory_space<hbm>> -> memref<100000x128xf32, #tpu.memory_space<hbm>>
      tpu.enqueue_indirect_dma source(%dma_start3A_261 : memref<100000x128xf32, #tpu.memory_space<hbm>>) target(%dma_start3A_255 : memref<128x128xf32, #tpu.memory_space<vmem>>) offsets(%dma_start3A_258 : memref<128xi32, #tpu.memory_space<vmem>>) semaphore(%arg11 : memref<!tpu.dma_semaphore, #tpu.memory_space<semaphore_mem>>)
      %mul3A_262 = arith.constant 2 : i32
      %mul3A_263 = arith.muli %add3A_248, %mul3A_262 : i32
      %add3A_264 = arith.constant 1 : i32
      %add3A_265 = arith.addi %mul3A_263, %add3A_264 : i32
      %dma_start3A_266 = arith.constant 128 : i32
      %dma_start3A_267 = arith.constant 0 : i32
      %dma_start3A_268 = tpu.memref_slice %arg7[%dma_start3A_266, %dma_start3A_267] : memref<256x128xf32, #tpu.memory_space<vmem>> -> memref<128x128xf32, #tpu.memory_space<vmem>>
      %dma_start3A_269 = arith.constant 0 : i32
      %dma_start3A_270 = tpu.memref_slice %arg6[%add3A_265, %dma_start3A_269] : memref<50x128xi32, #tpu.memory_space<vmem>> -> memref<1x128xi32, #tpu.memory_space<vmem>>
      %dma_start3A_271 = tpu.memref_squeeze %dma_start3A_270 : memref<1x128xi32, #tpu.memory_space<vmem>> -> memref<128xi32, #tpu.memory_space<vmem>>
      %dma_start3A_272 = arith.constant 0 : i32
      %dma_start3A_273 = arith.constant 0 : i32
      %dma_start3A_274 = tpu.memref_slice %arg4[%dma_start3A_272, %dma_start3A_273] : memref<100000x128xf32, #tpu.memory_space<hbm>> -> memref<100000x128xf32, #tpu.memory_space<hbm>>
      tpu.enqueue_indirect_dma source(%dma_start3A_274 : memref<100000x128xf32, #tpu.memory_space<hbm>>) target(%dma_start3A_268 : memref<128x128xf32, #tpu.memory_space<vmem>>) offsets(%dma_start3A_271 : memref<128xi32, #tpu.memory_space<vmem>>) semaphore(%arg11 : memref<!tpu.dma_semaphore, #tpu.memory_space<semaphore_mem>>)
      %mul3A_275 = arith.constant 2 : i32
      %mul3A_276 = arith.muli %add3A_238, %mul3A_275 : i32
      %add3A_277 = arith.constant 0 : i32
      %add3A_278 = arith.addi %mul3A_276, %add3A_277 : i32
      %dma_wait3A_279 = arith.constant 0 : i32
      %dma_wait3A_280 = arith.constant 0 : i32
      %dma_wait3A_281 = tpu.memref_slice %arg9[%dma_wait3A_279, %dma_wait3A_280] : memref<256x128xf32, #tpu.memory_space<vmem>> -> memref<128x128xf32, #tpu.memory_space<vmem>>
      %dma_wait3A_282 = arith.constant 0 : i32
      %dma_wait3A_283 = tpu.memref_slice %arg6[%add3A_278, %dma_wait3A_282] : memref<50x128xi32, #tpu.memory_space<vmem>> -> memref<1x128xi32, #tpu.memory_space<vmem>>
      %dma_wait3A_284 = tpu.memref_squeeze %dma_wait3A_283 : memref<1x128xi32, #tpu.memory_space<vmem>> -> memref<128xi32, #tpu.memory_space<vmem>>
      %dma_wait3A_285 = arith.constant 0 : i32
      %dma_wait3A_286 = arith.constant 0 : i32
      %dma_wait3A_287 = tpu.memref_slice %arg4[%dma_wait3A_285, %dma_wait3A_286] : memref<100000x128xf32, #tpu.memory_space<hbm>> -> memref<100000x128xf32, #tpu.memory_space<hbm>>
      tpu.wait_indirect_dma semaphore(%arg13 : memref<!tpu.dma_semaphore, #tpu.memory_space<semaphore_mem>>) src(%dma_wait3A_287 : memref<100000x128xf32, #tpu.memory_space<hbm>>) dst(%dma_wait3A_281 : memref<128x128xf32, #tpu.memory_space<vmem>>)
      %mul3A_288 = arith.constant 2 : i32
      %mul3A_289 = arith.muli %add3A_238, %mul3A_288 : i32
      %add3A_290 = arith.constant 1 : i32
      %add3A_291 = arith.addi %mul3A_289, %add3A_290 : i32
      %dma_wait3A_292 = arith.constant 128 : i32
      %dma_wait3A_293 = arith.constant 0 : i32
      %dma_wait3A_294 = tpu.memref_slice %arg9[%dma_wait3A_292, %dma_wait3A_293] : memref<256x128xf32, #tpu.memory_space<vmem>> -> memref<128x128xf32, #tpu.memory_space<vmem>>
      %dma_wait3A_295 = arith.constant 0 : i32
      %dma_wait3A_296 = tpu.memref_slice %arg6[%add3A_291, %dma_wait3A_295] : memref<50x128xi32, #tpu.memory_space<vmem>> -> memref<1x128xi32, #tpu.memory_space<vmem>>
      %dma_wait3A_297 = tpu.memref_squeeze %dma_wait3A_296 : memref<1x128xi32, #tpu.memory_space<vmem>> -> memref<128xi32, #tpu.memory_space<vmem>>
      %dma_wait3A_298 = arith.constant 0 : i32
      %dma_wait3A_299 = arith.constant 0 : i32
      %dma_wait3A_300 = tpu.memref_slice %arg4[%dma_wait3A_298, %dma_wait3A_299] : memref<100000x128xf32, #tpu.memory_space<hbm>> -> memref<100000x128xf32, #tpu.memory_space<hbm>>
      tpu.wait_indirect_dma semaphore(%arg13 : memref<!tpu.dma_semaphore, #tpu.memory_space<semaphore_mem>>) src(%dma_wait3A_300 : memref<100000x128xf32, #tpu.memory_space<hbm>>) dst(%dma_wait3A_294 : memref<128x128xf32, #tpu.memory_space<vmem>>)
      %parallel_loop3A_301 = arith.constant 0 : i32
      %parallel_loop3A_302 = arith.constant 256 : i32
      %parallel_loop3A_303 = arith.constant 1 : i32
      scf.for %parallel_loop3A_462 = %parallel_loop3A_301 to %parallel_loop3A_302 step %parallel_loop3A_303  : i32 {
        %parallel_loop3A_463 = arith.index_cast %parallel_loop3A_462 : i32 to index
        %parallel_loop3A_464 = arith.constant 0 : index
        %parallel_loop3A_465 = tpu.vector_load %arg9[%parallel_loop3A_463, %parallel_loop3A_464] {strides = array<i32>} : memref<256x128xf32, #tpu.memory_space<vmem>>, vector<1x16xf32>,
        %parallel_loop3A_466 = vector.shape_cast %parallel_loop3A_465 : vector<1x16xf32> to vector<16xf32>
        %parallel_loop3A_467 = tpu.bitcast %parallel_loop3A_466 : vector<16xf32> -> vector<16xi32>
        %parallel_loop3A_468 = arith.andi %parallel_loop3A_467, %broadcast_in_dim3A_7 : vector<16xi32>
        %parallel_loop3A_469 = arith.ori %parallel_loop3A_468, %bitcast_convert_type3A : vector<16xi32>
        %parallel_loop3A_470 = tpu.bitcast %parallel_loop3A_469 : vector<16xi32> -> vector<16xf32>
        %parallel_loop3A_471 = arith.constant 0.000000e+00 : f32
        %parallel_loop3A_472 = vector.broadcast %parallel_loop3A_471 : f32 to vector<16xf32>
        %parallel_loop3A_473 = arith.cmpf oeq, %parallel_loop3A_466, %parallel_loop3A_472 : vector<16xf32>
        %parallel_loop3A_474 = arith.constant 0.000000e+00 : f32
        %parallel_loop3A_475 = vector.broadcast %parallel_loop3A_474 : f32 to vector<16xf32>
        %parallel_loop3A_476 = arith.select %parallel_loop3A_473, %parallel_loop3A_475, %parallel_loop3A_470 : vector<16xi1>, vector<16xf32>
        %parallel_loop3A_477 = arith.index_cast %parallel_loop3A_462 : i32 to index
        %parallel_loop3A_478 = arith.constant 0 : index
        %parallel_loop3A_479 = tpu.vector_load %arg9[%parallel_loop3A_477, %parallel_loop3A_478] {strides = array<i32>} : memref<256x128xf32, #tpu.memory_space<vmem>>, vector<1x16xf32>,
        %parallel_loop3A_480 = vector.shape_cast %parallel_loop3A_479 : vector<1x16xf32> to vector<16xf32>
        %parallel_loop3A_481 = vector.shape_cast %parallel_loop3A_476 : vector<16xf32> to vector<1x16xf32>
        tpu.vector_store %arg9[%parallel_loop3A_477, %parallel_loop3A_478], %parallel_loop3A_481 {strides = array<i32>} : memref<256x128xf32, #tpu.memory_space<vmem>>, vector<1x16xf32>,
        %parallel_loop3A_482 = arith.index_cast %parallel_loop3A_462 : i32 to index
        %parallel_loop3A_483 = arith.constant 16 : index
        %parallel_loop3A_484 = tpu.vector_load %arg9[%parallel_loop3A_482, %parallel_loop3A_483] {strides = array<i32>} : memref<256x128xf32, #tpu.memory_space<vmem>>, vector<1x16xf32>,
        %parallel_loop3A_485 = vector.shape_cast %parallel_loop3A_484 : vector<1x16xf32> to vector<16xf32>
        %parallel_loop3A_486 = tpu.bitcast %parallel_loop3A_485 : vector<16xf32> -> vector<16xi32>
        %parallel_loop3A_487 = arith.andi %parallel_loop3A_486, %broadcast_in_dim3A_7 : vector<16xi32>
        %parallel_loop3A_488 = arith.ori %parallel_loop3A_487, %bitcast_convert_type3A : vector<16xi32>
        %parallel_loop3A_489 = tpu.bitcast %parallel_loop3A_488 : vector<16xi32> -> vector<16xf32>
        %parallel_loop3A_490 = arith.constant 0.000000e+00 : f32
        %parallel_loop3A_491 = vector.broadcast %parallel_loop3A_490 : f32 to vector<16xf32>
        %parallel_loop3A_492 = arith.cmpf oeq, %parallel_loop3A_485, %parallel_loop3A_491 : vector<16xf32>
        %parallel_loop3A_493 = arith.constant 0.000000e+00 : f32
        %parallel_loop3A_494 = vector.broadcast %parallel_loop3A_493 : f32 to vector<16xf32>
        %parallel_loop3A_495 = arith.select %parallel_loop3A_492, %parallel_loop3A_494, %parallel_loop3A_489 : vector<16xi1>, vector<16xf32>
        %parallel_loop3A_496 = arith.index_cast %parallel_loop3A_462 : i32 to index
        %parallel_loop3A_497 = arith.constant 16 : index
        %parallel_loop3A_498 = tpu.vector_load %arg9[%parallel_loop3A_496, %parallel_loop3A_497] {strides = array<i32>} : memref<256x128xf32, #tpu.memory_space<vmem>>, vector<1x16xf32>,
        %parallel_loop3A_499 = vector.shape_cast %parallel_loop3A_498 : vector<1x16xf32> to vector<16xf32>
        %parallel_loop3A_500 = vector.shape_cast %parallel_loop3A_495 : vector<16xf32> to vector<1x16xf32>
        tpu.vector_store %arg9[%parallel_loop3A_496, %parallel_loop3A_497], %parallel_loop3A_500 {strides = array<i32>} : memref<256x128xf32, #tpu.memory_space<vmem>>, vector<1x16xf32>,
        %parallel_loop3A_501 = arith.index_cast %parallel_loop3A_462 : i32 to index
        %parallel_loop3A_502 = arith.constant 32 : index
        %parallel_loop3A_503 = tpu.vector_load %arg9[%parallel_loop3A_501, %parallel_loop3A_502] {strides = array<i32>} : memref<256x128xf32, #tpu.memory_space<vmem>>, vector<1x16xf32>,
        %parallel_loop3A_504 = vector.shape_cast %parallel_loop3A_503 : vector<1x16xf32> to vector<16xf32>
        %parallel_loop3A_505 = tpu.bitcast %parallel_loop3A_504 : vector<16xf32> -> vector<16xi32>
        %parallel_loop3A_506 = arith.andi %parallel_loop3A_505, %broadcast_in_dim3A_7 : vector<16xi32>
        %parallel_loop3A_507 = arith.ori %parallel_loop3A_506, %bitcast_convert_type3A : vector<16xi32>
        %parallel_loop3A_508 = tpu.bitcast %parallel_loop3A_507 : vector<16xi32> -> vector<16xf32>
        %parallel_loop3A_509 = arith.constant 0.000000e+00 : f32
        %parallel_loop3A_510 = vector.broadcast %parallel_loop3A_509 : f32 to vector<16xf32>
        %parallel_loop3A_511 = arith.cmpf oeq, %parallel_loop3A_504, %parallel_loop3A_510 : vector<16xf32>
        %parallel_loop3A_512 = arith.constant 0.000000e+00 : f32
        %parallel_loop3A_513 = vector.broadcast %parallel_loop3A_512 : f32 to vector<16xf32>
        %parallel_loop3A_514 = arith.select %parallel_loop3A_511, %parallel_loop3A_513, %parallel_loop3A_508 : vector<16xi1>, vector<16xf32>
        %parallel_loop3A_515 = arith.index_cast %parallel_loop3A_462 : i32 to index
        %parallel_loop3A_516 = arith.constant 32 : index
        %parallel_loop3A_517 = tpu.vector_load %arg9[%parallel_loop3A_515, %parallel_loop3A_516] {strides = array<i32>} : memref<256x128xf32, #tpu.memory_space<vmem>>, vector<1x16xf32>,
        %parallel_loop3A_518 = vector.shape_cast %parallel_loop3A_517 : vector<1x16xf32> to vector<16xf32>
        %parallel_loop3A_519 = vector.shape_cast %parallel_loop3A_514 : vector<16xf32> to vector<1x16xf32>
        tpu.vector_store %arg9[%parallel_loop3A_515, %parallel_loop3A_516], %parallel_loop3A_519 {strides = array<i32>} : memref<256x128xf32, #tpu.memory_space<vmem>>, vector<1x16xf32>,
        %parallel_loop3A_520 = arith.index_cast %parallel_loop3A_462 : i32 to index
        %parallel_loop3A_521 = arith.constant 48 : index
        %parallel_loop3A_522 = tpu.vector_load %arg9[%parallel_loop3A_520, %parallel_loop3A_521] {strides = array<i32>} : memref<256x128xf32, #tpu.memory_space<vmem>>, vector<1x16xf32>,
        %parallel_loop3A_523 = vector.shape_cast %parallel_loop3A_522 : vector<1x16xf32> to vector<16xf32>
        %parallel_loop3A_524 = tpu.bitcast %parallel_loop3A_523 : vector<16xf32> -> vector<16xi32>
        %parallel_loop3A_525 = arith.andi %parallel_loop3A_524, %broadcast_in_dim3A_7 : vector<16xi32>
        %parallel_loop3A_526 = arith.ori %parallel_loop3A_525, %bitcast_convert_type3A : vector<16xi32>
        %parallel_loop3A_527 = tpu.bitcast %parallel_loop3A_526 : vector<16xi32> -> vector<16xf32>
        %parallel_loop3A_528 = arith.constant 0.000000e+00 : f32
        %parallel_loop3A_529 = vector.broadcast %parallel_loop3A_528 : f32 to vector<16xf32>
        %parallel_loop3A_530 = arith.cmpf oeq, %parallel_loop3A_523, %parallel_loop3A_529 : vector<16xf32>
        %parallel_loop3A_531 = arith.constant 0.000000e+00 : f32
        %parallel_loop3A_532 = vector.broadcast %parallel_loop3A_531 : f32 to vector<16xf32>
        %parallel_loop3A_533 = arith.select %parallel_loop3A_530, %parallel_loop3A_532, %parallel_loop3A_527 : vector<16xi1>, vector<16xf32>
        %parallel_loop3A_534 = arith.index_cast %parallel_loop3A_462 : i32 to index
        %parallel_loop3A_535 = arith.constant 48 : index
        %parallel_loop3A_536 = tpu.vector_load %arg9[%parallel_loop3A_534, %parallel_loop3A_535] {strides = array<i32>} : memref<256x128xf32, #tpu.memory_space<vmem>>, vector<1x16xf32>,
        %parallel_loop3A_537 = vector.shape_cast %parallel_loop3A_536 : vector<1x16xf32> to vector<16xf32>
        %parallel_loop3A_538 = vector.shape_cast %parallel_loop3A_533 : vector<16xf32> to vector<1x16xf32>
        tpu.vector_store %arg9[%parallel_loop3A_534, %parallel_loop3A_535], %parallel_loop3A_538 {strides = array<i32>} : memref<256x128xf32, #tpu.memory_space<vmem>>, vector<1x16xf32>,
        %parallel_loop3A_539 = arith.index_cast %parallel_loop3A_462 : i32 to index
        %parallel_loop3A_540 = arith.constant 64 : index
        %parallel_loop3A_541 = tpu.vector_load %arg9[%parallel_loop3A_539, %parallel_loop3A_540] {strides = array<i32>} : memref<256x128xf32, #tpu.memory_space<vmem>>, vector<1x16xf32>,
        %parallel_loop3A_542 = vector.shape_cast %parallel_loop3A_541 : vector<1x16xf32> to vector<16xf32>
        %parallel_loop3A_543 = tpu.bitcast %parallel_loop3A_542 : vector<16xf32> -> vector<16xi32>
        %parallel_loop3A_544 = arith.andi %parallel_loop3A_543, %broadcast_in_dim3A_7 : vector<16xi32>
        %parallel_loop3A_545 = arith.ori %parallel_loop3A_544, %bitcast_convert_type3A : vector<16xi32>
        %parallel_loop3A_546 = tpu.bitcast %parallel_loop3A_545 : vector<16xi32> -> vector<16xf32>
        %parallel_loop3A_547 = arith.constant 0.000000e+00 : f32
        %parallel_loop3A_548 = vector.broadcast %parallel_loop3A_547 : f32 to vector<16xf32>
        %parallel_loop3A_549 = arith.cmpf oeq, %parallel_loop3A_542, %parallel_loop3A_548 : vector<16xf32>
        %parallel_loop3A_550 = arith.constant 0.000000e+00 : f32
        %parallel_loop3A_551 = vector.broadcast %parallel_loop3A_550 : f32 to vector<16xf32>
        %parallel_loop3A_552 = arith.select %parallel_loop3A_549, %parallel_loop3A_551, %parallel_loop3A_546 : vector<16xi1>, vector<16xf32>
        %parallel_loop3A_553 = arith.index_cast %parallel_loop3A_462 : i32 to index
        %parallel_loop3A_554 = arith.constant 64 : index
        %parallel_loop3A_555 = tpu.vector_load %arg9[%parallel_loop3A_553, %parallel_loop3A_554] {strides = array<i32>} : memref<256x128xf32, #tpu.memory_space<vmem>>, vector<1x16xf32>,
        %parallel_loop3A_556 = vector.shape_cast %parallel_loop3A_555 : vector<1x16xf32> to vector<16xf32>
        %parallel_loop3A_557 = vector.shape_cast %parallel_loop3A_552 : vector<16xf32> to vector<1x16xf32>
        tpu.vector_store %arg9[%parallel_loop3A_553, %parallel_loop3A_554], %parallel_loop3A_557 {strides = array<i32>} : memref<256x128xf32, #tpu.memory_space<vmem>>, vector<1x16xf32>,
        %parallel_loop3A_558 = arith.index_cast %parallel_loop3A_462 : i32 to index
        %parallel_loop3A_559 = arith.constant 80 : index
        %parallel_loop3A_560 = tpu.vector_load %arg9[%parallel_loop3A_558, %parallel_loop3A_559] {strides = array<i32>} : memref<256x128xf32, #tpu.memory_space<vmem>>, vector<1x16xf32>,
        %parallel_loop3A_561 = vector.shape_cast %parallel_loop3A_560 : vector<1x16xf32> to vector<16xf32>
        %parallel_loop3A_562 = tpu.bitcast %parallel_loop3A_561 : vector<16xf32> -> vector<16xi32>
        %parallel_loop3A_563 = arith.andi %parallel_loop3A_562, %broadcast_in_dim3A_7 : vector<16xi32>
        %parallel_loop3A_564 = arith.ori %parallel_loop3A_563, %bitcast_convert_type3A : vector<16xi32>
        %parallel_loop3A_565 = tpu.bitcast %parallel_loop3A_564 : vector<16xi32> -> vector<16xf32>
        %parallel_loop3A_566 = arith.constant 0.000000e+00 : f32
        %parallel_loop3A_567 = vector.broadcast %parallel_loop3A_566 : f32 to vector<16xf32>
        %parallel_loop3A_568 = arith.cmpf oeq, %parallel_loop3A_561, %parallel_loop3A_567 : vector<16xf32>
        %parallel_loop3A_569 = arith.constant 0.000000e+00 : f32
        %parallel_loop3A_570 = vector.broadcast %parallel_loop3A_569 : f32 to vector<16xf32>
        %parallel_loop3A_571 = arith.select %parallel_loop3A_568, %parallel_loop3A_570, %parallel_loop3A_565 : vector<16xi1>, vector<16xf32>
        %parallel_loop3A_572 = arith.index_cast %parallel_loop3A_462 : i32 to index
        %parallel_loop3A_573 = arith.constant 80 : index
        %parallel_loop3A_574 = tpu.vector_load %arg9[%parallel_loop3A_572, %parallel_loop3A_573] {strides = array<i32>} : memref<256x128xf32, #tpu.memory_space<vmem>>, vector<1x16xf32>,
        %parallel_loop3A_575 = vector.shape_cast %parallel_loop3A_574 : vector<1x16xf32> to vector<16xf32>
        %parallel_loop3A_576 = vector.shape_cast %parallel_loop3A_571 : vector<16xf32> to vector<1x16xf32>
        tpu.vector_store %arg9[%parallel_loop3A_572, %parallel_loop3A_573], %parallel_loop3A_576 {strides = array<i32>} : memref<256x128xf32, #tpu.memory_space<vmem>>, vector<1x16xf32>,
        %parallel_loop3A_577 = arith.index_cast %parallel_loop3A_462 : i32 to index
        %parallel_loop3A_578 = arith.constant 96 : index
        %parallel_loop3A_579 = tpu.vector_load %arg9[%parallel_loop3A_577, %parallel_loop3A_578] {strides = array<i32>} : memref<256x128xf32, #tpu.memory_space<vmem>>, vector<1x16xf32>,
        %parallel_loop3A_580 = vector.shape_cast %parallel_loop3A_579 : vector<1x16xf32> to vector<16xf32>
        %parallel_loop3A_581 = tpu.bitcast %parallel_loop3A_580 : vector<16xf32> -> vector<16xi32>
        %parallel_loop3A_582 = arith.andi %parallel_loop3A_581, %broadcast_in_dim3A_7 : vector<16xi32>
        %parallel_loop3A_583 = arith.ori %parallel_loop3A_582, %bitcast_convert_type3A : vector<16xi32>
        %parallel_loop3A_584 = tpu.bitcast %parallel_loop3A_583 : vector<16xi32> -> vector<16xf32>
        %parallel_loop3A_585 = arith.constant 0.000000e+00 : f32
        %parallel_loop3A_586 = vector.broadcast %parallel_loop3A_585 : f32 to vector<16xf32>
        %parallel_loop3A_587 = arith.cmpf oeq, %parallel_loop3A_580, %parallel_loop3A_586 : vector<16xf32>
        %parallel_loop3A_588 = arith.constant 0.000000e+00 : f32
        %parallel_loop3A_589 = vector.broadcast %parallel_loop3A_588 : f32 to vector<16xf32>
        %parallel_loop3A_590 = arith.select %parallel_loop3A_587, %parallel_loop3A_589, %parallel_loop3A_584 : vector<16xi1>, vector<16xf32>
        %parallel_loop3A_591 = arith.index_cast %parallel_loop3A_462 : i32 to index
        %parallel_loop3A_592 = arith.constant 96 : index
        %parallel_loop3A_593 = tpu.vector_load %arg9[%parallel_loop3A_591, %parallel_loop3A_592] {strides = array<i32>} : memref<256x128xf32, #tpu.memory_space<vmem>>, vector<1x16xf32>,
        %parallel_loop3A_594 = vector.shape_cast %parallel_loop3A_593 : vector<1x16xf32> to vector<16xf32>
        %parallel_loop3A_595 = vector.shape_cast %parallel_loop3A_590 : vector<16xf32> to vector<1x16xf32>
        tpu.vector_store %arg9[%parallel_loop3A_591, %parallel_loop3A_592], %parallel_loop3A_595 {strides = array<i32>} : memref<256x128xf32, #tpu.memory_space<vmem>>, vector<1x16xf32>,
        %parallel_loop3A_596 = arith.index_cast %parallel_loop3A_462 : i32 to index
        %parallel_loop3A_597 = arith.constant 112 : index
        %parallel_loop3A_598 = tpu.vector_load %arg9[%parallel_loop3A_596, %parallel_loop3A_597] {strides = array<i32>} : memref<256x128xf32, #tpu.memory_space<vmem>>, vector<1x16xf32>,
        %parallel_loop3A_599 = vector.shape_cast %parallel_loop3A_598 : vector<1x16xf32> to vector<16xf32>
        %parallel_loop3A_600 = tpu.bitcast %parallel_loop3A_599 : vector<16xf32> -> vector<16xi32>
        %parallel_loop3A_601 = arith.andi %parallel_loop3A_600, %broadcast_in_dim3A_7 : vector<16xi32>
        %parallel_loop3A_602 = arith.ori %parallel_loop3A_601, %bitcast_convert_type3A : vector<16xi32>
        %parallel_loop3A_603 = tpu.bitcast %parallel_loop3A_602 : vector<16xi32> -> vector<16xf32>
        %parallel_loop3A_604 = arith.constant 0.000000e+00 : f32
        %parallel_loop3A_605 = vector.broadcast %parallel_loop3A_604 : f32 to vector<16xf32>
        %parallel_loop3A_606 = arith.cmpf oeq, %parallel_loop3A_599, %parallel_loop3A_605 : vector<16xf32>
        %parallel_loop3A_607 = arith.constant 0.000000e+00 : f32
        %parallel_loop3A_608 = vector.broadcast %parallel_loop3A_607 : f32 to vector<16xf32>
        %parallel_loop3A_609 = arith.select %parallel_loop3A_606, %parallel_loop3A_608, %parallel_loop3A_603 : vector<16xi1>, vector<16xf32>
        %parallel_loop3A_610 = arith.index_cast %parallel_loop3A_462 : i32 to index
        %parallel_loop3A_611 = arith.constant 112 : index
        %parallel_loop3A_612 = tpu.vector_load %arg9[%parallel_loop3A_610, %parallel_loop3A_611] {strides = array<i32>} : memref<256x128xf32, #tpu.memory_space<vmem>>, vector<1x16xf32>,
        %parallel_loop3A_613 = vector.shape_cast %parallel_loop3A_612 : vector<1x16xf32> to vector<16xf32>
        %parallel_loop3A_614 = vector.shape_cast %parallel_loop3A_609 : vector<16xf32> to vector<1x16xf32>
        tpu.vector_store %arg9[%parallel_loop3A_610, %parallel_loop3A_611], %parallel_loop3A_614 {strides = array<i32>} : memref<256x128xf32, #tpu.memory_space<vmem>>, vector<1x16xf32>,
      } {sc.loop_unroll_factor = 2 : i64, sc.parallel_access}
      %mul3A_304 = arith.constant 256 : i32
      %mul3A_305 = arith.muli %add3A_238, %mul3A_304 : i32
      %add3A_306 = arith.addi %mul3A_2, %mul3A_305 : i32
      %dma_start3A_307 = arith.constant 0 : i32
      %dma_start3A_308 = tpu.memref_slice %arg5[%add3A_306, %dma_start3A_307] : memref<204800x128xf32, #tpu.memory_space<hbm>> -> memref<256x128xf32, #tpu.memory_space<hbm>>
      %dma_start3A_309 = arith.constant 0 : i32
      %dma_start3A_310 = tpu.memref_slice %arg5[%add3A_306, %dma_start3A_309] : memref<204800x128xf32, #tpu.memory_space<hbm>> -> memref<256x128xf32, #tpu.memory_space<hbm>>
      tpu.enqueue_dma source(%arg9 : memref<256x128xf32, #tpu.memory_space<vmem>>) target(%dma_start3A_310 : memref<256x128xf32, #tpu.memory_space<hbm>>) target_semaphore(%arg16 : memref<!tpu.dma_semaphore, #tpu.memory_space<semaphore_mem>>)
      %add3A_311 = arith.constant 1 : i32
      %add3A_312 = arith.addi %add3A_236, %add3A_311 : i32
      %sub3A_313 = arith.constant 2 : i32
      %sub3A_314 = arith.subi %add3A_312, %sub3A_313 : i32
      %mul3A_315 = arith.constant 256 : i32
      %mul3A_316 = arith.muli %sub3A_314, %mul3A_315 : i32
      %add3A_317 = arith.addi %mul3A_2, %mul3A_316 : i32
      %dma_wait3A_318 = arith.constant 0 : i32
      %dma_wait3A_319 = tpu.memref_slice %arg5[%add3A_317, %dma_wait3A_318] : memref<204800x128xf32, #tpu.memory_space<hbm>> -> memref<256x128xf32, #tpu.memory_space<hbm>>
      %dma_wait3A_320 = arith.constant 0 : i32
      %dma_wait3A_321 = tpu.memref_slice %arg5[%add3A_317, %dma_wait3A_320] : memref<204800x128xf32, #tpu.memory_space<hbm>> -> memref<256x128xf32, #tpu.memory_space<hbm>>
      tpu.wait_dma2 semaphore(%arg15 : memref<!tpu.dma_semaphore, #tpu.memory_space<semaphore_mem>>) src(%arg8 : memref<256x128xf32, #tpu.memory_space<vmem>>) dst(%dma_wait3A_321 : memref<256x128xf32, #tpu.memory_space<hbm>>)
      %add3A_322 = arith.constant 1 : i32
      %add3A_323 = arith.addi %add3A_312, %add3A_322 : i32
      %mul3A_324 = arith.constant 2 : i32
      %mul3A_325 = arith.muli %add3A_323, %mul3A_324 : i32
      %add3A_326 = arith.constant 0 : i32
      %add3A_327 = arith.addi %mul3A_325, %add3A_326 : i32
      %dma_start3A_328 = arith.constant 0 : i32
      %dma_start3A_329 = arith.constant 0 : i32
      %dma_start3A_330 = tpu.memref_slice %arg8[%dma_start3A_328, %dma_start3A_329] : memref<256x128xf32, #tpu.memory_space<vmem>> -> memref<128x128xf32, #tpu.memory_space<vmem>>
      %dma_start3A_331 = arith.constant 0 : i32
      %dma_start3A_332 = tpu.memref_slice %arg6[%add3A_327, %dma_start3A_331] : memref<50x128xi32, #tpu.memory_space<vmem>> -> memref<1x128xi32, #tpu.memory_space<vmem>>
      %dma_start3A_333 = tpu.memref_squeeze %dma_start3A_332 : memref<1x128xi32, #tpu.memory_space<vmem>> -> memref<128xi32, #tpu.memory_space<vmem>>
      %dma_start3A_334 = arith.constant 0 : i32
      %dma_start3A_335 = arith.constant 0 : i32
      %dma_start3A_336 = tpu.memref_slice %arg4[%dma_start3A_334, %dma_start3A_335] : memref<100000x128xf32, #tpu.memory_space<hbm>> -> memref<100000x128xf32, #tpu.memory_space<hbm>>
      tpu.enqueue_indirect_dma source(%dma_start3A_336 : memref<100000x128xf32, #tpu.memory_space<hbm>>) target(%dma_start3A_330 : memref<128x128xf32, #tpu.memory_space<vmem>>) offsets(%dma_start3A_333 : memref<128xi32, #tpu.memory_space<vmem>>) semaphore(%arg12 : memref<!tpu.dma_semaphore, #tpu.memory_space<semaphore_mem>>)
      %mul3A_337 = arith.constant 2 : i32
      %mul3A_338 = arith.muli %add3A_323, %mul3A_337 : i32
      %add3A_339 = arith.constant 1 : i32
      %add3A_340 = arith.addi %mul3A_338, %add3A_339 : i32
      %dma_start3A_341 = arith.constant 128 : i32
      %dma_start3A_342 = arith.constant 0 : i32
      %dma_start3A_343 = tpu.memref_slice %arg8[%dma_start3A_341, %dma_start3A_342] : memref<256x128xf32, #tpu.memory_space<vmem>> -> memref<128x128xf32, #tpu.memory_space<vmem>>
      %dma_start3A_344 = arith.constant 0 : i32
      %dma_start3A_345 = tpu.memref_slice %arg6[%add3A_340, %dma_start3A_344] : memref<50x128xi32, #tpu.memory_space<vmem>> -> memref<1x128xi32, #tpu.memory_space<vmem>>
      %dma_start3A_346 = tpu.memref_squeeze %dma_start3A_345 : memref<1x128xi32, #tpu.memory_space<vmem>> -> memref<128xi32, #tpu.memory_space<vmem>>
      %dma_start3A_347 = arith.constant 0 : i32
      %dma_start3A_348 = arith.constant 0 : i32
      %dma_start3A_349 = tpu.memref_slice %arg4[%dma_start3A_347, %dma_start3A_348] : memref<100000x128xf32, #tpu.memory_space<hbm>> -> memref<100000x128xf32, #tpu.memory_space<hbm>>
      tpu.enqueue_indirect_dma source(%dma_start3A_349 : memref<100000x128xf32, #tpu.memory_space<hbm>>) target(%dma_start3A_343 : memref<128x128xf32, #tpu.memory_space<vmem>>) offsets(%dma_start3A_346 : memref<128xi32, #tpu.memory_space<vmem>>) semaphore(%arg12 : memref<!tpu.dma_semaphore, #tpu.memory_space<semaphore_mem>>)
      %mul3A_350 = arith.constant 2 : i32
      %mul3A_351 = arith.muli %add3A_312, %mul3A_350 : i32
      %add3A_352 = arith.constant 0 : i32
      %add3A_353 = arith.addi %mul3A_351, %add3A_352 : i32
      %dma_wait3A_354 = arith.constant 0 : i32
      %dma_wait3A_355 = arith.constant 0 : i32
      %dma_wait3A_356 = tpu.memref_slice %arg7[%dma_wait3A_354, %dma_wait3A_355] : memref<256x128xf32, #tpu.memory_space<vmem>> -> memref<128x128xf32, #tpu.memory_space<vmem>>
      %dma_wait3A_357 = arith.constant 0 : i32
      %dma_wait3A_358 = tpu.memref_slice %arg6[%add3A_353, %dma_wait3A_357] : memref<50x128xi32, #tpu.memory_space<vmem>> -> memref<1x128xi32, #tpu.memory_space<vmem>>
      %dma_wait3A_359 = tpu.memref_squeeze %dma_wait3A_358 : memref<1x128xi32, #tpu.memory_space<vmem>> -> memref<128xi32, #tpu.memory_space<vmem>>
      %dma_wait3A_360 = arith.constant 0 : i32
      %dma_wait3A_361 = arith.constant 0 : i32
      %dma_wait3A_362 = tpu.memref_slice %arg4[%dma_wait3A_360, %dma_wait3A_361] : memref<100000x128xf32, #tpu.memory_space<hbm>> -> memref<100000x128xf32, #tpu.memory_space<hbm>>
      tpu.wait_indirect_dma semaphore(%arg11 : memref<!tpu.dma_semaphore, #tpu.memory_space<semaphore_mem>>) src(%dma_wait3A_362 : memref<100000x128xf32, #tpu.memory_space<hbm>>) dst(%dma_wait3A_356 : memref<128x128xf32, #tpu.memory_space<vmem>>)
      %mul3A_363 = arith.constant 2 : i32
      %mul3A_364 = arith.muli %add3A_312, %mul3A_363 : i32
      %add3A_365 = arith.constant 1 : i32
      %add3A_366 = arith.addi %mul3A_364, %add3A_365 : i32
      %dma_wait3A_367 = arith.constant 128 : i32
      %dma_wait3A_368 = arith.constant 0 : i32
      %dma_wait3A_369 = tpu.memref_slice %arg7[%dma_wait3A_367, %dma_wait3A_368] : memref<256x128xf32, #tpu.memory_space<vmem>> -> memref<128x128xf32, #tpu.memory_space<vmem>>
      %dma_wait3A_370 = arith.constant 0 : i32
      %dma_wait3A_371 = tpu.memref_slice %arg6[%add3A_366, %dma_wait3A_370] : memref<50x128xi32, #tpu.memory_space<vmem>> -> memref<1x128xi32, #tpu.memory_space<vmem>>
      %dma_wait3A_372 = tpu.memref_squeeze %dma_wait3A_371 : memref<1x128xi32, #tpu.memory_space<vmem>> -> memref<128xi32, #tpu.memory_space<vmem>>
      %dma_wait3A_373 = arith.constant 0 : i32
      %dma_wait3A_374 = arith.constant 0 : i32
      %dma_wait3A_375 = tpu.memref_slice %arg4[%dma_wait3A_373, %dma_wait3A_374] : memref<100000x128xf32, #tpu.memory_space<hbm>> -> memref<100000x128xf32, #tpu.memory_space<hbm>>
      tpu.wait_indirect_dma semaphore(%arg11 : memref<!tpu.dma_semaphore, #tpu.memory_space<semaphore_mem>>) src(%dma_wait3A_375 : memref<100000x128xf32, #tpu.memory_space<hbm>>) dst(%dma_wait3A_369 : memref<128x128xf32, #tpu.memory_space<vmem>>)
      %parallel_loop3A_376 = arith.constant 0 : i32
      %parallel_loop3A_377 = arith.constant 256 : i32
      %parallel_loop3A_378 = arith.constant 1 : i32
      scf.for %parallel_loop3A_462 = %parallel_loop3A_376 to %parallel_loop3A_377 step %parallel_loop3A_378  : i32 {
        %parallel_loop3A_463 = arith.index_cast %parallel_loop3A_462 : i32 to index
        %parallel_loop3A_464 = arith.constant 0 : index
        %parallel_loop3A_465 = tpu.vector_load %arg7[%parallel_loop3A_463, %parallel_loop3A_464] {strides = array<i32>} : memref<256x128xf32, #tpu.memory_space<vmem>>, vector<1x16xf32>,
        %parallel_loop3A_466 = vector.shape_cast %parallel_loop3A_465 : vector<1x16xf32> to vector<16xf32>
        %parallel_loop3A_467 = tpu.bitcast %parallel_loop3A_466 : vector<16xf32> -> vector<16xi32>
        %parallel_loop3A_468 = arith.andi %parallel_loop3A_467, %broadcast_in_dim3A_7 : vector<16xi32>
        %parallel_loop3A_469 = arith.ori %parallel_loop3A_468, %bitcast_convert_type3A : vector<16xi32>
        %parallel_loop3A_470 = tpu.bitcast %parallel_loop3A_469 : vector<16xi32> -> vector<16xf32>
        %parallel_loop3A_471 = arith.constant 0.000000e+00 : f32
        %parallel_loop3A_472 = vector.broadcast %parallel_loop3A_471 : f32 to vector<16xf32>
        %parallel_loop3A_473 = arith.cmpf oeq, %parallel_loop3A_466, %parallel_loop3A_472 : vector<16xf32>
        %parallel_loop3A_474 = arith.constant 0.000000e+00 : f32
        %parallel_loop3A_475 = vector.broadcast %parallel_loop3A_474 : f32 to vector<16xf32>
        %parallel_loop3A_476 = arith.select %parallel_loop3A_473, %parallel_loop3A_475, %parallel_loop3A_470 : vector<16xi1>, vector<16xf32>
        %parallel_loop3A_477 = arith.index_cast %parallel_loop3A_462 : i32 to index
        %parallel_loop3A_478 = arith.constant 0 : index
        %parallel_loop3A_479 = tpu.vector_load %arg7[%parallel_loop3A_477, %parallel_loop3A_478] {strides = array<i32>} : memref<256x128xf32, #tpu.memory_space<vmem>>, vector<1x16xf32>,
        %parallel_loop3A_480 = vector.shape_cast %parallel_loop3A_479 : vector<1x16xf32> to vector<16xf32>
        %parallel_loop3A_481 = vector.shape_cast %parallel_loop3A_476 : vector<16xf32> to vector<1x16xf32>
        tpu.vector_store %arg7[%parallel_loop3A_477, %parallel_loop3A_478], %parallel_loop3A_481 {strides = array<i32>} : memref<256x128xf32, #tpu.memory_space<vmem>>, vector<1x16xf32>,
        %parallel_loop3A_482 = arith.index_cast %parallel_loop3A_462 : i32 to index
        %parallel_loop3A_483 = arith.constant 16 : index
        %parallel_loop3A_484 = tpu.vector_load %arg7[%parallel_loop3A_482, %parallel_loop3A_483] {strides = array<i32>} : memref<256x128xf32, #tpu.memory_space<vmem>>, vector<1x16xf32>,
        %parallel_loop3A_485 = vector.shape_cast %parallel_loop3A_484 : vector<1x16xf32> to vector<16xf32>
        %parallel_loop3A_486 = tpu.bitcast %parallel_loop3A_485 : vector<16xf32> -> vector<16xi32>
        %parallel_loop3A_487 = arith.andi %parallel_loop3A_486, %broadcast_in_dim3A_7 : vector<16xi32>
        %parallel_loop3A_488 = arith.ori %parallel_loop3A_487, %bitcast_convert_type3A : vector<16xi32>
        %parallel_loop3A_489 = tpu.bitcast %parallel_loop3A_488 : vector<16xi32> -> vector<16xf32>
        %parallel_loop3A_490 = arith.constant 0.000000e+00 : f32
        %parallel_loop3A_491 = vector.broadcast %parallel_loop3A_490 : f32 to vector<16xf32>
        %parallel_loop3A_492 = arith.cmpf oeq, %parallel_loop3A_485, %parallel_loop3A_491 : vector<16xf32>
        %parallel_loop3A_493 = arith.constant 0.000000e+00 : f32
        %parallel_loop3A_494 = vector.broadcast %parallel_loop3A_493 : f32 to vector<16xf32>
        %parallel_loop3A_495 = arith.select %parallel_loop3A_492, %parallel_loop3A_494, %parallel_loop3A_489 : vector<16xi1>, vector<16xf32>
        %parallel_loop3A_496 = arith.index_cast %parallel_loop3A_462 : i32 to index
        %parallel_loop3A_497 = arith.constant 16 : index
        %parallel_loop3A_498 = tpu.vector_load %arg7[%parallel_loop3A_496, %parallel_loop3A_497] {strides = array<i32>} : memref<256x128xf32, #tpu.memory_space<vmem>>, vector<1x16xf32>,
        %parallel_loop3A_499 = vector.shape_cast %parallel_loop3A_498 : vector<1x16xf32> to vector<16xf32>
        %parallel_loop3A_500 = vector.shape_cast %parallel_loop3A_495 : vector<16xf32> to vector<1x16xf32>
        tpu.vector_store %arg7[%parallel_loop3A_496, %parallel_loop3A_497], %parallel_loop3A_500 {strides = array<i32>} : memref<256x128xf32, #tpu.memory_space<vmem>>, vector<1x16xf32>,
        %parallel_loop3A_501 = arith.index_cast %parallel_loop3A_462 : i32 to index
        %parallel_loop3A_502 = arith.constant 32 : index
        %parallel_loop3A_503 = tpu.vector_load %arg7[%parallel_loop3A_501, %parallel_loop3A_502] {strides = array<i32>} : memref<256x128xf32, #tpu.memory_space<vmem>>, vector<1x16xf32>,
        %parallel_loop3A_504 = vector.shape_cast %parallel_loop3A_503 : vector<1x16xf32> to vector<16xf32>
        %parallel_loop3A_505 = tpu.bitcast %parallel_loop3A_504 : vector<16xf32> -> vector<16xi32>
        %parallel_loop3A_506 = arith.andi %parallel_loop3A_505, %broadcast_in_dim3A_7 : vector<16xi32>
        %parallel_loop3A_507 = arith.ori %parallel_loop3A_506, %bitcast_convert_type3A : vector<16xi32>
        %parallel_loop3A_508 = tpu.bitcast %parallel_loop3A_507 : vector<16xi32> -> vector<16xf32>
        %parallel_loop3A_509 = arith.constant 0.000000e+00 : f32
        %parallel_loop3A_510 = vector.broadcast %parallel_loop3A_509 : f32 to vector<16xf32>
        %parallel_loop3A_511 = arith.cmpf oeq, %parallel_loop3A_504, %parallel_loop3A_510 : vector<16xf32>
        %parallel_loop3A_512 = arith.constant 0.000000e+00 : f32
        %parallel_loop3A_513 = vector.broadcast %parallel_loop3A_512 : f32 to vector<16xf32>
        %parallel_loop3A_514 = arith.select %parallel_loop3A_511, %parallel_loop3A_513, %parallel_loop3A_508 : vector<16xi1>, vector<16xf32>
        %parallel_loop3A_515 = arith.index_cast %parallel_loop3A_462 : i32 to index
        %parallel_loop3A_516 = arith.constant 32 : index
        %parallel_loop3A_517 = tpu.vector_load %arg7[%parallel_loop3A_515, %parallel_loop3A_516] {strides = array<i32>} : memref<256x128xf32, #tpu.memory_space<vmem>>, vector<1x16xf32>,
        %parallel_loop3A_518 = vector.shape_cast %parallel_loop3A_517 : vector<1x16xf32> to vector<16xf32>
        %parallel_loop3A_519 = vector.shape_cast %parallel_loop3A_514 : vector<16xf32> to vector<1x16xf32>
        tpu.vector_store %arg7[%parallel_loop3A_515, %parallel_loop3A_516], %parallel_loop3A_519 {strides = array<i32>} : memref<256x128xf32, #tpu.memory_space<vmem>>, vector<1x16xf32>,
        %parallel_loop3A_520 = arith.index_cast %parallel_loop3A_462 : i32 to index
        %parallel_loop3A_521 = arith.constant 48 : index
        %parallel_loop3A_522 = tpu.vector_load %arg7[%parallel_loop3A_520, %parallel_loop3A_521] {strides = array<i32>} : memref<256x128xf32, #tpu.memory_space<vmem>>, vector<1x16xf32>,
        %parallel_loop3A_523 = vector.shape_cast %parallel_loop3A_522 : vector<1x16xf32> to vector<16xf32>
        %parallel_loop3A_524 = tpu.bitcast %parallel_loop3A_523 : vector<16xf32> -> vector<16xi32>
        %parallel_loop3A_525 = arith.andi %parallel_loop3A_524, %broadcast_in_dim3A_7 : vector<16xi32>
        %parallel_loop3A_526 = arith.ori %parallel_loop3A_525, %bitcast_convert_type3A : vector<16xi32>
        %parallel_loop3A_527 = tpu.bitcast %parallel_loop3A_526 : vector<16xi32> -> vector<16xf32>
        %parallel_loop3A_528 = arith.constant 0.000000e+00 : f32
        %parallel_loop3A_529 = vector.broadcast %parallel_loop3A_528 : f32 to vector<16xf32>
        %parallel_loop3A_530 = arith.cmpf oeq, %parallel_loop3A_523, %parallel_loop3A_529 : vector<16xf32>
        %parallel_loop3A_531 = arith.constant 0.000000e+00 : f32
        %parallel_loop3A_532 = vector.broadcast %parallel_loop3A_531 : f32 to vector<16xf32>
        %parallel_loop3A_533 = arith.select %parallel_loop3A_530, %parallel_loop3A_532, %parallel_loop3A_527 : vector<16xi1>, vector<16xf32>
        %parallel_loop3A_534 = arith.index_cast %parallel_loop3A_462 : i32 to index
        %parallel_loop3A_535 = arith.constant 48 : index
        %parallel_loop3A_536 = tpu.vector_load %arg7[%parallel_loop3A_534, %parallel_loop3A_535] {strides = array<i32>} : memref<256x128xf32, #tpu.memory_space<vmem>>, vector<1x16xf32>,
        %parallel_loop3A_537 = vector.shape_cast %parallel_loop3A_536 : vector<1x16xf32> to vector<16xf32>
        %parallel_loop3A_538 = vector.shape_cast %parallel_loop3A_533 : vector<16xf32> to vector<1x16xf32>
        tpu.vector_store %arg7[%parallel_loop3A_534, %parallel_loop3A_535], %parallel_loop3A_538 {strides = array<i32>} : memref<256x128xf32, #tpu.memory_space<vmem>>, vector<1x16xf32>,
        %parallel_loop3A_539 = arith.index_cast %parallel_loop3A_462 : i32 to index
        %parallel_loop3A_540 = arith.constant 64 : index
        %parallel_loop3A_541 = tpu.vector_load %arg7[%parallel_loop3A_539, %parallel_loop3A_540] {strides = array<i32>} : memref<256x128xf32, #tpu.memory_space<vmem>>, vector<1x16xf32>,
        %parallel_loop3A_542 = vector.shape_cast %parallel_loop3A_541 : vector<1x16xf32> to vector<16xf32>
        %parallel_loop3A_543 = tpu.bitcast %parallel_loop3A_542 : vector<16xf32> -> vector<16xi32>
        %parallel_loop3A_544 = arith.andi %parallel_loop3A_543, %broadcast_in_dim3A_7 : vector<16xi32>
        %parallel_loop3A_545 = arith.ori %parallel_loop3A_544, %bitcast_convert_type3A : vector<16xi32>
        %parallel_loop3A_546 = tpu.bitcast %parallel_loop3A_545 : vector<16xi32> -> vector<16xf32>
        %parallel_loop3A_547 = arith.constant 0.000000e+00 : f32
        %parallel_loop3A_548 = vector.broadcast %parallel_loop3A_547 : f32 to vector<16xf32>
        %parallel_loop3A_549 = arith.cmpf oeq, %parallel_loop3A_542, %parallel_loop3A_548 : vector<16xf32>
        %parallel_loop3A_550 = arith.constant 0.000000e+00 : f32
        %parallel_loop3A_551 = vector.broadcast %parallel_loop3A_550 : f32 to vector<16xf32>
        %parallel_loop3A_552 = arith.select %parallel_loop3A_549, %parallel_loop3A_551, %parallel_loop3A_546 : vector<16xi1>, vector<16xf32>
        %parallel_loop3A_553 = arith.index_cast %parallel_loop3A_462 : i32 to index
        %parallel_loop3A_554 = arith.constant 64 : index
        %parallel_loop3A_555 = tpu.vector_load %arg7[%parallel_loop3A_553, %parallel_loop3A_554] {strides = array<i32>} : memref<256x128xf32, #tpu.memory_space<vmem>>, vector<1x16xf32>,
        %parallel_loop3A_556 = vector.shape_cast %parallel_loop3A_555 : vector<1x16xf32> to vector<16xf32>
        %parallel_loop3A_557 = vector.shape_cast %parallel_loop3A_552 : vector<16xf32> to vector<1x16xf32>
        tpu.vector_store %arg7[%parallel_loop3A_553, %parallel_loop3A_554], %parallel_loop3A_557 {strides = array<i32>} : memref<256x128xf32, #tpu.memory_space<vmem>>, vector<1x16xf32>,
        %parallel_loop3A_558 = arith.index_cast %parallel_loop3A_462 : i32 to index
        %parallel_loop3A_559 = arith.constant 80 : index
        %parallel_loop3A_560 = tpu.vector_load %arg7[%parallel_loop3A_558, %parallel_loop3A_559] {strides = array<i32>} : memref<256x128xf32, #tpu.memory_space<vmem>>, vector<1x16xf32>,
        %parallel_loop3A_561 = vector.shape_cast %parallel_loop3A_560 : vector<1x16xf32> to vector<16xf32>
        %parallel_loop3A_562 = tpu.bitcast %parallel_loop3A_561 : vector<16xf32> -> vector<16xi32>
        %parallel_loop3A_563 = arith.andi %parallel_loop3A_562, %broadcast_in_dim3A_7 : vector<16xi32>
        %parallel_loop3A_564 = arith.ori %parallel_loop3A_563, %bitcast_convert_type3A : vector<16xi32>
        %parallel_loop3A_565 = tpu.bitcast %parallel_loop3A_564 : vector<16xi32> -> vector<16xf32>
        %parallel_loop3A_566 = arith.constant 0.000000e+00 : f32
        %parallel_loop3A_567 = vector.broadcast %parallel_loop3A_566 : f32 to vector<16xf32>
        %parallel_loop3A_568 = arith.cmpf oeq, %parallel_loop3A_561, %parallel_loop3A_567 : vector<16xf32>
        %parallel_loop3A_569 = arith.constant 0.000000e+00 : f32
        %parallel_loop3A_570 = vector.broadcast %parallel_loop3A_569 : f32 to vector<16xf32>
        %parallel_loop3A_571 = arith.select %parallel_loop3A_568, %parallel_loop3A_570, %parallel_loop3A_565 : vector<16xi1>, vector<16xf32>
        %parallel_loop3A_572 = arith.index_cast %parallel_loop3A_462 : i32 to index
        %parallel_loop3A_573 = arith.constant 80 : index
        %parallel_loop3A_574 = tpu.vector_load %arg7[%parallel_loop3A_572, %parallel_loop3A_573] {strides = array<i32>} : memref<256x128xf32, #tpu.memory_space<vmem>>, vector<1x16xf32>,
        %parallel_loop3A_575 = vector.shape_cast %parallel_loop3A_574 : vector<1x16xf32> to vector<16xf32>
        %parallel_loop3A_576 = vector.shape_cast %parallel_loop3A_571 : vector<16xf32> to vector<1x16xf32>
        tpu.vector_store %arg7[%parallel_loop3A_572, %parallel_loop3A_573], %parallel_loop3A_576 {strides = array<i32>} : memref<256x128xf32, #tpu.memory_space<vmem>>, vector<1x16xf32>,
        %parallel_loop3A_577 = arith.index_cast %parallel_loop3A_462 : i32 to index
        %parallel_loop3A_578 = arith.constant 96 : index
        %parallel_loop3A_579 = tpu.vector_load %arg7[%parallel_loop3A_577, %parallel_loop3A_578] {strides = array<i32>} : memref<256x128xf32, #tpu.memory_space<vmem>>, vector<1x16xf32>,
        %parallel_loop3A_580 = vector.shape_cast %parallel_loop3A_579 : vector<1x16xf32> to vector<16xf32>
        %parallel_loop3A_581 = tpu.bitcast %parallel_loop3A_580 : vector<16xf32> -> vector<16xi32>
        %parallel_loop3A_582 = arith.andi %parallel_loop3A_581, %broadcast_in_dim3A_7 : vector<16xi32>
        %parallel_loop3A_583 = arith.ori %parallel_loop3A_582, %bitcast_convert_type3A : vector<16xi32>
        %parallel_loop3A_584 = tpu.bitcast %parallel_loop3A_583 : vector<16xi32> -> vector<16xf32>
        %parallel_loop3A_585 = arith.constant 0.000000e+00 : f32
        %parallel_loop3A_586 = vector.broadcast %parallel_loop3A_585 : f32 to vector<16xf32>
        %parallel_loop3A_587 = arith.cmpf oeq, %parallel_loop3A_580, %parallel_loop3A_586 : vector<16xf32>
        %parallel_loop3A_588 = arith.constant 0.000000e+00 : f32
        %parallel_loop3A_589 = vector.broadcast %parallel_loop3A_588 : f32 to vector<16xf32>
        %parallel_loop3A_590 = arith.select %parallel_loop3A_587, %parallel_loop3A_589, %parallel_loop3A_584 : vector<16xi1>, vector<16xf32>
        %parallel_loop3A_591 = arith.index_cast %parallel_loop3A_462 : i32 to index
        %parallel_loop3A_592 = arith.constant 96 : index
        %parallel_loop3A_593 = tpu.vector_load %arg7[%parallel_loop3A_591, %parallel_loop3A_592] {strides = array<i32>} : memref<256x128xf32, #tpu.memory_space<vmem>>, vector<1x16xf32>,
        %parallel_loop3A_594 = vector.shape_cast %parallel_loop3A_593 : vector<1x16xf32> to vector<16xf32>
        %parallel_loop3A_595 = vector.shape_cast %parallel_loop3A_590 : vector<16xf32> to vector<1x16xf32>
        tpu.vector_store %arg7[%parallel_loop3A_591, %parallel_loop3A_592], %parallel_loop3A_595 {strides = array<i32>} : memref<256x128xf32, #tpu.memory_space<vmem>>, vector<1x16xf32>,
        %parallel_loop3A_596 = arith.index_cast %parallel_loop3A_462 : i32 to index
        %parallel_loop3A_597 = arith.constant 112 : index
        %parallel_loop3A_598 = tpu.vector_load %arg7[%parallel_loop3A_596, %parallel_loop3A_597] {strides = array<i32>} : memref<256x128xf32, #tpu.memory_space<vmem>>, vector<1x16xf32>,
        %parallel_loop3A_599 = vector.shape_cast %parallel_loop3A_598 : vector<1x16xf32> to vector<16xf32>
        %parallel_loop3A_600 = tpu.bitcast %parallel_loop3A_599 : vector<16xf32> -> vector<16xi32>
        %parallel_loop3A_601 = arith.andi %parallel_loop3A_600, %broadcast_in_dim3A_7 : vector<16xi32>
        %parallel_loop3A_602 = arith.ori %parallel_loop3A_601, %bitcast_convert_type3A : vector<16xi32>
        %parallel_loop3A_603 = tpu.bitcast %parallel_loop3A_602 : vector<16xi32> -> vector<16xf32>
        %parallel_loop3A_604 = arith.constant 0.000000e+00 : f32
        %parallel_loop3A_605 = vector.broadcast %parallel_loop3A_604 : f32 to vector<16xf32>
        %parallel_loop3A_606 = arith.cmpf oeq, %parallel_loop3A_599, %parallel_loop3A_605 : vector<16xf32>
        %parallel_loop3A_607 = arith.constant 0.000000e+00 : f32
        %parallel_loop3A_608 = vector.broadcast %parallel_loop3A_607 : f32 to vector<16xf32>
        %parallel_loop3A_609 = arith.select %parallel_loop3A_606, %parallel_loop3A_608, %parallel_loop3A_603 : vector<16xi1>, vector<16xf32>
        %parallel_loop3A_610 = arith.index_cast %parallel_loop3A_462 : i32 to index
        %parallel_loop3A_611 = arith.constant 112 : index
        %parallel_loop3A_612 = tpu.vector_load %arg7[%parallel_loop3A_610, %parallel_loop3A_611] {strides = array<i32>} : memref<256x128xf32, #tpu.memory_space<vmem>>, vector<1x16xf32>,
        %parallel_loop3A_613 = vector.shape_cast %parallel_loop3A_612 : vector<1x16xf32> to vector<16xf32>
        %parallel_loop3A_614 = vector.shape_cast %parallel_loop3A_609 : vector<16xf32> to vector<1x16xf32>
        tpu.vector_store %arg7[%parallel_loop3A_610, %parallel_loop3A_611], %parallel_loop3A_614 {strides = array<i32>} : memref<256x128xf32, #tpu.memory_space<vmem>>, vector<1x16xf32>,
      } {sc.loop_unroll_factor = 2 : i64, sc.parallel_access}
      %mul3A_379 = arith.constant 256 : i32
      %mul3A_380 = arith.muli %add3A_312, %mul3A_379 : i32
      %add3A_381 = arith.addi %mul3A_2, %mul3A_380 : i32
      %dma_start3A_382 = arith.constant 0 : i32
      %dma_start3A_383 = tpu.memref_slice %arg5[%add3A_381, %dma_start3A_382] : memref<204800x128xf32, #tpu.memory_space<hbm>> -> memref<256x128xf32, #tpu.memory_space<hbm>>
      %dma_start3A_384 = arith.constant 0 : i32
      %dma_start3A_385 = tpu.memref_slice %arg5[%add3A_381, %dma_start3A_384] : memref<204800x128xf32, #tpu.memory_space<hbm>> -> memref<256x128xf32, #tpu.memory_space<hbm>>
      tpu.enqueue_dma source(%arg7 : memref<256x128xf32, #tpu.memory_space<vmem>>) target(%dma_start3A_385 : memref<256x128xf32, #tpu.memory_space<hbm>>) target_semaphore(%arg14 : memref<!tpu.dma_semaphore, #tpu.memory_space<semaphore_mem>>)
      %add3A_386 = arith.constant 2 : i32
      %add3A_387 = arith.addi %add3A_236, %add3A_386 : i32
      %sub3A_388 = arith.constant 2 : i32
      %sub3A_389 = arith.subi %add3A_387, %sub3A_388 : i32
      %mul3A_390 = arith.constant 256 : i32
      %mul3A_391 = arith.muli %sub3A_389, %mul3A_390 : i32
      %add3A_392 = arith.addi %mul3A_2, %mul3A_391 : i32
      %dma_wait3A_393 = arith.constant 0 : i32
      %dma_wait3A_394 = tpu.memref_slice %arg5[%add3A_392, %dma_wait3A_393] : memref<204800x128xf32, #tpu.memory_space<hbm>> -> memref<256x128xf32, #tpu.memory_space<hbm>>
      %dma_wait3A_395 = arith.constant 0 : i32
      %dma_wait3A_396 = tpu.memref_slice %arg5[%add3A_392, %dma_wait3A_395] : memref<204800x128xf32, #tpu.memory_space<hbm>> -> memref<256x128xf32, #tpu.memory_space<hbm>>
      tpu.wait_dma2 semaphore(%arg16 : memref<!tpu.dma_semaphore, #tpu.memory_space<semaphore_mem>>) src(%arg9 : memref<256x128xf32, #tpu.memory_space<vmem>>) dst(%dma_wait3A_396 : memref<256x128xf32, #tpu.memory_space<hbm>>)
      %add3A_397 = arith.constant 1 : i32
      %add3A_398 = arith.addi %add3A_387, %add3A_397 : i32
      %mul3A_399 = arith.constant 2 : i32
      %mul3A_400 = arith.muli %add3A_398, %mul3A_399 : i32
      %add3A_401 = arith.constant 0 : i32
      %add3A_402 = arith.addi %mul3A_400, %add3A_401 : i32
      %dma_start3A_403 = arith.constant 0 : i32
      %dma_start3A_404 = arith.constant 0 : i32
      %dma_start3A_405 = tpu.memref_slice %arg9[%dma_start3A_403, %dma_start3A_404] : memref<256x128xf32, #tpu.memory_space<vmem>> -> memref<128x128xf32, #tpu.memory_space<vmem>>
      %dma_start3A_406 = arith.constant 0 : i32
      %dma_start3A_407 = tpu.memref_slice %arg6[%add3A_402, %dma_start3A_406] : memref<50x128xi32, #tpu.memory_space<vmem>> -> memref<1x128xi32, #tpu.memory_space<vmem>>
      %dma_start3A_408 = tpu.memref_squeeze %dma_start3A_407 : memref<1x128xi32, #tpu.memory_space<vmem>> -> memref<128xi32, #tpu.memory_space<vmem>>
      %dma_start3A_409 = arith.constant 0 : i32
      %dma_start3A_410 = arith.constant 0 : i32
      %dma_start3A_411 = tpu.memref_slice %arg4[%dma_start3A_409, %dma_start3A_410] : memref<100000x128xf32, #tpu.memory_space<hbm>> -> memref<100000x128xf32, #tpu.memory_space<hbm>>
      tpu.enqueue_indirect_dma source(%dma_start3A_411 : memref<100000x128xf32, #tpu.memory_space<hbm>>) target(%dma_start3A_405 : memref<128x128xf32, #tpu.memory_space<vmem>>) offsets(%dma_start3A_408 : memref<128xi32, #tpu.memory_space<vmem>>) semaphore(%arg13 : memref<!tpu.dma_semaphore, #tpu.memory_space<semaphore_mem>>)
      %mul3A_412 = arith.constant 2 : i32
      %mul3A_413 = arith.muli %add3A_398, %mul3A_412 : i32
      %add3A_414 = arith.constant 1 : i32
      %add3A_415 = arith.addi %mul3A_413, %add3A_414 : i32
      %dma_start3A_416 = arith.constant 128 : i32
      %dma_start3A_417 = arith.constant 0 : i32
      %dma_start3A_418 = tpu.memref_slice %arg9[%dma_start3A_416, %dma_start3A_417] : memref<256x128xf32, #tpu.memory_space<vmem>> -> memref<128x128xf32, #tpu.memory_space<vmem>>
      %dma_start3A_419 = arith.constant 0 : i32
      %dma_start3A_420 = tpu.memref_slice %arg6[%add3A_415, %dma_start3A_419] : memref<50x128xi32, #tpu.memory_space<vmem>> -> memref<1x128xi32, #tpu.memory_space<vmem>>
      %dma_start3A_421 = tpu.memref_squeeze %dma_start3A_420 : memref<1x128xi32, #tpu.memory_space<vmem>> -> memref<128xi32, #tpu.memory_space<vmem>>
      %dma_start3A_422 = arith.constant 0 : i32
      %dma_start3A_423 = arith.constant 0 : i32
      %dma_start3A_424 = tpu.memref_slice %arg4[%dma_start3A_422, %dma_start3A_423] : memref<100000x128xf32, #tpu.memory_space<hbm>> -> memref<100000x128xf32, #tpu.memory_space<hbm>>
      tpu.enqueue_indirect_dma source(%dma_start3A_424 : memref<100000x128xf32, #tpu.memory_space<hbm>>) target(%dma_start3A_418 : memref<128x128xf32, #tpu.memory_space<vmem>>) offsets(%dma_start3A_421 : memref<128xi32, #tpu.memory_space<vmem>>) semaphore(%arg13 : memref<!tpu.dma_semaphore, #tpu.memory_space<semaphore_mem>>)
      %mul3A_425 = arith.constant 2 : i32
      %mul3A_426 = arith.muli %add3A_387, %mul3A_425 : i32
      %add3A_427 = arith.constant 0 : i32
      %add3A_428 = arith.addi %mul3A_426, %add3A_427 : i32
      %dma_wait3A_429 = arith.constant 0 : i32
      %dma_wait3A_430 = arith.constant 0 : i32
      %dma_wait3A_431 = tpu.memref_slice %arg8[%dma_wait3A_429, %dma_wait3A_430] : memref<256x128xf32, #tpu.memory_space<vmem>> -> memref<128x128xf32, #tpu.memory_space<vmem>>
      %dma_wait3A_432 = arith.constant 0 : i32
      %dma_wait3A_433 = tpu.memref_slice %arg6[%add3A_428, %dma_wait3A_432] : memref<50x128xi32, #tpu.memory_space<vmem>> -> memref<1x128xi32, #tpu.memory_space<vmem>>
      %dma_wait3A_434 = tpu.memref_squeeze %dma_wait3A_433 : memref<1x128xi32, #tpu.memory_space<vmem>> -> memref<128xi32, #tpu.memory_space<vmem>>
      %dma_wait3A_435 = arith.constant 0 : i32
      %dma_wait3A_436 = arith.constant 0 : i32
      %dma_wait3A_437 = tpu.memref_slice %arg4[%dma_wait3A_435, %dma_wait3A_436] : memref<100000x128xf32, #tpu.memory_space<hbm>> -> memref<100000x128xf32, #tpu.memory_space<hbm>>
      tpu.wait_indirect_dma semaphore(%arg12 : memref<!tpu.dma_semaphore, #tpu.memory_space<semaphore_mem>>) src(%dma_wait3A_437 : memref<100000x128xf32, #tpu.memory_space<hbm>>) dst(%dma_wait3A_431 : memref<128x128xf32, #tpu.memory_space<vmem>>)
      %mul3A_438 = arith.constant 2 : i32
      %mul3A_439 = arith.muli %add3A_387, %mul3A_438 : i32
      %add3A_440 = arith.constant 1 : i32
      %add3A_441 = arith.addi %mul3A_439, %add3A_440 : i32
      %dma_wait3A_442 = arith.constant 128 : i32
      %dma_wait3A_443 = arith.constant 0 : i32
      %dma_wait3A_444 = tpu.memref_slice %arg8[%dma_wait3A_442, %dma_wait3A_443] : memref<256x128xf32, #tpu.memory_space<vmem>> -> memref<128x128xf32, #tpu.memory_space<vmem>>
      %dma_wait3A_445 = arith.constant 0 : i32
      %dma_wait3A_446 = tpu.memref_slice %arg6[%add3A_441, %dma_wait3A_445] : memref<50x128xi32, #tpu.memory_space<vmem>> -> memref<1x128xi32, #tpu.memory_space<vmem>>
      %dma_wait3A_447 = tpu.memref_squeeze %dma_wait3A_446 : memref<1x128xi32, #tpu.memory_space<vmem>> -> memref<128xi32, #tpu.memory_space<vmem>>
      %dma_wait3A_448 = arith.constant 0 : i32
      %dma_wait3A_449 = arith.constant 0 : i32
      %dma_wait3A_450 = tpu.memref_slice %arg4[%dma_wait3A_448, %dma_wait3A_449] : memref<100000x128xf32, #tpu.memory_space<hbm>> -> memref<100000x128xf32, #tpu.memory_space<hbm>>
      tpu.wait_indirect_dma semaphore(%arg12 : memref<!tpu.dma_semaphore, #tpu.memory_space<semaphore_mem>>) src(%dma_wait3A_450 : memref<100000x128xf32, #tpu.memory_space<hbm>>) dst(%dma_wait3A_444 : memref<128x128xf32, #tpu.memory_space<vmem>>)
      %parallel_loop3A_451 = arith.constant 0 : i32
      %parallel_loop3A_452 = arith.constant 256 : i32
      %parallel_loop3A_453 = arith.constant 1 : i32
      scf.for %parallel_loop3A_462 = %parallel_loop3A_451 to %parallel_loop3A_452 step %parallel_loop3A_453  : i32 {
        %parallel_loop3A_463 = arith.index_cast %parallel_loop3A_462 : i32 to index
        %parallel_loop3A_464 = arith.constant 0 : index
        %parallel_loop3A_465 = tpu.vector_load %arg8[%parallel_loop3A_463, %parallel_loop3A_464] {strides = array<i32>} : memref<256x128xf32, #tpu.memory_space<vmem>>, vector<1x16xf32>,
        %parallel_loop3A_466 = vector.shape_cast %parallel_loop3A_465 : vector<1x16xf32> to vector<16xf32>
        %parallel_loop3A_467 = tpu.bitcast %parallel_loop3A_466 : vector<16xf32> -> vector<16xi32>
        %parallel_loop3A_468 = arith.andi %parallel_loop3A_467, %broadcast_in_dim3A_7 : vector<16xi32>
        %parallel_loop3A_469 = arith.ori %parallel_loop3A_468, %bitcast_convert_type3A : vector<16xi32>
        %parallel_loop3A_470 = tpu.bitcast %parallel_loop3A_469 : vector<16xi32> -> vector<16xf32>
        %parallel_loop3A_471 = arith.constant 0.000000e+00 : f32
        %parallel_loop3A_472 = vector.broadcast %parallel_loop3A_471 : f32 to vector<16xf32>
        %parallel_loop3A_473 = arith.cmpf oeq, %parallel_loop3A_466, %parallel_loop3A_472 : vector<16xf32>
        %parallel_loop3A_474 = arith.constant 0.000000e+00 : f32
        %parallel_loop3A_475 = vector.broadcast %parallel_loop3A_474 : f32 to vector<16xf32>
        %parallel_loop3A_476 = arith.select %parallel_loop3A_473, %parallel_loop3A_475, %parallel_loop3A_470 : vector<16xi1>, vector<16xf32>
        %parallel_loop3A_477 = arith.index_cast %parallel_loop3A_462 : i32 to index
        %parallel_loop3A_478 = arith.constant 0 : index
        %parallel_loop3A_479 = tpu.vector_load %arg8[%parallel_loop3A_477, %parallel_loop3A_478] {strides = array<i32>} : memref<256x128xf32, #tpu.memory_space<vmem>>, vector<1x16xf32>,
        %parallel_loop3A_480 = vector.shape_cast %parallel_loop3A_479 : vector<1x16xf32> to vector<16xf32>
        %parallel_loop3A_481 = vector.shape_cast %parallel_loop3A_476 : vector<16xf32> to vector<1x16xf32>
        tpu.vector_store %arg8[%parallel_loop3A_477, %parallel_loop3A_478], %parallel_loop3A_481 {strides = array<i32>} : memref<256x128xf32, #tpu.memory_space<vmem>>, vector<1x16xf32>,
        %parallel_loop3A_482 = arith.index_cast %parallel_loop3A_462 : i32 to index
        %parallel_loop3A_483 = arith.constant 16 : index
        %parallel_loop3A_484 = tpu.vector_load %arg8[%parallel_loop3A_482, %parallel_loop3A_483] {strides = array<i32>} : memref<256x128xf32, #tpu.memory_space<vmem>>, vector<1x16xf32>,
        %parallel_loop3A_485 = vector.shape_cast %parallel_loop3A_484 : vector<1x16xf32> to vector<16xf32>
        %parallel_loop3A_486 = tpu.bitcast %parallel_loop3A_485 : vector<16xf32> -> vector<16xi32>
        %parallel_loop3A_487 = arith.andi %parallel_loop3A_486, %broadcast_in_dim3A_7 : vector<16xi32>
        %parallel_loop3A_488 = arith.ori %parallel_loop3A_487, %bitcast_convert_type3A : vector<16xi32>
        %parallel_loop3A_489 = tpu.bitcast %parallel_loop3A_488 : vector<16xi32> -> vector<16xf32>
        %parallel_loop3A_490 = arith.constant 0.000000e+00 : f32
        %parallel_loop3A_491 = vector.broadcast %parallel_loop3A_490 : f32 to vector<16xf32>
        %parallel_loop3A_492 = arith.cmpf oeq, %parallel_loop3A_485, %parallel_loop3A_491 : vector<16xf32>
        %parallel_loop3A_493 = arith.constant 0.000000e+00 : f32
        %parallel_loop3A_494 = vector.broadcast %parallel_loop3A_493 : f32 to vector<16xf32>
        %parallel_loop3A_495 = arith.select %parallel_loop3A_492, %parallel_loop3A_494, %parallel_loop3A_489 : vector<16xi1>, vector<16xf32>
        %parallel_loop3A_496 = arith.index_cast %parallel_loop3A_462 : i32 to index
        %parallel_loop3A_497 = arith.constant 16 : index
        %parallel_loop3A_498 = tpu.vector_load %arg8[%parallel_loop3A_496, %parallel_loop3A_497] {strides = array<i32>} : memref<256x128xf32, #tpu.memory_space<vmem>>, vector<1x16xf32>,
        %parallel_loop3A_499 = vector.shape_cast %parallel_loop3A_498 : vector<1x16xf32> to vector<16xf32>
        %parallel_loop3A_500 = vector.shape_cast %parallel_loop3A_495 : vector<16xf32> to vector<1x16xf32>
        tpu.vector_store %arg8[%parallel_loop3A_496, %parallel_loop3A_497], %parallel_loop3A_500 {strides = array<i32>} : memref<256x128xf32, #tpu.memory_space<vmem>>, vector<1x16xf32>,
        %parallel_loop3A_501 = arith.index_cast %parallel_loop3A_462 : i32 to index
        %parallel_loop3A_502 = arith.constant 32 : index
        %parallel_loop3A_503 = tpu.vector_load %arg8[%parallel_loop3A_501, %parallel_loop3A_502] {strides = array<i32>} : memref<256x128xf32, #tpu.memory_space<vmem>>, vector<1x16xf32>,
        %parallel_loop3A_504 = vector.shape_cast %parallel_loop3A_503 : vector<1x16xf32> to vector<16xf32>
        %parallel_loop3A_505 = tpu.bitcast %parallel_loop3A_504 : vector<16xf32> -> vector<16xi32>
        %parallel_loop3A_506 = arith.andi %parallel_loop3A_505, %broadcast_in_dim3A_7 : vector<16xi32>
        %parallel_loop3A_507 = arith.ori %parallel_loop3A_506, %bitcast_convert_type3A : vector<16xi32>
        %parallel_loop3A_508 = tpu.bitcast %parallel_loop3A_507 : vector<16xi32> -> vector<16xf32>
        %parallel_loop3A_509 = arith.constant 0.000000e+00 : f32
        %parallel_loop3A_510 = vector.broadcast %parallel_loop3A_509 : f32 to vector<16xf32>
        %parallel_loop3A_511 = arith.cmpf oeq, %parallel_loop3A_504, %parallel_loop3A_510 : vector<16xf32>
        %parallel_loop3A_512 = arith.constant 0.000000e+00 : f32
        %parallel_loop3A_513 = vector.broadcast %parallel_loop3A_512 : f32 to vector<16xf32>
        %parallel_loop3A_514 = arith.select %parallel_loop3A_511, %parallel_loop3A_513, %parallel_loop3A_508 : vector<16xi1>, vector<16xf32>
        %parallel_loop3A_515 = arith.index_cast %parallel_loop3A_462 : i32 to index
        %parallel_loop3A_516 = arith.constant 32 : index
        %parallel_loop3A_517 = tpu.vector_load %arg8[%parallel_loop3A_515, %parallel_loop3A_516] {strides = array<i32>} : memref<256x128xf32, #tpu.memory_space<vmem>>, vector<1x16xf32>,
        %parallel_loop3A_518 = vector.shape_cast %parallel_loop3A_517 : vector<1x16xf32> to vector<16xf32>
        %parallel_loop3A_519 = vector.shape_cast %parallel_loop3A_514 : vector<16xf32> to vector<1x16xf32>
        tpu.vector_store %arg8[%parallel_loop3A_515, %parallel_loop3A_516], %parallel_loop3A_519 {strides = array<i32>} : memref<256x128xf32, #tpu.memory_space<vmem>>, vector<1x16xf32>,
        %parallel_loop3A_520 = arith.index_cast %parallel_loop3A_462 : i32 to index
        %parallel_loop3A_521 = arith.constant 48 : index
        %parallel_loop3A_522 = tpu.vector_load %arg8[%parallel_loop3A_520, %parallel_loop3A_521] {strides = array<i32>} : memref<256x128xf32, #tpu.memory_space<vmem>>, vector<1x16xf32>,
        %parallel_loop3A_523 = vector.shape_cast %parallel_loop3A_522 : vector<1x16xf32> to vector<16xf32>
        %parallel_loop3A_524 = tpu.bitcast %parallel_loop3A_523 : vector<16xf32> -> vector<16xi32>
        %parallel_loop3A_525 = arith.andi %parallel_loop3A_524, %broadcast_in_dim3A_7 : vector<16xi32>
        %parallel_loop3A_526 = arith.ori %parallel_loop3A_525, %bitcast_convert_type3A : vector<16xi32>
        %parallel_loop3A_527 = tpu.bitcast %parallel_loop3A_526 : vector<16xi32> -> vector<16xf32>
        %parallel_loop3A_528 = arith.constant 0.000000e+00 : f32
        %parallel_loop3A_529 = vector.broadcast %parallel_loop3A_528 : f32 to vector<16xf32>
        %parallel_loop3A_530 = arith.cmpf oeq, %parallel_loop3A_523, %parallel_loop3A_529 : vector<16xf32>
        %parallel_loop3A_531 = arith.constant 0.000000e+00 : f32
        %parallel_loop3A_532 = vector.broadcast %parallel_loop3A_531 : f32 to vector<16xf32>
        %parallel_loop3A_533 = arith.select %parallel_loop3A_530, %parallel_loop3A_532, %parallel_loop3A_527 : vector<16xi1>, vector<16xf32>
        %parallel_loop3A_534 = arith.index_cast %parallel_loop3A_462 : i32 to index
        %parallel_loop3A_535 = arith.constant 48 : index
        %parallel_loop3A_536 = tpu.vector_load %arg8[%parallel_loop3A_534, %parallel_loop3A_535] {strides = array<i32>} : memref<256x128xf32, #tpu.memory_space<vmem>>, vector<1x16xf32>,
        %parallel_loop3A_537 = vector.shape_cast %parallel_loop3A_536 : vector<1x16xf32> to vector<16xf32>
        %parallel_loop3A_538 = vector.shape_cast %parallel_loop3A_533 : vector<16xf32> to vector<1x16xf32>
        tpu.vector_store %arg8[%parallel_loop3A_534, %parallel_loop3A_535], %parallel_loop3A_538 {strides = array<i32>} : memref<256x128xf32, #tpu.memory_space<vmem>>, vector<1x16xf32>,
        %parallel_loop3A_539 = arith.index_cast %parallel_loop3A_462 : i32 to index
        %parallel_loop3A_540 = arith.constant 64 : index
        %parallel_loop3A_541 = tpu.vector_load %arg8[%parallel_loop3A_539, %parallel_loop3A_540] {strides = array<i32>} : memref<256x128xf32, #tpu.memory_space<vmem>>, vector<1x16xf32>,
        %parallel_loop3A_542 = vector.shape_cast %parallel_loop3A_541 : vector<1x16xf32> to vector<16xf32>
        %parallel_loop3A_543 = tpu.bitcast %parallel_loop3A_542 : vector<16xf32> -> vector<16xi32>
        %parallel_loop3A_544 = arith.andi %parallel_loop3A_543, %broadcast_in_dim3A_7 : vector<16xi32>
        %parallel_loop3A_545 = arith.ori %parallel_loop3A_544, %bitcast_convert_type3A : vector<16xi32>
        %parallel_loop3A_546 = tpu.bitcast %parallel_loop3A_545 : vector<16xi32> -> vector<16xf32>
        %parallel_loop3A_547 = arith.constant 0.000000e+00 : f32
        %parallel_loop3A_548 = vector.broadcast %parallel_loop3A_547 : f32 to vector<16xf32>
        %parallel_loop3A_549 = arith.cmpf oeq, %parallel_loop3A_542, %parallel_loop3A_548 : vector<16xf32>
        %parallel_loop3A_550 = arith.constant 0.000000e+00 : f32
        %parallel_loop3A_551 = vector.broadcast %parallel_loop3A_550 : f32 to vector<16xf32>
        %parallel_loop3A_552 = arith.select %parallel_loop3A_549, %parallel_loop3A_551, %parallel_loop3A_546 : vector<16xi1>, vector<16xf32>
        %parallel_loop3A_553 = arith.index_cast %parallel_loop3A_462 : i32 to index
        %parallel_loop3A_554 = arith.constant 64 : index
        %parallel_loop3A_555 = tpu.vector_load %arg8[%parallel_loop3A_553, %parallel_loop3A_554] {strides = array<i32>} : memref<256x128xf32, #tpu.memory_space<vmem>>, vector<1x16xf32>,
        %parallel_loop3A_556 = vector.shape_cast %parallel_loop3A_555 : vector<1x16xf32> to vector<16xf32>
        %parallel_loop3A_557 = vector.shape_cast %parallel_loop3A_552 : vector<16xf32> to vector<1x16xf32>
        tpu.vector_store %arg8[%parallel_loop3A_553, %parallel_loop3A_554], %parallel_loop3A_557 {strides = array<i32>} : memref<256x128xf32, #tpu.memory_space<vmem>>, vector<1x16xf32>,
        %parallel_loop3A_558 = arith.index_cast %parallel_loop3A_462 : i32 to index
        %parallel_loop3A_559 = arith.constant 80 : index
        %parallel_loop3A_560 = tpu.vector_load %arg8[%parallel_loop3A_558, %parallel_loop3A_559] {strides = array<i32>} : memref<256x128xf32, #tpu.memory_space<vmem>>, vector<1x16xf32>,
        %parallel_loop3A_561 = vector.shape_cast %parallel_loop3A_560 : vector<1x16xf32> to vector<16xf32>
        %parallel_loop3A_562 = tpu.bitcast %parallel_loop3A_561 : vector<16xf32> -> vector<16xi32>
        %parallel_loop3A_563 = arith.andi %parallel_loop3A_562, %broadcast_in_dim3A_7 : vector<16xi32>
        %parallel_loop3A_564 = arith.ori %parallel_loop3A_563, %bitcast_convert_type3A : vector<16xi32>
        %parallel_loop3A_565 = tpu.bitcast %parallel_loop3A_564 : vector<16xi32> -> vector<16xf32>
        %parallel_loop3A_566 = arith.constant 0.000000e+00 : f32
        %parallel_loop3A_567 = vector.broadcast %parallel_loop3A_566 : f32 to vector<16xf32>
        %parallel_loop3A_568 = arith.cmpf oeq, %parallel_loop3A_561, %parallel_loop3A_567 : vector<16xf32>
        %parallel_loop3A_569 = arith.constant 0.000000e+00 : f32
        %parallel_loop3A_570 = vector.broadcast %parallel_loop3A_569 : f32 to vector<16xf32>
        %parallel_loop3A_571 = arith.select %parallel_loop3A_568, %parallel_loop3A_570, %parallel_loop3A_565 : vector<16xi1>, vector<16xf32>
        %parallel_loop3A_572 = arith.index_cast %parallel_loop3A_462 : i32 to index
        %parallel_loop3A_573 = arith.constant 80 : index
        %parallel_loop3A_574 = tpu.vector_load %arg8[%parallel_loop3A_572, %parallel_loop3A_573] {strides = array<i32>} : memref<256x128xf32, #tpu.memory_space<vmem>>, vector<1x16xf32>,
        %parallel_loop3A_575 = vector.shape_cast %parallel_loop3A_574 : vector<1x16xf32> to vector<16xf32>
        %parallel_loop3A_576 = vector.shape_cast %parallel_loop3A_571 : vector<16xf32> to vector<1x16xf32>
        tpu.vector_store %arg8[%parallel_loop3A_572, %parallel_loop3A_573], %parallel_loop3A_576 {strides = array<i32>} : memref<256x128xf32, #tpu.memory_space<vmem>>, vector<1x16xf32>,
        %parallel_loop3A_577 = arith.index_cast %parallel_loop3A_462 : i32 to index
        %parallel_loop3A_578 = arith.constant 96 : index
        %parallel_loop3A_579 = tpu.vector_load %arg8[%parallel_loop3A_577, %parallel_loop3A_578] {strides = array<i32>} : memref<256x128xf32, #tpu.memory_space<vmem>>, vector<1x16xf32>,
        %parallel_loop3A_580 = vector.shape_cast %parallel_loop3A_579 : vector<1x16xf32> to vector<16xf32>
        %parallel_loop3A_581 = tpu.bitcast %parallel_loop3A_580 : vector<16xf32> -> vector<16xi32>
        %parallel_loop3A_582 = arith.andi %parallel_loop3A_581, %broadcast_in_dim3A_7 : vector<16xi32>
        %parallel_loop3A_583 = arith.ori %parallel_loop3A_582, %bitcast_convert_type3A : vector<16xi32>
        %parallel_loop3A_584 = tpu.bitcast %parallel_loop3A_583 : vector<16xi32> -> vector<16xf32>
        %parallel_loop3A_585 = arith.constant 0.000000e+00 : f32
        %parallel_loop3A_586 = vector.broadcast %parallel_loop3A_585 : f32 to vector<16xf32>
        %parallel_loop3A_587 = arith.cmpf oeq, %parallel_loop3A_580, %parallel_loop3A_586 : vector<16xf32>
        %parallel_loop3A_588 = arith.constant 0.000000e+00 : f32
        %parallel_loop3A_589 = vector.broadcast %parallel_loop3A_588 : f32 to vector<16xf32>
        %parallel_loop3A_590 = arith.select %parallel_loop3A_587, %parallel_loop3A_589, %parallel_loop3A_584 : vector<16xi1>, vector<16xf32>
        %parallel_loop3A_591 = arith.index_cast %parallel_loop3A_462 : i32 to index
        %parallel_loop3A_592 = arith.constant 96 : index
        %parallel_loop3A_593 = tpu.vector_load %arg8[%parallel_loop3A_591, %parallel_loop3A_592] {strides = array<i32>} : memref<256x128xf32, #tpu.memory_space<vmem>>, vector<1x16xf32>,
        %parallel_loop3A_594 = vector.shape_cast %parallel_loop3A_593 : vector<1x16xf32> to vector<16xf32>
        %parallel_loop3A_595 = vector.shape_cast %parallel_loop3A_590 : vector<16xf32> to vector<1x16xf32>
        tpu.vector_store %arg8[%parallel_loop3A_591, %parallel_loop3A_592], %parallel_loop3A_595 {strides = array<i32>} : memref<256x128xf32, #tpu.memory_space<vmem>>, vector<1x16xf32>,
        %parallel_loop3A_596 = arith.index_cast %parallel_loop3A_462 : i32 to index
        %parallel_loop3A_597 = arith.constant 112 : index
        %parallel_loop3A_598 = tpu.vector_load %arg8[%parallel_loop3A_596, %parallel_loop3A_597] {strides = array<i32>} : memref<256x128xf32, #tpu.memory_space<vmem>>, vector<1x16xf32>,
        %parallel_loop3A_599 = vector.shape_cast %parallel_loop3A_598 : vector<1x16xf32> to vector<16xf32>
        %parallel_loop3A_600 = tpu.bitcast %parallel_loop3A_599 : vector<16xf32> -> vector<16xi32>
        %parallel_loop3A_601 = arith.andi %parallel_loop3A_600, %broadcast_in_dim3A_7 : vector<16xi32>
        %parallel_loop3A_602 = arith.ori %parallel_loop3A_601, %bitcast_convert_type3A : vector<16xi32>
        %parallel_loop3A_603 = tpu.bitcast %parallel_loop3A_602 : vector<16xi32> -> vector<16xf32>
        %parallel_loop3A_604 = arith.constant 0.000000e+00 : f32
        %parallel_loop3A_605 = vector.broadcast %parallel_loop3A_604 : f32 to vector<16xf32>
        %parallel_loop3A_606 = arith.cmpf oeq, %parallel_loop3A_599, %parallel_loop3A_605 : vector<16xf32>
        %parallel_loop3A_607 = arith.constant 0.000000e+00 : f32
        %parallel_loop3A_608 = vector.broadcast %parallel_loop3A_607 : f32 to vector<16xf32>
        %parallel_loop3A_609 = arith.select %parallel_loop3A_606, %parallel_loop3A_608, %parallel_loop3A_603 : vector<16xi1>, vector<16xf32>
        %parallel_loop3A_610 = arith.index_cast %parallel_loop3A_462 : i32 to index
        %parallel_loop3A_611 = arith.constant 112 : index
        %parallel_loop3A_612 = tpu.vector_load %arg8[%parallel_loop3A_610, %parallel_loop3A_611] {strides = array<i32>} : memref<256x128xf32, #tpu.memory_space<vmem>>, vector<1x16xf32>,
        %parallel_loop3A_613 = vector.shape_cast %parallel_loop3A_612 : vector<1x16xf32> to vector<16xf32>
        %parallel_loop3A_614 = vector.shape_cast %parallel_loop3A_609 : vector<16xf32> to vector<1x16xf32>
        tpu.vector_store %arg8[%parallel_loop3A_610, %parallel_loop3A_611], %parallel_loop3A_614 {strides = array<i32>} : memref<256x128xf32, #tpu.memory_space<vmem>>, vector<1x16xf32>,
      } {sc.loop_unroll_factor = 2 : i64, sc.parallel_access}
      %mul3A_454 = arith.constant 256 : i32
      %mul3A_455 = arith.muli %add3A_387, %mul3A_454 : i32
      %add3A_456 = arith.addi %mul3A_2, %mul3A_455 : i32
      %dma_start3A_457 = arith.constant 0 : i32
      %dma_start3A_458 = tpu.memref_slice %arg5[%add3A_456, %dma_start3A_457] : memref<204800x128xf32, #tpu.memory_space<hbm>> -> memref<256x128xf32, #tpu.memory_space<hbm>>
      %dma_start3A_459 = arith.constant 0 : i32
      %dma_start3A_460 = tpu.memref_slice %arg5[%add3A_456, %dma_start3A_459] : memref<204800x128xf32, #tpu.memory_space<hbm>> -> memref<256x128xf32, #tpu.memory_space<hbm>>
      tpu.enqueue_dma source(%arg8 : memref<256x128xf32, #tpu.memory_space<vmem>>) target(%dma_start3A_460 : memref<256x128xf32, #tpu.memory_space<hbm>>) target_semaphore(%arg15 : memref<!tpu.dma_semaphore, #tpu.memory_space<semaphore_mem>>)
      %scan3A_461 = arith.constant 0 : i32
      scf.yield %scan3A_461 : i32
    }
    %scan3A_128 = arith.constant 7 : i32
    %add3A_129 = arith.constant 5376 : i32
    %add3A_130 = arith.addi %mul3A_2, %add3A_129 : i32
    %dma_wait3A_131 = arith.constant 0 : i32
    %dma_wait3A_132 = tpu.memref_slice %arg5[%add3A_130, %dma_wait3A_131] : memref<204800x128xf32, #tpu.memory_space<hbm>> -> memref<256x128xf32, #tpu.memory_space<hbm>>
    %dma_wait3A_133 = arith.constant 0 : i32
    %dma_wait3A_134 = tpu.memref_slice %arg5[%add3A_130, %dma_wait3A_133] : memref<204800x128xf32, #tpu.memory_space<hbm>> -> memref<256x128xf32, #tpu.memory_space<hbm>>
    tpu.wait_dma2 semaphore(%arg14 : memref<!tpu.dma_semaphore, #tpu.memory_space<semaphore_mem>>) src(%arg7 : memref<256x128xf32, #tpu.memory_space<vmem>>) dst(%dma_wait3A_134 : memref<256x128xf32, #tpu.memory_space<hbm>>)
    %dma_start3A_135 = arith.constant 48 : i32
    %dma_start3A_136 = arith.constant 0 : i32
    %dma_start3A_137 = arith.constant 0 : i32
    %dma_start3A_138 = tpu.memref_slice %arg7[%dma_start3A_136, %dma_start3A_137] : memref<256x128xf32, #tpu.memory_space<vmem>> -> memref<128x128xf32, #tpu.memory_space<vmem>>
    %dma_start3A_139 = arith.constant 0 : i32
    %dma_start3A_140 = tpu.memref_slice %arg6[%dma_start3A_135, %dma_start3A_139] : memref<50x128xi32, #tpu.memory_space<vmem>> -> memref<1x128xi32, #tpu.memory_space<vmem>>
    %dma_start3A_141 = tpu.memref_squeeze %dma_start3A_140 : memref<1x128xi32, #tpu.memory_space<vmem>> -> memref<128xi32, #tpu.memory_space<vmem>>
    %dma_start3A_142 = arith.constant 0 : i32
    %dma_start3A_143 = arith.constant 0 : i32
    %dma_start3A_144 = tpu.memref_slice %arg4[%dma_start3A_142, %dma_start3A_143] : memref<100000x128xf32, #tpu.memory_space<hbm>> -> memref<100000x128xf32, #tpu.memory_space<hbm>>
    tpu.enqueue_indirect_dma source(%dma_start3A_144 : memref<100000x128xf32, #tpu.memory_space<hbm>>) target(%dma_start3A_138 : memref<128x128xf32, #tpu.memory_space<vmem>>) offsets(%dma_start3A_141 : memref<128xi32, #tpu.memory_space<vmem>>) semaphore(%arg11 : memref<!tpu.dma_semaphore, #tpu.memory_space<semaphore_mem>>)
    %dma_start3A_145 = arith.constant 49 : i32
    %dma_start3A_146 = arith.constant 128 : i32
    %dma_start3A_147 = arith.constant 0 : i32
    %dma_start3A_148 = tpu.memref_slice %arg7[%dma_start3A_146, %dma_start3A_147] : memref<256x128xf32, #tpu.memory_space<vmem>> -> memref<128x128xf32, #tpu.memory_space<vmem>>
    %dma_start3A_149 = arith.constant 0 : i32
    %dma_start3A_150 = tpu.memref_slice %arg6[%dma_start3A_145, %dma_start3A_149] : memref<50x128xi32, #tpu.memory_space<vmem>> -> memref<1x128xi32, #tpu.memory_space<vmem>>
    %dma_start3A_151 = tpu.memref_squeeze %dma_start3A_150 : memref<1x128xi32, #tpu.memory_space<vmem>> -> memref<128xi32, #tpu.memory_space<vmem>>
    %dma_start3A_152 = arith.constant 0 : i32
    %dma_start3A_153 = arith.constant 0 : i32
    %dma_start3A_154 = tpu.memref_slice %arg4[%dma_start3A_152, %dma_start3A_153] : memref<100000x128xf32, #tpu.memory_space<hbm>> -> memref<100000x128xf32, #tpu.memory_space<hbm>>
    tpu.enqueue_indirect_dma source(%dma_start3A_154 : memref<100000x128xf32, #tpu.memory_space<hbm>>) target(%dma_start3A_148 : memref<128x128xf32, #tpu.memory_space<vmem>>) offsets(%dma_start3A_151 : memref<128xi32, #tpu.memory_space<vmem>>) semaphore(%arg11 : memref<!tpu.dma_semaphore, #tpu.memory_space<semaphore_mem>>)
    %dma_wait3A_155 = arith.constant 46 : i32
    %dma_wait3A_156 = arith.constant 0 : i32
    %dma_wait3A_157 = arith.constant 0 : i32
    %dma_wait3A_158 = tpu.memref_slice %arg9[%dma_wait3A_156, %dma_wait3A_157] : memref<256x128xf32, #tpu.memory_space<vmem>> -> memref<128x128xf32, #tpu.memory_space<vmem>>
    %dma_wait3A_159 = arith.constant 0 : i32
    %dma_wait3A_160 = tpu.memref_slice %arg6[%dma_wait3A_155, %dma_wait3A_159] : memref<50x128xi32, #tpu.memory_space<vmem>> -> memref<1x128xi32, #tpu.memory_space<vmem>>
    %dma_wait3A_161 = tpu.memref_squeeze %dma_wait3A_160 : memref<1x128xi32, #tpu.memory_space<vmem>> -> memref<128xi32, #tpu.memory_space<vmem>>
    %dma_wait3A_162 = arith.constant 0 : i32
    %dma_wait3A_163 = arith.constant 0 : i32
    %dma_wait3A_164 = tpu.memref_slice %arg4[%dma_wait3A_162, %dma_wait3A_163] : memref<100000x128xf32, #tpu.memory_space<hbm>> -> memref<100000x128xf32, #tpu.memory_space<hbm>>
    tpu.wait_indirect_dma semaphore(%arg13 : memref<!tpu.dma_semaphore, #tpu.memory_space<semaphore_mem>>) src(%dma_wait3A_164 : memref<100000x128xf32, #tpu.memory_space<hbm>>) dst(%dma_wait3A_158 : memref<128x128xf32, #tpu.memory_space<vmem>>)
    %dma_wait3A_165 = arith.constant 47 : i32
    %dma_wait3A_166 = arith.constant 128 : i32
    %dma_wait3A_167 = arith.constant 0 : i32
    %dma_wait3A_168 = tpu.memref_slice %arg9[%dma_wait3A_166, %dma_wait3A_167] : memref<256x128xf32, #tpu.memory_space<vmem>> -> memref<128x128xf32, #tpu.memory_space<vmem>>
    %dma_wait3A_169 = arith.constant 0 : i32
    %dma_wait3A_170 = tpu.memref_slice %arg6[%dma_wait3A_165, %dma_wait3A_169] : memref<50x128xi32, #tpu.memory_space<vmem>> -> memref<1x128xi32, #tpu.memory_space<vmem>>
    %dma_wait3A_171 = tpu.memref_squeeze %dma_wait3A_170 : memref<1x128xi32, #tpu.memory_space<vmem>> -> memref<128xi32, #tpu.memory_space<vmem>>
    %dma_wait3A_172 = arith.constant 0 : i32
    %dma_wait3A_173 = arith.constant 0 : i32
    %dma_wait3A_174 = tpu.memref_slice %arg4[%dma_wait3A_172, %dma_wait3A_173] : memref<100000x128xf32, #tpu.memory_space<hbm>> -> memref<100000x128xf32, #tpu.memory_space<hbm>>
    tpu.wait_indirect_dma semaphore(%arg13 : memref<!tpu.dma_semaphore, #tpu.memory_space<semaphore_mem>>) src(%dma_wait3A_174 : memref<100000x128xf32, #tpu.memory_space<hbm>>) dst(%dma_wait3A_168 : memref<128x128xf32, #tpu.memory_space<vmem>>)
    %parallel_loop3A_175 = arith.constant 0 : i32
    %parallel_loop3A_176 = arith.constant 256 : i32
    %parallel_loop3A_177 = arith.constant 1 : i32
    scf.for %parallel_loop3A_231 = %parallel_loop3A_175 to %parallel_loop3A_176 step %parallel_loop3A_177  : i32 {
      %parallel_loop3A_232 = arith.index_cast %parallel_loop3A_231 : i32 to index
      %parallel_loop3A_233 = arith.constant 0 : index
      %parallel_loop3A_234 = tpu.vector_load %arg9[%parallel_loop3A_232, %parallel_loop3A_233] {strides = array<i32>} : memref<256x128xf32, #tpu.memory_space<vmem>>, vector<1x16xf32>,
      %parallel_loop3A_235 = vector.shape_cast %parallel_loop3A_234 : vector<1x16xf32> to vector<16xf32>
      %parallel_loop3A_236 = tpu.bitcast %parallel_loop3A_235 : vector<16xf32> -> vector<16xi32>
      %parallel_loop3A_237 = arith.andi %parallel_loop3A_236, %broadcast_in_dim3A_7 : vector<16xi32>
      %parallel_loop3A_238 = arith.ori %parallel_loop3A_237, %bitcast_convert_type3A : vector<16xi32>
      %parallel_loop3A_239 = tpu.bitcast %parallel_loop3A_238 : vector<16xi32> -> vector<16xf32>
      %parallel_loop3A_240 = arith.constant 0.000000e+00 : f32
      %parallel_loop3A_241 = vector.broadcast %parallel_loop3A_240 : f32 to vector<16xf32>
      %parallel_loop3A_242 = arith.cmpf oeq, %parallel_loop3A_235, %parallel_loop3A_241 : vector<16xf32>
      %parallel_loop3A_243 = arith.constant 0.000000e+00 : f32
      %parallel_loop3A_244 = vector.broadcast %parallel_loop3A_243 : f32 to vector<16xf32>
      %parallel_loop3A_245 = arith.select %parallel_loop3A_242, %parallel_loop3A_244, %parallel_loop3A_239 : vector<16xi1>, vector<16xf32>
      %parallel_loop3A_246 = arith.index_cast %parallel_loop3A_231 : i32 to index
      %parallel_loop3A_247 = arith.constant 0 : index
      %parallel_loop3A_248 = tpu.vector_load %arg9[%parallel_loop3A_246, %parallel_loop3A_247] {strides = array<i32>} : memref<256x128xf32, #tpu.memory_space<vmem>>, vector<1x16xf32>,
      %parallel_loop3A_249 = vector.shape_cast %parallel_loop3A_248 : vector<1x16xf32> to vector<16xf32>
      %parallel_loop3A_250 = vector.shape_cast %parallel_loop3A_245 : vector<16xf32> to vector<1x16xf32>
      tpu.vector_store %arg9[%parallel_loop3A_246, %parallel_loop3A_247], %parallel_loop3A_250 {strides = array<i32>} : memref<256x128xf32, #tpu.memory_space<vmem>>, vector<1x16xf32>,
      %parallel_loop3A_251 = arith.index_cast %parallel_loop3A_231 : i32 to index
      %parallel_loop3A_252 = arith.constant 16 : index
      %parallel_loop3A_253 = tpu.vector_load %arg9[%parallel_loop3A_251, %parallel_loop3A_252] {strides = array<i32>} : memref<256x128xf32, #tpu.memory_space<vmem>>, vector<1x16xf32>,
      %parallel_loop3A_254 = vector.shape_cast %parallel_loop3A_253 : vector<1x16xf32> to vector<16xf32>
      %parallel_loop3A_255 = tpu.bitcast %parallel_loop3A_254 : vector<16xf32> -> vector<16xi32>
      %parallel_loop3A_256 = arith.andi %parallel_loop3A_255, %broadcast_in_dim3A_7 : vector<16xi32>
      %parallel_loop3A_257 = arith.ori %parallel_loop3A_256, %bitcast_convert_type3A : vector<16xi32>
      %parallel_loop3A_258 = tpu.bitcast %parallel_loop3A_257 : vector<16xi32> -> vector<16xf32>
      %parallel_loop3A_259 = arith.constant 0.000000e+00 : f32
      %parallel_loop3A_260 = vector.broadcast %parallel_loop3A_259 : f32 to vector<16xf32>
      %parallel_loop3A_261 = arith.cmpf oeq, %parallel_loop3A_254, %parallel_loop3A_260 : vector<16xf32>
      %parallel_loop3A_262 = arith.constant 0.000000e+00 : f32
      %parallel_loop3A_263 = vector.broadcast %parallel_loop3A_262 : f32 to vector<16xf32>
      %parallel_loop3A_264 = arith.select %parallel_loop3A_261, %parallel_loop3A_263, %parallel_loop3A_258 : vector<16xi1>, vector<16xf32>
      %parallel_loop3A_265 = arith.index_cast %parallel_loop3A_231 : i32 to index
      %parallel_loop3A_266 = arith.constant 16 : index
      %parallel_loop3A_267 = tpu.vector_load %arg9[%parallel_loop3A_265, %parallel_loop3A_266] {strides = array<i32>} : memref<256x128xf32, #tpu.memory_space<vmem>>, vector<1x16xf32>,
      %parallel_loop3A_268 = vector.shape_cast %parallel_loop3A_267 : vector<1x16xf32> to vector<16xf32>
      %parallel_loop3A_269 = vector.shape_cast %parallel_loop3A_264 : vector<16xf32> to vector<1x16xf32>
      tpu.vector_store %arg9[%parallel_loop3A_265, %parallel_loop3A_266], %parallel_loop3A_269 {strides = array<i32>} : memref<256x128xf32, #tpu.memory_space<vmem>>, vector<1x16xf32>,
      %parallel_loop3A_270 = arith.index_cast %parallel_loop3A_231 : i32 to index
      %parallel_loop3A_271 = arith.constant 32 : index
      %parallel_loop3A_272 = tpu.vector_load %arg9[%parallel_loop3A_270, %parallel_loop3A_271] {strides = array<i32>} : memref<256x128xf32, #tpu.memory_space<vmem>>, vector<1x16xf32>,
      %parallel_loop3A_273 = vector.shape_cast %parallel_loop3A_272 : vector<1x16xf32> to vector<16xf32>
      %parallel_loop3A_274 = tpu.bitcast %parallel_loop3A_273 : vector<16xf32> -> vector<16xi32>
      %parallel_loop3A_275 = arith.andi %parallel_loop3A_274, %broadcast_in_dim3A_7 : vector<16xi32>
      %parallel_loop3A_276 = arith.ori %parallel_loop3A_275, %bitcast_convert_type3A : vector<16xi32>
      %parallel_loop3A_277 = tpu.bitcast %parallel_loop3A_276 : vector<16xi32> -> vector<16xf32>
      %parallel_loop3A_278 = arith.constant 0.000000e+00 : f32
      %parallel_loop3A_279 = vector.broadcast %parallel_loop3A_278 : f32 to vector<16xf32>
      %parallel_loop3A_280 = arith.cmpf oeq, %parallel_loop3A_273, %parallel_loop3A_279 : vector<16xf32>
      %parallel_loop3A_281 = arith.constant 0.000000e+00 : f32
      %parallel_loop3A_282 = vector.broadcast %parallel_loop3A_281 : f32 to vector<16xf32>
      %parallel_loop3A_283 = arith.select %parallel_loop3A_280, %parallel_loop3A_282, %parallel_loop3A_277 : vector<16xi1>, vector<16xf32>
      %parallel_loop3A_284 = arith.index_cast %parallel_loop3A_231 : i32 to index
      %parallel_loop3A_285 = arith.constant 32 : index
      %parallel_loop3A_286 = tpu.vector_load %arg9[%parallel_loop3A_284, %parallel_loop3A_285] {strides = array<i32>} : memref<256x128xf32, #tpu.memory_space<vmem>>, vector<1x16xf32>,
      %parallel_loop3A_287 = vector.shape_cast %parallel_loop3A_286 : vector<1x16xf32> to vector<16xf32>
      %parallel_loop3A_288 = vector.shape_cast %parallel_loop3A_283 : vector<16xf32> to vector<1x16xf32>
      tpu.vector_store %arg9[%parallel_loop3A_284, %parallel_loop3A_285], %parallel_loop3A_288 {strides = array<i32>} : memref<256x128xf32, #tpu.memory_space<vmem>>, vector<1x16xf32>,
      %parallel_loop3A_289 = arith.index_cast %parallel_loop3A_231 : i32 to index
      %parallel_loop3A_290 = arith.constant 48 : index
      %parallel_loop3A_291 = tpu.vector_load %arg9[%parallel_loop3A_289, %parallel_loop3A_290] {strides = array<i32>} : memref<256x128xf32, #tpu.memory_space<vmem>>, vector<1x16xf32>,
      %parallel_loop3A_292 = vector.shape_cast %parallel_loop3A_291 : vector<1x16xf32> to vector<16xf32>
      %parallel_loop3A_293 = tpu.bitcast %parallel_loop3A_292 : vector<16xf32> -> vector<16xi32>
      %parallel_loop3A_294 = arith.andi %parallel_loop3A_293, %broadcast_in_dim3A_7 : vector<16xi32>
      %parallel_loop3A_295 = arith.ori %parallel_loop3A_294, %bitcast_convert_type3A : vector<16xi32>
      %parallel_loop3A_296 = tpu.bitcast %parallel_loop3A_295 : vector<16xi32> -> vector<16xf32>
      %parallel_loop3A_297 = arith.constant 0.000000e+00 : f32
      %parallel_loop3A_298 = vector.broadcast %parallel_loop3A_297 : f32 to vector<16xf32>
      %parallel_loop3A_299 = arith.cmpf oeq, %parallel_loop3A_292, %parallel_loop3A_298 : vector<16xf32>
      %parallel_loop3A_300 = arith.constant 0.000000e+00 : f32
      %parallel_loop3A_301 = vector.broadcast %parallel_loop3A_300 : f32 to vector<16xf32>
      %parallel_loop3A_302 = arith.select %parallel_loop3A_299, %parallel_loop3A_301, %parallel_loop3A_296 : vector<16xi1>, vector<16xf32>
      %parallel_loop3A_303 = arith.index_cast %parallel_loop3A_231 : i32 to index
      %parallel_loop3A_304 = arith.constant 48 : index
      %parallel_loop3A_305 = tpu.vector_load %arg9[%parallel_loop3A_303, %parallel_loop3A_304] {strides = array<i32>} : memref<256x128xf32, #tpu.memory_space<vmem>>, vector<1x16xf32>,
      %parallel_loop3A_306 = vector.shape_cast %parallel_loop3A_305 : vector<1x16xf32> to vector<16xf32>
      %parallel_loop3A_307 = vector.shape_cast %parallel_loop3A_302 : vector<16xf32> to vector<1x16xf32>
      tpu.vector_store %arg9[%parallel_loop3A_303, %parallel_loop3A_304], %parallel_loop3A_307 {strides = array<i32>} : memref<256x128xf32, #tpu.memory_space<vmem>>, vector<1x16xf32>,
      %parallel_loop3A_308 = arith.index_cast %parallel_loop3A_231 : i32 to index
      %parallel_loop3A_309 = arith.constant 64 : index
      %parallel_loop3A_310 = tpu.vector_load %arg9[%parallel_loop3A_308, %parallel_loop3A_309] {strides = array<i32>} : memref<256x128xf32, #tpu.memory_space<vmem>>, vector<1x16xf32>,
      %parallel_loop3A_311 = vector.shape_cast %parallel_loop3A_310 : vector<1x16xf32> to vector<16xf32>
      %parallel_loop3A_312 = tpu.bitcast %parallel_loop3A_311 : vector<16xf32> -> vector<16xi32>
      %parallel_loop3A_313 = arith.andi %parallel_loop3A_312, %broadcast_in_dim3A_7 : vector<16xi32>
      %parallel_loop3A_314 = arith.ori %parallel_loop3A_313, %bitcast_convert_type3A : vector<16xi32>
      %parallel_loop3A_315 = tpu.bitcast %parallel_loop3A_314 : vector<16xi32> -> vector<16xf32>
      %parallel_loop3A_316 = arith.constant 0.000000e+00 : f32
      %parallel_loop3A_317 = vector.broadcast %parallel_loop3A_316 : f32 to vector<16xf32>
      %parallel_loop3A_318 = arith.cmpf oeq, %parallel_loop3A_311, %parallel_loop3A_317 : vector<16xf32>
      %parallel_loop3A_319 = arith.constant 0.000000e+00 : f32
      %parallel_loop3A_320 = vector.broadcast %parallel_loop3A_319 : f32 to vector<16xf32>
      %parallel_loop3A_321 = arith.select %parallel_loop3A_318, %parallel_loop3A_320, %parallel_loop3A_315 : vector<16xi1>, vector<16xf32>
      %parallel_loop3A_322 = arith.index_cast %parallel_loop3A_231 : i32 to index
      %parallel_loop3A_323 = arith.constant 64 : index
      %parallel_loop3A_324 = tpu.vector_load %arg9[%parallel_loop3A_322, %parallel_loop3A_323] {strides = array<i32>} : memref<256x128xf32, #tpu.memory_space<vmem>>, vector<1x16xf32>,
      %parallel_loop3A_325 = vector.shape_cast %parallel_loop3A_324 : vector<1x16xf32> to vector<16xf32>
      %parallel_loop3A_326 = vector.shape_cast %parallel_loop3A_321 : vector<16xf32> to vector<1x16xf32>
      tpu.vector_store %arg9[%parallel_loop3A_322, %parallel_loop3A_323], %parallel_loop3A_326 {strides = array<i32>} : memref<256x128xf32, #tpu.memory_space<vmem>>, vector<1x16xf32>,
      %parallel_loop3A_327 = arith.index_cast %parallel_loop3A_231 : i32 to index
      %parallel_loop3A_328 = arith.constant 80 : index
      %parallel_loop3A_329 = tpu.vector_load %arg9[%parallel_loop3A_327, %parallel_loop3A_328] {strides = array<i32>} : memref<256x128xf32, #tpu.memory_space<vmem>>, vector<1x16xf32>,
      %parallel_loop3A_330 = vector.shape_cast %parallel_loop3A_329 : vector<1x16xf32> to vector<16xf32>
      %parallel_loop3A_331 = tpu.bitcast %parallel_loop3A_330 : vector<16xf32> -> vector<16xi32>
      %parallel_loop3A_332 = arith.andi %parallel_loop3A_331, %broadcast_in_dim3A_7 : vector<16xi32>
      %parallel_loop3A_333 = arith.ori %parallel_loop3A_332, %bitcast_convert_type3A : vector<16xi32>
      %parallel_loop3A_334 = tpu.bitcast %parallel_loop3A_333 : vector<16xi32> -> vector<16xf32>
      %parallel_loop3A_335 = arith.constant 0.000000e+00 : f32
      %parallel_loop3A_336 = vector.broadcast %parallel_loop3A_335 : f32 to vector<16xf32>
      %parallel_loop3A_337 = arith.cmpf oeq, %parallel_loop3A_330, %parallel_loop3A_336 : vector<16xf32>
      %parallel_loop3A_338 = arith.constant 0.000000e+00 : f32
      %parallel_loop3A_339 = vector.broadcast %parallel_loop3A_338 : f32 to vector<16xf32>
      %parallel_loop3A_340 = arith.select %parallel_loop3A_337, %parallel_loop3A_339, %parallel_loop3A_334 : vector<16xi1>, vector<16xf32>
      %parallel_loop3A_341 = arith.index_cast %parallel_loop3A_231 : i32 to index
      %parallel_loop3A_342 = arith.constant 80 : index
      %parallel_loop3A_343 = tpu.vector_load %arg9[%parallel_loop3A_341, %parallel_loop3A_342] {strides = array<i32>} : memref<256x128xf32, #tpu.memory_space<vmem>>, vector<1x16xf32>,
      %parallel_loop3A_344 = vector.shape_cast %parallel_loop3A_343 : vector<1x16xf32> to vector<16xf32>
      %parallel_loop3A_345 = vector.shape_cast %parallel_loop3A_340 : vector<16xf32> to vector<1x16xf32>
      tpu.vector_store %arg9[%parallel_loop3A_341, %parallel_loop3A_342], %parallel_loop3A_345 {strides = array<i32>} : memref<256x128xf32, #tpu.memory_space<vmem>>, vector<1x16xf32>,
      %parallel_loop3A_346 = arith.index_cast %parallel_loop3A_231 : i32 to index
      %parallel_loop3A_347 = arith.constant 96 : index
      %parallel_loop3A_348 = tpu.vector_load %arg9[%parallel_loop3A_346, %parallel_loop3A_347] {strides = array<i32>} : memref<256x128xf32, #tpu.memory_space<vmem>>, vector<1x16xf32>,
      %parallel_loop3A_349 = vector.shape_cast %parallel_loop3A_348 : vector<1x16xf32> to vector<16xf32>
      %parallel_loop3A_350 = tpu.bitcast %parallel_loop3A_349 : vector<16xf32> -> vector<16xi32>
      %parallel_loop3A_351 = arith.andi %parallel_loop3A_350, %broadcast_in_dim3A_7 : vector<16xi32>
      %parallel_loop3A_352 = arith.ori %parallel_loop3A_351, %bitcast_convert_type3A : vector<16xi32>
      %parallel_loop3A_353 = tpu.bitcast %parallel_loop3A_352 : vector<16xi32> -> vector<16xf32>
      %parallel_loop3A_354 = arith.constant 0.000000e+00 : f32
      %parallel_loop3A_355 = vector.broadcast %parallel_loop3A_354 : f32 to vector<16xf32>
      %parallel_loop3A_356 = arith.cmpf oeq, %parallel_loop3A_349, %parallel_loop3A_355 : vector<16xf32>
      %parallel_loop3A_357 = arith.constant 0.000000e+00 : f32
      %parallel_loop3A_358 = vector.broadcast %parallel_loop3A_357 : f32 to vector<16xf32>
      %parallel_loop3A_359 = arith.select %parallel_loop3A_356, %parallel_loop3A_358, %parallel_loop3A_353 : vector<16xi1>, vector<16xf32>
      %parallel_loop3A_360 = arith.index_cast %parallel_loop3A_231 : i32 to index
      %parallel_loop3A_361 = arith.constant 96 : index
      %parallel_loop3A_362 = tpu.vector_load %arg9[%parallel_loop3A_360, %parallel_loop3A_361] {strides = array<i32>} : memref<256x128xf32, #tpu.memory_space<vmem>>, vector<1x16xf32>,
      %parallel_loop3A_363 = vector.shape_cast %parallel_loop3A_362 : vector<1x16xf32> to vector<16xf32>
      %parallel_loop3A_364 = vector.shape_cast %parallel_loop3A_359 : vector<16xf32> to vector<1x16xf32>
      tpu.vector_store %arg9[%parallel_loop3A_360, %parallel_loop3A_361], %parallel_loop3A_364 {strides = array<i32>} : memref<256x128xf32, #tpu.memory_space<vmem>>, vector<1x16xf32>,
      %parallel_loop3A_365 = arith.index_cast %parallel_loop3A_231 : i32 to index
      %parallel_loop3A_366 = arith.constant 112 : index
      %parallel_loop3A_367 = tpu.vector_load %arg9[%parallel_loop3A_365, %parallel_loop3A_366] {strides = array<i32>} : memref<256x128xf32, #tpu.memory_space<vmem>>, vector<1x16xf32>,
      %parallel_loop3A_368 = vector.shape_cast %parallel_loop3A_367 : vector<1x16xf32> to vector<16xf32>
      %parallel_loop3A_369 = tpu.bitcast %parallel_loop3A_368 : vector<16xf32> -> vector<16xi32>
      %parallel_loop3A_370 = arith.andi %parallel_loop3A_369, %broadcast_in_dim3A_7 : vector<16xi32>
      %parallel_loop3A_371 = arith.ori %parallel_loop3A_370, %bitcast_convert_type3A : vector<16xi32>
      %parallel_loop3A_372 = tpu.bitcast %parallel_loop3A_371 : vector<16xi32> -> vector<16xf32>
      %parallel_loop3A_373 = arith.constant 0.000000e+00 : f32
      %parallel_loop3A_374 = vector.broadcast %parallel_loop3A_373 : f32 to vector<16xf32>
      %parallel_loop3A_375 = arith.cmpf oeq, %parallel_loop3A_368, %parallel_loop3A_374 : vector<16xf32>
      %parallel_loop3A_376 = arith.constant 0.000000e+00 : f32
      %parallel_loop3A_377 = vector.broadcast %parallel_loop3A_376 : f32 to vector<16xf32>
      %parallel_loop3A_378 = arith.select %parallel_loop3A_375, %parallel_loop3A_377, %parallel_loop3A_372 : vector<16xi1>, vector<16xf32>
      %parallel_loop3A_379 = arith.index_cast %parallel_loop3A_231 : i32 to index
      %parallel_loop3A_380 = arith.constant 112 : index
      %parallel_loop3A_381 = tpu.vector_load %arg9[%parallel_loop3A_379, %parallel_loop3A_380] {strides = array<i32>} : memref<256x128xf32, #tpu.memory_space<vmem>>, vector<1x16xf32>,
      %parallel_loop3A_382 = vector.shape_cast %parallel_loop3A_381 : vector<1x16xf32> to vector<16xf32>
      %parallel_loop3A_383 = vector.shape_cast %parallel_loop3A_378 : vector<16xf32> to vector<1x16xf32>
      tpu.vector_store %arg9[%parallel_loop3A_379, %parallel_loop3A_380], %parallel_loop3A_383 {strides = array<i32>} : memref<256x128xf32, #tpu.memory_space<vmem>>, vector<1x16xf32>,
    } {sc.loop_unroll_factor = 2 : i64, sc.parallel_access}
    %add3A_178 = arith.constant 5888 : i32
    %add3A_179 = arith.addi %mul3A_2, %add3A_178 : i32
    %dma_start3A_180 = arith.constant 0 : i32
    %dma_start3A_181 = tpu.memref_slice %arg5[%add3A_179, %dma_start3A_180] : memref<204800x128xf32, #tpu.memory_space<hbm>> -> memref<256x128xf32, #tpu.memory_space<hbm>>
    %dma_start3A_182 = arith.constant 0 : i32
    %dma_start3A_183 = tpu.memref_slice %arg5[%add3A_179, %dma_start3A_182] : memref<204800x128xf32, #tpu.memory_space<hbm>> -> memref<256x128xf32, #tpu.memory_space<hbm>>
    tpu.enqueue_dma source(%arg9 : memref<256x128xf32, #tpu.memory_space<vmem>>) target(%dma_start3A_183 : memref<256x128xf32, #tpu.memory_space<hbm>>) target_semaphore(%arg16 : memref<!tpu.dma_semaphore, #tpu.memory_space<semaphore_mem>>)
    %add3A_184 = arith.constant 5632 : i32
    %add3A_185 = arith.addi %mul3A_2, %add3A_184 : i32
    %dma_wait3A_186 = arith.constant 0 : i32
    %dma_wait3A_187 = tpu.memref_slice %arg5[%add3A_185, %dma_wait3A_186] : memref<204800x128xf32, #tpu.memory_space<hbm>> -> memref<256x128xf32, #tpu.memory_space<hbm>>
    %dma_wait3A_188 = arith.constant 0 : i32
    %dma_wait3A_189 = tpu.memref_slice %arg5[%add3A_185, %dma_wait3A_188] : memref<204800x128xf32, #tpu.memory_space<hbm>> -> memref<256x128xf32, #tpu.memory_space<hbm>>
    tpu.wait_dma2 semaphore(%arg15 : memref<!tpu.dma_semaphore, #tpu.memory_space<semaphore_mem>>) src(%arg8 : memref<256x128xf32, #tpu.memory_space<vmem>>) dst(%dma_wait3A_189 : memref<256x128xf32, #tpu.memory_space<hbm>>)
    %dma_wait3A_190 = arith.constant 48 : i32
    %dma_wait3A_191 = arith.constant 0 : i32
    %dma_wait3A_192 = arith.constant 0 : i32
    %dma_wait3A_193 = tpu.memref_slice %arg7[%dma_wait3A_191, %dma_wait3A_192] : memref<256x128xf32, #tpu.memory_space<vmem>> -> memref<128x128xf32, #tpu.memory_space<vmem>>
    %dma_wait3A_194 = arith.constant 0 : i32
    %dma_wait3A_195 = tpu.memref_slice %arg6[%dma_wait3A_190, %dma_wait3A_194] : memref<50x128xi32, #tpu.memory_space<vmem>> -> memref<1x128xi32, #tpu.memory_space<vmem>>
    %dma_wait3A_196 = tpu.memref_squeeze %dma_wait3A_195 : memref<1x128xi32, #tpu.memory_space<vmem>> -> memref<128xi32, #tpu.memory_space<vmem>>
    %dma_wait3A_197 = arith.constant 0 : i32
    %dma_wait3A_198 = arith.constant 0 : i32
    %dma_wait3A_199 = tpu.memref_slice %arg4[%dma_wait3A_197, %dma_wait3A_198] : memref<100000x128xf32, #tpu.memory_space<hbm>> -> memref<100000x128xf32, #tpu.memory_space<hbm>>
    tpu.wait_indirect_dma semaphore(%arg11 : memref<!tpu.dma_semaphore, #tpu.memory_space<semaphore_mem>>) src(%dma_wait3A_199 : memref<100000x128xf32, #tpu.memory_space<hbm>>) dst(%dma_wait3A_193 : memref<128x128xf32, #tpu.memory_space<vmem>>)
    %dma_wait3A_200 = arith.constant 49 : i32
    %dma_wait3A_201 = arith.constant 128 : i32
    %dma_wait3A_202 = arith.constant 0 : i32
    %dma_wait3A_203 = tpu.memref_slice %arg7[%dma_wait3A_201, %dma_wait3A_202] : memref<256x128xf32, #tpu.memory_space<vmem>> -> memref<128x128xf32, #tpu.memory_space<vmem>>
    %dma_wait3A_204 = arith.constant 0 : i32
    %dma_wait3A_205 = tpu.memref_slice %arg6[%dma_wait3A_200, %dma_wait3A_204] : memref<50x128xi32, #tpu.memory_space<vmem>> -> memref<1x128xi32, #tpu.memory_space<vmem>>
    %dma_wait3A_206 = tpu.memref_squeeze %dma_wait3A_205 : memref<1x128xi32, #tpu.memory_space<vmem>> -> memref<128xi32, #tpu.memory_space<vmem>>
    %dma_wait3A_207 = arith.constant 0 : i32
    %dma_wait3A_208 = arith.constant 0 : i32
    %dma_wait3A_209 = tpu.memref_slice %arg4[%dma_wait3A_207, %dma_wait3A_208] : memref<100000x128xf32, #tpu.memory_space<hbm>> -> memref<100000x128xf32, #tpu.memory_space<hbm>>
    tpu.wait_indirect_dma semaphore(%arg11 : memref<!tpu.dma_semaphore, #tpu.memory_space<semaphore_mem>>) src(%dma_wait3A_209 : memref<100000x128xf32, #tpu.memory_space<hbm>>) dst(%dma_wait3A_203 : memref<128x128xf32, #tpu.memory_space<vmem>>)
    %parallel_loop3A_210 = arith.constant 0 : i32
    %parallel_loop3A_211 = arith.constant 256 : i32
    %parallel_loop3A_212 = arith.constant 1 : i32
    scf.for %parallel_loop3A_231 = %parallel_loop3A_210 to %parallel_loop3A_211 step %parallel_loop3A_212  : i32 {
      %parallel_loop3A_232 = arith.index_cast %parallel_loop3A_231 : i32 to index
      %parallel_loop3A_233 = arith.constant 0 : index
      %parallel_loop3A_234 = tpu.vector_load %arg7[%parallel_loop3A_232, %parallel_loop3A_233] {strides = array<i32>} : memref<256x128xf32, #tpu.memory_space<vmem>>, vector<1x16xf32>,
      %parallel_loop3A_235 = vector.shape_cast %parallel_loop3A_234 : vector<1x16xf32> to vector<16xf32>
      %parallel_loop3A_236 = tpu.bitcast %parallel_loop3A_235 : vector<16xf32> -> vector<16xi32>
      %parallel_loop3A_237 = arith.andi %parallel_loop3A_236, %broadcast_in_dim3A_7 : vector<16xi32>
      %parallel_loop3A_238 = arith.ori %parallel_loop3A_237, %bitcast_convert_type3A : vector<16xi32>
      %parallel_loop3A_239 = tpu.bitcast %parallel_loop3A_238 : vector<16xi32> -> vector<16xf32>
      %parallel_loop3A_240 = arith.constant 0.000000e+00 : f32
      %parallel_loop3A_241 = vector.broadcast %parallel_loop3A_240 : f32 to vector<16xf32>
      %parallel_loop3A_242 = arith.cmpf oeq, %parallel_loop3A_235, %parallel_loop3A_241 : vector<16xf32>
      %parallel_loop3A_243 = arith.constant 0.000000e+00 : f32
      %parallel_loop3A_244 = vector.broadcast %parallel_loop3A_243 : f32 to vector<16xf32>
      %parallel_loop3A_245 = arith.select %parallel_loop3A_242, %parallel_loop3A_244, %parallel_loop3A_239 : vector<16xi1>, vector<16xf32>
      %parallel_loop3A_246 = arith.index_cast %parallel_loop3A_231 : i32 to index
      %parallel_loop3A_247 = arith.constant 0 : index
      %parallel_loop3A_248 = tpu.vector_load %arg7[%parallel_loop3A_246, %parallel_loop3A_247] {strides = array<i32>} : memref<256x128xf32, #tpu.memory_space<vmem>>, vector<1x16xf32>,
      %parallel_loop3A_249 = vector.shape_cast %parallel_loop3A_248 : vector<1x16xf32> to vector<16xf32>
      %parallel_loop3A_250 = vector.shape_cast %parallel_loop3A_245 : vector<16xf32> to vector<1x16xf32>
      tpu.vector_store %arg7[%parallel_loop3A_246, %parallel_loop3A_247], %parallel_loop3A_250 {strides = array<i32>} : memref<256x128xf32, #tpu.memory_space<vmem>>, vector<1x16xf32>,
      %parallel_loop3A_251 = arith.index_cast %parallel_loop3A_231 : i32 to index
      %parallel_loop3A_252 = arith.constant 16 : index
      %parallel_loop3A_253 = tpu.vector_load %arg7[%parallel_loop3A_251, %parallel_loop3A_252] {strides = array<i32>} : memref<256x128xf32, #tpu.memory_space<vmem>>, vector<1x16xf32>,
      %parallel_loop3A_254 = vector.shape_cast %parallel_loop3A_253 : vector<1x16xf32> to vector<16xf32>
      %parallel_loop3A_255 = tpu.bitcast %parallel_loop3A_254 : vector<16xf32> -> vector<16xi32>
      %parallel_loop3A_256 = arith.andi %parallel_loop3A_255, %broadcast_in_dim3A_7 : vector<16xi32>
      %parallel_loop3A_257 = arith.ori %parallel_loop3A_256, %bitcast_convert_type3A : vector<16xi32>
      %parallel_loop3A_258 = tpu.bitcast %parallel_loop3A_257 : vector<16xi32> -> vector<16xf32>
      %parallel_loop3A_259 = arith.constant 0.000000e+00 : f32
      %parallel_loop3A_260 = vector.broadcast %parallel_loop3A_259 : f32 to vector<16xf32>
      %parallel_loop3A_261 = arith.cmpf oeq, %parallel_loop3A_254, %parallel_loop3A_260 : vector<16xf32>
      %parallel_loop3A_262 = arith.constant 0.000000e+00 : f32
      %parallel_loop3A_263 = vector.broadcast %parallel_loop3A_262 : f32 to vector<16xf32>
      %parallel_loop3A_264 = arith.select %parallel_loop3A_261, %parallel_loop3A_263, %parallel_loop3A_258 : vector<16xi1>, vector<16xf32>
      %parallel_loop3A_265 = arith.index_cast %parallel_loop3A_231 : i32 to index
      %parallel_loop3A_266 = arith.constant 16 : index
      %parallel_loop3A_267 = tpu.vector_load %arg7[%parallel_loop3A_265, %parallel_loop3A_266] {strides = array<i32>} : memref<256x128xf32, #tpu.memory_space<vmem>>, vector<1x16xf32>,
      %parallel_loop3A_268 = vector.shape_cast %parallel_loop3A_267 : vector<1x16xf32> to vector<16xf32>
      %parallel_loop3A_269 = vector.shape_cast %parallel_loop3A_264 : vector<16xf32> to vector<1x16xf32>
      tpu.vector_store %arg7[%parallel_loop3A_265, %parallel_loop3A_266], %parallel_loop3A_269 {strides = array<i32>} : memref<256x128xf32, #tpu.memory_space<vmem>>, vector<1x16xf32>,
      %parallel_loop3A_270 = arith.index_cast %parallel_loop3A_231 : i32 to index
      %parallel_loop3A_271 = arith.constant 32 : index
      %parallel_loop3A_272 = tpu.vector_load %arg7[%parallel_loop3A_270, %parallel_loop3A_271] {strides = array<i32>} : memref<256x128xf32, #tpu.memory_space<vmem>>, vector<1x16xf32>,
      %parallel_loop3A_273 = vector.shape_cast %parallel_loop3A_272 : vector<1x16xf32> to vector<16xf32>
      %parallel_loop3A_274 = tpu.bitcast %parallel_loop3A_273 : vector<16xf32> -> vector<16xi32>
      %parallel_loop3A_275 = arith.andi %parallel_loop3A_274, %broadcast_in_dim3A_7 : vector<16xi32>
      %parallel_loop3A_276 = arith.ori %parallel_loop3A_275, %bitcast_convert_type3A : vector<16xi32>
      %parallel_loop3A_277 = tpu.bitcast %parallel_loop3A_276 : vector<16xi32> -> vector<16xf32>
      %parallel_loop3A_278 = arith.constant 0.000000e+00 : f32
      %parallel_loop3A_279 = vector.broadcast %parallel_loop3A_278 : f32 to vector<16xf32>
      %parallel_loop3A_280 = arith.cmpf oeq, %parallel_loop3A_273, %parallel_loop3A_279 : vector<16xf32>
      %parallel_loop3A_281 = arith.constant 0.000000e+00 : f32
      %parallel_loop3A_282 = vector.broadcast %parallel_loop3A_281 : f32 to vector<16xf32>
      %parallel_loop3A_283 = arith.select %parallel_loop3A_280, %parallel_loop3A_282, %parallel_loop3A_277 : vector<16xi1>, vector<16xf32>
      %parallel_loop3A_284 = arith.index_cast %parallel_loop3A_231 : i32 to index
      %parallel_loop3A_285 = arith.constant 32 : index
      %parallel_loop3A_286 = tpu.vector_load %arg7[%parallel_loop3A_284, %parallel_loop3A_285] {strides = array<i32>} : memref<256x128xf32, #tpu.memory_space<vmem>>, vector<1x16xf32>,
      %parallel_loop3A_287 = vector.shape_cast %parallel_loop3A_286 : vector<1x16xf32> to vector<16xf32>
      %parallel_loop3A_288 = vector.shape_cast %parallel_loop3A_283 : vector<16xf32> to vector<1x16xf32>
      tpu.vector_store %arg7[%parallel_loop3A_284, %parallel_loop3A_285], %parallel_loop3A_288 {strides = array<i32>} : memref<256x128xf32, #tpu.memory_space<vmem>>, vector<1x16xf32>,
      %parallel_loop3A_289 = arith.index_cast %parallel_loop3A_231 : i32 to index
      %parallel_loop3A_290 = arith.constant 48 : index
      %parallel_loop3A_291 = tpu.vector_load %arg7[%parallel_loop3A_289, %parallel_loop3A_290] {strides = array<i32>} : memref<256x128xf32, #tpu.memory_space<vmem>>, vector<1x16xf32>,
      %parallel_loop3A_292 = vector.shape_cast %parallel_loop3A_291 : vector<1x16xf32> to vector<16xf32>
      %parallel_loop3A_293 = tpu.bitcast %parallel_loop3A_292 : vector<16xf32> -> vector<16xi32>
      %parallel_loop3A_294 = arith.andi %parallel_loop3A_293, %broadcast_in_dim3A_7 : vector<16xi32>
      %parallel_loop3A_295 = arith.ori %parallel_loop3A_294, %bitcast_convert_type3A : vector<16xi32>
      %parallel_loop3A_296 = tpu.bitcast %parallel_loop3A_295 : vector<16xi32> -> vector<16xf32>
      %parallel_loop3A_297 = arith.constant 0.000000e+00 : f32
      %parallel_loop3A_298 = vector.broadcast %parallel_loop3A_297 : f32 to vector<16xf32>
      %parallel_loop3A_299 = arith.cmpf oeq, %parallel_loop3A_292, %parallel_loop3A_298 : vector<16xf32>
      %parallel_loop3A_300 = arith.constant 0.000000e+00 : f32
      %parallel_loop3A_301 = vector.broadcast %parallel_loop3A_300 : f32 to vector<16xf32>
      %parallel_loop3A_302 = arith.select %parallel_loop3A_299, %parallel_loop3A_301, %parallel_loop3A_296 : vector<16xi1>, vector<16xf32>
      %parallel_loop3A_303 = arith.index_cast %parallel_loop3A_231 : i32 to index
      %parallel_loop3A_304 = arith.constant 48 : index
      %parallel_loop3A_305 = tpu.vector_load %arg7[%parallel_loop3A_303, %parallel_loop3A_304] {strides = array<i32>} : memref<256x128xf32, #tpu.memory_space<vmem>>, vector<1x16xf32>,
      %parallel_loop3A_306 = vector.shape_cast %parallel_loop3A_305 : vector<1x16xf32> to vector<16xf32>
      %parallel_loop3A_307 = vector.shape_cast %parallel_loop3A_302 : vector<16xf32> to vector<1x16xf32>
      tpu.vector_store %arg7[%parallel_loop3A_303, %parallel_loop3A_304], %parallel_loop3A_307 {strides = array<i32>} : memref<256x128xf32, #tpu.memory_space<vmem>>, vector<1x16xf32>,
      %parallel_loop3A_308 = arith.index_cast %parallel_loop3A_231 : i32 to index
      %parallel_loop3A_309 = arith.constant 64 : index
      %parallel_loop3A_310 = tpu.vector_load %arg7[%parallel_loop3A_308, %parallel_loop3A_309] {strides = array<i32>} : memref<256x128xf32, #tpu.memory_space<vmem>>, vector<1x16xf32>,
      %parallel_loop3A_311 = vector.shape_cast %parallel_loop3A_310 : vector<1x16xf32> to vector<16xf32>
      %parallel_loop3A_312 = tpu.bitcast %parallel_loop3A_311 : vector<16xf32> -> vector<16xi32>
      %parallel_loop3A_313 = arith.andi %parallel_loop3A_312, %broadcast_in_dim3A_7 : vector<16xi32>
      %parallel_loop3A_314 = arith.ori %parallel_loop3A_313, %bitcast_convert_type3A : vector<16xi32>
      %parallel_loop3A_315 = tpu.bitcast %parallel_loop3A_314 : vector<16xi32> -> vector<16xf32>
      %parallel_loop3A_316 = arith.constant 0.000000e+00 : f32
      %parallel_loop3A_317 = vector.broadcast %parallel_loop3A_316 : f32 to vector<16xf32>
      %parallel_loop3A_318 = arith.cmpf oeq, %parallel_loop3A_311, %parallel_loop3A_317 : vector<16xf32>
      %parallel_loop3A_319 = arith.constant 0.000000e+00 : f32
      %parallel_loop3A_320 = vector.broadcast %parallel_loop3A_319 : f32 to vector<16xf32>
      %parallel_loop3A_321 = arith.select %parallel_loop3A_318, %parallel_loop3A_320, %parallel_loop3A_315 : vector<16xi1>, vector<16xf32>
      %parallel_loop3A_322 = arith.index_cast %parallel_loop3A_231 : i32 to index
      %parallel_loop3A_323 = arith.constant 64 : index
      %parallel_loop3A_324 = tpu.vector_load %arg7[%parallel_loop3A_322, %parallel_loop3A_323] {strides = array<i32>} : memref<256x128xf32, #tpu.memory_space<vmem>>, vector<1x16xf32>,
      %parallel_loop3A_325 = vector.shape_cast %parallel_loop3A_324 : vector<1x16xf32> to vector<16xf32>
      %parallel_loop3A_326 = vector.shape_cast %parallel_loop3A_321 : vector<16xf32> to vector<1x16xf32>
      tpu.vector_store %arg7[%parallel_loop3A_322, %parallel_loop3A_323], %parallel_loop3A_326 {strides = array<i32>} : memref<256x128xf32, #tpu.memory_space<vmem>>, vector<1x16xf32>,
      %parallel_loop3A_327 = arith.index_cast %parallel_loop3A_231 : i32 to index
      %parallel_loop3A_328 = arith.constant 80 : index
      %parallel_loop3A_329 = tpu.vector_load %arg7[%parallel_loop3A_327, %parallel_loop3A_328] {strides = array<i32>} : memref<256x128xf32, #tpu.memory_space<vmem>>, vector<1x16xf32>,
      %parallel_loop3A_330 = vector.shape_cast %parallel_loop3A_329 : vector<1x16xf32> to vector<16xf32>
      %parallel_loop3A_331 = tpu.bitcast %parallel_loop3A_330 : vector<16xf32> -> vector<16xi32>
      %parallel_loop3A_332 = arith.andi %parallel_loop3A_331, %broadcast_in_dim3A_7 : vector<16xi32>
      %parallel_loop3A_333 = arith.ori %parallel_loop3A_332, %bitcast_convert_type3A : vector<16xi32>
      %parallel_loop3A_334 = tpu.bitcast %parallel_loop3A_333 : vector<16xi32> -> vector<16xf32>
      %parallel_loop3A_335 = arith.constant 0.000000e+00 : f32
      %parallel_loop3A_336 = vector.broadcast %parallel_loop3A_335 : f32 to vector<16xf32>
      %parallel_loop3A_337 = arith.cmpf oeq, %parallel_loop3A_330, %parallel_loop3A_336 : vector<16xf32>
      %parallel_loop3A_338 = arith.constant 0.000000e+00 : f32
      %parallel_loop3A_339 = vector.broadcast %parallel_loop3A_338 : f32 to vector<16xf32>
      %parallel_loop3A_340 = arith.select %parallel_loop3A_337, %parallel_loop3A_339, %parallel_loop3A_334 : vector<16xi1>, vector<16xf32>
      %parallel_loop3A_341 = arith.index_cast %parallel_loop3A_231 : i32 to index
      %parallel_loop3A_342 = arith.constant 80 : index
      %parallel_loop3A_343 = tpu.vector_load %arg7[%parallel_loop3A_341, %parallel_loop3A_342] {strides = array<i32>} : memref<256x128xf32, #tpu.memory_space<vmem>>, vector<1x16xf32>,
      %parallel_loop3A_344 = vector.shape_cast %parallel_loop3A_343 : vector<1x16xf32> to vector<16xf32>
      %parallel_loop3A_345 = vector.shape_cast %parallel_loop3A_340 : vector<16xf32> to vector<1x16xf32>
      tpu.vector_store %arg7[%parallel_loop3A_341, %parallel_loop3A_342], %parallel_loop3A_345 {strides = array<i32>} : memref<256x128xf32, #tpu.memory_space<vmem>>, vector<1x16xf32>,
      %parallel_loop3A_346 = arith.index_cast %parallel_loop3A_231 : i32 to index
      %parallel_loop3A_347 = arith.constant 96 : index
      %parallel_loop3A_348 = tpu.vector_load %arg7[%parallel_loop3A_346, %parallel_loop3A_347] {strides = array<i32>} : memref<256x128xf32, #tpu.memory_space<vmem>>, vector<1x16xf32>,
      %parallel_loop3A_349 = vector.shape_cast %parallel_loop3A_348 : vector<1x16xf32> to vector<16xf32>
      %parallel_loop3A_350 = tpu.bitcast %parallel_loop3A_349 : vector<16xf32> -> vector<16xi32>
      %parallel_loop3A_351 = arith.andi %parallel_loop3A_350, %broadcast_in_dim3A_7 : vector<16xi32>
      %parallel_loop3A_352 = arith.ori %parallel_loop3A_351, %bitcast_convert_type3A : vector<16xi32>
      %parallel_loop3A_353 = tpu.bitcast %parallel_loop3A_352 : vector<16xi32> -> vector<16xf32>
      %parallel_loop3A_354 = arith.constant 0.000000e+00 : f32
      %parallel_loop3A_355 = vector.broadcast %parallel_loop3A_354 : f32 to vector<16xf32>
      %parallel_loop3A_356 = arith.cmpf oeq, %parallel_loop3A_349, %parallel_loop3A_355 : vector<16xf32>
      %parallel_loop3A_357 = arith.constant 0.000000e+00 : f32
      %parallel_loop3A_358 = vector.broadcast %parallel_loop3A_357 : f32 to vector<16xf32>
      %parallel_loop3A_359 = arith.select %parallel_loop3A_356, %parallel_loop3A_358, %parallel_loop3A_353 : vector<16xi1>, vector<16xf32>
      %parallel_loop3A_360 = arith.index_cast %parallel_loop3A_231 : i32 to index
      %parallel_loop3A_361 = arith.constant 96 : index
      %parallel_loop3A_362 = tpu.vector_load %arg7[%parallel_loop3A_360, %parallel_loop3A_361] {strides = array<i32>} : memref<256x128xf32, #tpu.memory_space<vmem>>, vector<1x16xf32>,
      %parallel_loop3A_363 = vector.shape_cast %parallel_loop3A_362 : vector<1x16xf32> to vector<16xf32>
      %parallel_loop3A_364 = vector.shape_cast %parallel_loop3A_359 : vector<16xf32> to vector<1x16xf32>
      tpu.vector_store %arg7[%parallel_loop3A_360, %parallel_loop3A_361], %parallel_loop3A_364 {strides = array<i32>} : memref<256x128xf32, #tpu.memory_space<vmem>>, vector<1x16xf32>,
      %parallel_loop3A_365 = arith.index_cast %parallel_loop3A_231 : i32 to index
      %parallel_loop3A_366 = arith.constant 112 : index
      %parallel_loop3A_367 = tpu.vector_load %arg7[%parallel_loop3A_365, %parallel_loop3A_366] {strides = array<i32>} : memref<256x128xf32, #tpu.memory_space<vmem>>, vector<1x16xf32>,
      %parallel_loop3A_368 = vector.shape_cast %parallel_loop3A_367 : vector<1x16xf32> to vector<16xf32>
      %parallel_loop3A_369 = tpu.bitcast %parallel_loop3A_368 : vector<16xf32> -> vector<16xi32>
      %parallel_loop3A_370 = arith.andi %parallel_loop3A_369, %broadcast_in_dim3A_7 : vector<16xi32>
      %parallel_loop3A_371 = arith.ori %parallel_loop3A_370, %bitcast_convert_type3A : vector<16xi32>
      %parallel_loop3A_372 = tpu.bitcast %parallel_loop3A_371 : vector<16xi32> -> vector<16xf32>
      %parallel_loop3A_373 = arith.constant 0.000000e+00 : f32
      %parallel_loop3A_374 = vector.broadcast %parallel_loop3A_373 : f32 to vector<16xf32>
      %parallel_loop3A_375 = arith.cmpf oeq, %parallel_loop3A_368, %parallel_loop3A_374 : vector<16xf32>
      %parallel_loop3A_376 = arith.constant 0.000000e+00 : f32
      %parallel_loop3A_377 = vector.broadcast %parallel_loop3A_376 : f32 to vector<16xf32>
      %parallel_loop3A_378 = arith.select %parallel_loop3A_375, %parallel_loop3A_377, %parallel_loop3A_372 : vector<16xi1>, vector<16xf32>
      %parallel_loop3A_379 = arith.index_cast %parallel_loop3A_231 : i32 to index
      %parallel_loop3A_380 = arith.constant 112 : index
      %parallel_loop3A_381 = tpu.vector_load %arg7[%parallel_loop3A_379, %parallel_loop3A_380] {strides = array<i32>} : memref<256x128xf32, #tpu.memory_space<vmem>>, vector<1x16xf32>,
      %parallel_loop3A_382 = vector.shape_cast %parallel_loop3A_381 : vector<1x16xf32> to vector<16xf32>
      %parallel_loop3A_383 = vector.shape_cast %parallel_loop3A_378 : vector<16xf32> to vector<1x16xf32>
      tpu.vector_store %arg7[%parallel_loop3A_379, %parallel_loop3A_380], %parallel_loop3A_383 {strides = array<i32>} : memref<256x128xf32, #tpu.memory_space<vmem>>, vector<1x16xf32>,
    } {sc.loop_unroll_factor = 2 : i64, sc.parallel_access}
    %add3A_213 = arith.constant 6144 : i32
    %add3A_214 = arith.addi %mul3A_2, %add3A_213 : i32
    %dma_start3A_215 = arith.constant 0 : i32
    %dma_start3A_216 = tpu.memref_slice %arg5[%add3A_214, %dma_start3A_215] : memref<204800x128xf32, #tpu.memory_space<hbm>> -> memref<256x128xf32, #tpu.memory_space<hbm>>
    %dma_start3A_217 = arith.constant 0 : i32
    %dma_start3A_218 = tpu.memref_slice %arg5[%add3A_214, %dma_start3A_217] : memref<204800x128xf32, #tpu.memory_space<hbm>> -> memref<256x128xf32, #tpu.memory_space<hbm>>
    tpu.enqueue_dma source(%arg7 : memref<256x128xf32, #tpu.memory_space<vmem>>) target(%dma_start3A_218 : memref<256x128xf32, #tpu.memory_space<hbm>>) target_semaphore(%arg14 : memref<!tpu.dma_semaphore, #tpu.memory_space<semaphore_mem>>)
    %add3A_219 = arith.constant 5888 : i32
    %add3A_220 = arith.addi %mul3A_2, %add3A_219 : i32
    %dma_wait3A_221 = arith.constant 0 : i32
    %dma_wait3A_222 = tpu.memref_slice %arg5[%add3A_220, %dma_wait3A_221] : memref<204800x128xf32, #tpu.memory_space<hbm>> -> memref<256x128xf32, #tpu.memory_space<hbm>>
    %dma_wait3A_223 = arith.constant 0 : i32
    %dma_wait3A_224 = tpu.memref_slice %arg5[%add3A_220, %dma_wait3A_223] : memref<204800x128xf32, #tpu.memory_space<hbm>> -> memref<256x128xf32, #tpu.memory_space<hbm>>
    tpu.wait_dma2 semaphore(%arg16 : memref<!tpu.dma_semaphore, #tpu.memory_space<semaphore_mem>>) src(%arg9 : memref<256x128xf32, #tpu.memory_space<vmem>>) dst(%dma_wait3A_224 : memref<256x128xf32, #tpu.memory_space<hbm>>)
    %add3A_225 = arith.constant 6144 : i32
    %add3A_226 = arith.addi %mul3A_2, %add3A_225 : i32
    %dma_wait3A_227 = arith.constant 0 : i32
    %dma_wait3A_228 = tpu.memref_slice %arg5[%add3A_226, %dma_wait3A_227] : memref<204800x128xf32, #tpu.memory_space<hbm>> -> memref<256x128xf32, #tpu.memory_space<hbm>>
    %dma_wait3A_229 = arith.constant 0 : i32
    %dma_wait3A_230 = tpu.memref_slice %arg5[%add3A_226, %dma_wait3A_229] : memref<204800x128xf32, #tpu.memory_space<hbm>> -> memref<256x128xf32, #tpu.memory_space<hbm>>
    tpu.wait_dma2 semaphore(%arg14 : memref<!tpu.dma_semaphore, #tpu.memory_space<semaphore_mem>>) src(%arg7 : memref<256x128xf32, #tpu.memory_space<vmem>>) dst(%dma_wait3A_230 : memref<256x128xf32, #tpu.memory_space<hbm>>)
    return
  }
}

module attributes {stable_mosaic.version = 14 : i64} {
  func.func @_scale_body(%arg0: i32, %arg1: memref<25000x128xf32, #tpu.memory_space<vmem>>, %arg2: memref<8x128xf32, #tpu.memory_space<vmem>>) attributes {dimension_semantics = [#tpu.dimension_semantics<arbitrary>], iteration_bounds = array<i64: 4>, scalar_prefetch = 0 : i64, scratch_operands = 0 : i64, tpu.core_type = #tpu.core_type<tc>, window_params = [{transform_indices = @transform_0, window_bounds = array<i64: 25000, 128>}, {pipeline_mode = #tpu.pipeline_mode<synchronous>, transform_indices = @transform_1, window_bounds = array<i64: 8, 128>}]} {
    %eq3A = arith.constant 0 : i32
    %eq3A_0 = arith.cmpi eq, %arg0, %eq3A : i32
    %convert_element_type3A = arith.extui %eq3A_0 : i1 to i32
    %cond3A = arith.constant 0 : i32
    %cond3A_1 = arith.cmpi ne, %convert_element_type3A, %cond3A : i32
    scf.if %cond3A_1 {
      %broadcast_in_dim3A = arith.constant 0.000000e+00 : f32
      %broadcast_in_dim3A_15 = vector.broadcast %broadcast_in_dim3A : f32 to vector<8x128xf32>
      %swap3A_16 = arith.constant 0 : index
      %swap3A_17 = arith.constant 0 : index
      %swap3A_18 = vector.load %arg2[%swap3A_16, %swap3A_17] : memref<8x128xf32, #tpu.memory_space<vmem>>, vector<8x128xf32>
      tpu.vector_store %arg2[%swap3A_16, %swap3A_17], %broadcast_in_dim3A_15 {strides = array<i32>} : memref<8x128xf32, #tpu.memory_space<vmem>>, vector<8x128xf32>,
    } else {
    }
    %get3A = arith.constant 0 : index
    %get3A_2 = arith.constant 0 : index
    %get3A_3 = vector.load %arg1[%get3A, %get3A_2] : memref<25000x128xf32, #tpu.memory_space<vmem>>, vector<25000x128xf32>
    %abs3A = math.absf %get3A_3 : vector<25000x128xf32>
    %get3A_4 = arith.constant 0 : index
    %get3A_5 = arith.constant 0 : index
    %get3A_6 = vector.load %arg2[%get3A_4, %get3A_5] : memref<8x128xf32, #tpu.memory_space<vmem>>, vector<8x128xf32>
    %reshape3A = vector.shape_cast %abs3A : vector<25000x128xf32> to vector<3125x8x128xf32>
    %reduce_sum3A = arith.constant dense<0.000000e+00> : vector<8x128xf32>
    %reduce_sum3A_7 = vector.multi_reduction <add>, %reshape3A, %reduce_sum3A [0] : vector<3125x8x128xf32> to vector<8x128xf32>
    %add3A = arith.addf %get3A_6, %reduce_sum3A_7 : vector<8x128xf32>
    %swap3A = arith.constant 0 : index
    %swap3A_8 = arith.constant 0 : index
    %swap3A_9 = vector.load %arg2[%swap3A, %swap3A_8] : memref<8x128xf32, #tpu.memory_space<vmem>>, vector<8x128xf32>
    tpu.vector_store %arg2[%swap3A, %swap3A_8], %add3A {strides = array<i32>} : memref<8x128xf32, #tpu.memory_space<vmem>>, vector<8x128xf32>,
    %eq3A_10 = arith.constant 3 : i32
    %eq3A_11 = arith.cmpi eq, %arg0, %eq3A_10 : i32
    %convert_element_type3A_12 = arith.extui %eq3A_11 : i1 to i32
    %cond3A_13 = arith.constant 0 : i32
    %cond3A_14 = arith.cmpi ne, %convert_element_type3A_12, %cond3A_13 : i32
    scf.if %cond3A_14 {
      %get3A_15 = arith.constant 0 : index
      %get3A_16 = arith.constant 0 : index
      %get3A_17 = vector.load %arg2[%get3A_15, %get3A_16] : memref<8x128xf32, #tpu.memory_space<vmem>>, vector<8x128xf32>
      %reduce_sum3A_18 = vector.shape_cast %get3A_17 : vector<8x128xf32> to vector<1x8x128xf32>
      %reduce_sum3A_19 = arith.constant dense<0.000000e+00> : vector<1xf32>
      %reduce_sum3A_20 = vector.multi_reduction <add>, %reduce_sum3A_18, %reduce_sum3A_19 [1, 2] : vector<1x8x128xf32> to vector<1xf32>
      %reduce_sum3A_21 = vector.shape_cast %reduce_sum3A_20 : vector<1xf32> to vector<1x1x1xf32>
      %reduce_sum3A_22 = vector.extract %reduce_sum3A_21[0, 0, 0] : f32 from vector<1x1x1xf32>
      %div3A = arith.constant 1.280000e+07 : f32
      %div3A_23 = arith.divf %reduce_sum3A_22, %div3A : f32
      %max3A = arith.constant 9.99999974E-6 : f32
      %max3A_24 = arith.maximumf %div3A_23, %max3A : f32
      %broadcast_in_dim3A = vector.broadcast %max3A_24 : f32 to vector<8x128xf32>
      %swap3A_25 = arith.constant 0 : index
      %swap3A_26 = arith.constant 0 : index
      %swap3A_27 = vector.load %arg2[%swap3A_25, %swap3A_26] : memref<8x128xf32, #tpu.memory_space<vmem>>, vector<8x128xf32>
      tpu.vector_store %arg2[%swap3A_25, %swap3A_26], %broadcast_in_dim3A {strides = array<i32>} : memref<8x128xf32, #tpu.memory_space<vmem>>, vector<8x128xf32>,
    } else {
    }
    return
  }
  func.func @transform_0(%arg0: i32) -> (i32, i32) {
    %c0_i32 = arith.constant 0 : i32
    %c0_i32_0 = arith.constant 0 : i32
    return %arg0, %c0_i32 : i32, i32
  }
  func.func @transform_1(%arg0: i32) -> (i32, i32) {
    %c0_i32 = arith.constant 0 : i32
    %c0_i32_0 = arith.constant 0 : i32
    %c0_i32_1 = arith.constant 0 : i32
    return %c0_i32, %c0_i32_0 : i32, i32
  }
}

</mosaic_0001>

<sc_bundles>
// kernel: kernel.4.cloned.1.call-start
scs
__scs_entry_jumppad:
0x0: {  	(pc) =	sbr.rel $0x88, $3  }
0x1: {  	(tag) =	ssettag $0x0;
	lr =	simm.s32 $0x1  }
0x2: {  	[smem:$0x3F9F] =	sst lr;
	_ =	strace $0xD0000000  }
0x3: {  	_ = 	snop  }
0x4: {  	_ = 	snop  }
0x5: {  	_ = 	snop  }
0x6: {  	_ = 	snop  }
0x7: {  	_ = 	snop  }
__scs_overlays_trampoline_lowered:
0x8: {  	[smem:$0x3FAE] =	sst s0  }
0x9: {  	[smem:$0x3FAF] =	sst s1  }
0xa: {  	[smem:$0x3FB0] =	sst s2  }
0xb: {  	[smem:$0x3FB1] =	sst s3  }
0xc: {  	[smem:$0x3FB2] =	sst s4  }
0xd: {  	[smem:$0x3FB3] =	sst s5  }
0xe: {  	[smem:$0x3FB4] =	sst s6  }
0xf: {  	[smem:$0x3FB5] =	sst s7  }
0x10: {  	[smem:$0x3FB6] =	sst s8  }
0x11: {  	[smem:$0x3FB7] =	sst s9;
	s0 =	simm.s32 @!p0 $0x0  }
0x12: {  	s1 =	sld [smem:$0x3F9D];
	s0 =	simm.s32 @p0 $0x1  }
0x13: {  	[smem:$0x3FB8] =	sst s0;
	s0 =	simm.s32 @!p1 $0x0  }
0x14: {  	s2 =	sld [smem:$0x3F9C];
	s0 =	simm.s32 @p1 $0x1  }
0x15: {  	[smem:$0x3FB9] =	sst s0;
	s0 =	simm.s32 @!p2 $0x0  }
0x16: {  	s3 =	sld [smem:$0x3FDB];
	s0 =	simm.s32 @p2 $0x1  }
0x17: {  	s4 =	simm.s32 $0x1BF5;
	[smem:$0x3FBB] =	sst s0  }
0x18: {  	s0 =	sld [smem:$0x3F9E];
	_ =	swait.ge [sflag:s4], $0x0  }
0x19: {  	s7 =	sld [smem:$0x3F9F]  }
0x1a: {  	s8 =	sadd.s32 $0xFFFFE003, lr  }
0x1b: {  	s9 =	sadd.s32 $0xFFFFFEF7, lr;
	s5 =	simm.s32 $0xFFFFFFFF;
	p2 =	slt.u32 s8, $0xFFFFF086  }
0x1c: {  	p1 =	slt.u32 s9, $0xF7A;
	s5 =	simm.s32 @!p2 $0x0  }
0x1d: {  	s5 =	simm.s32 @p1 $0x1;
	p0 =	seq.s32 s7, s2  }
0x1e: {  	s7 =	smul.u32 @!p0 $0xF7A, s2;
	p2 =	seq.s32 @!p0 s5, $0x0  }
0x1f: {  	s9 =	smul.u32 $0xF7A, s1;
	s8 =	simm.s32 @!p0 $0x1BF5;
	p2 =	por !p2, p0  }
0x20: {  	[sflag:s8] =	ssyncset.s32 @!p0 $0xFFFFF086;
	s6 =	sadd.s32 @!p0 s3, s7;
	s7 =	simm.s32 @!p0 $0x108  }
0x21: {  	s3 =	sadd.s32 s3, s9;
	s6 =	sadd.s32 @!p0 $0x88, s6;
	s7 =	simm.s32 @p2 $0x1082  }
0x22: {  	[simem:s7], [sflag:s8] =	dma.local @!p0 [hbm:s6], $0xF7A  }
0x23: {  	s9 =	sor.u32 $0xD0000000, s2;
	s6 =	simm.s32 $0x108;
	_ =	swait.ge @!p0 [sflag:s8], $0x0  }
0x24: {  	s3 =	sadd.s32 $0x88, s3;
	s6 =	simm.s32 @!p1 $0x1082;
	[sflag:s4] =	ssyncset.s32 $0xFFFFF086  }
0x25: {  	[simem:s6], [sflag:s4] =	dma.local [hbm:s3], $0xF7A  }
0x26: {  	[smem:$0x3F9F] =	sst s1;
	(tag) =	ssettag s2;
	_ =	strace s9  }
0x27: {  	s1 =	sld [smem:$0x3FAF]  }
0x28: {  	s2 =	sld [smem:$0x3FB0]  }
0x29: {  	s4 =	sld [smem:$0x3FB2]  }
0x2a: {  	p0 =	seq.s32 s5, $0x0;
	s5 =	sld [smem:$0x3FB3]  }
0x2b: {  	s6 =	sld [smem:$0x3FB4]  }
0x2c: {  	s7 =	sld [smem:$0x3FB5]  }
0x2d: {  	s3 =	simm.s32 $0x108;
	s8 =	sld [smem:$0x3FB6]  }
0x2e: {  	s3 =	simm.s32 @!p0 $0x1082;
	s9 =	sld [smem:$0x3FB7]  }
0x2f: {  	lr =	sadd.s32 s0, s3;
	s0 =	sld [smem:$0x3FAE]  }
0x30: {  	s3 =	sld [smem:$0x3FB1]  }
0x31: {  	[smem:$0x3FBA] =	sst s10  }
0x32: {  	s10 =	sld [smem:$0x3FB8];
	_ =	sdelay $0x3  }
0x33: {  	p0 =	seq.s32 s10, $0x1;
	s10 =	sld [smem:$0x3FBA];
	_ =	sdelay $0x3  }
0x34: {  	[smem:$0x3FBA] =	sst s10  }
0x35: {  	s10 =	sld [smem:$0x3FB9];
	_ =	sdelay $0x3  }
0x36: {  	p1 =	seq.s32 s10, $0x1;
	s10 =	sld [smem:$0x3FBA];
	_ =	sdelay $0x3  }
0x37: {  	[smem:$0x3FBA] =	sst s10  }
0x38: {  	s10 =	sld [smem:$0x3FBB]  }
0x39: {  	_ = 	snop;
	(pc) =	sbr.ind lr, $3  }
0x3a: {  	_ = 	snop  }
0x3b: {  	_ = 	snop  }
0x3c: {  	p2 =	seq.s32 s10, $0x1;
	s10 =	sld [smem:$0x3FBA]  }
0x3d: {  	_ =	shalt  }
0x3e: {  	_ =	shalt  }
0x3f: {  	_ =	shalt  }
0x40: {  	_ =	shalt  }
0x41: {  	_ =	shalt  }
0x42: {  	_ =	shalt  }
0x43: {  	_ =	shalt  }
0x44: {  	_ =	shalt  }
0x45: {  	_ =	shalt  }
0x46: {  	_ =	shalt  }
0x47: {  	_ =	shalt  }
0x48: {  	_ =	shalt  }
0x49: {  	_ =	shalt  }
0x4a: {  	_ =	shalt  }
0x4b: {  	_ =	shalt  }
0x4c: {  	_ =	shalt  }
0x4d: {  	_ =	shalt  }
0x4e: {  	_ =	shalt  }
0x4f: {  	_ =	shalt  }
0x50: {  	_ =	shalt  }
0x51: {  	_ =	shalt  }
0x52: {  	_ =	shalt  }
0x53: {  	_ =	shalt  }
0x54: {  	_ =	shalt  }
0x55: {  	_ =	shalt  }
0x56: {  	_ =	shalt  }
0x57: {  	_ =	shalt  }
0x58: {  	_ =	shalt  }
0x59: {  	_ =	shalt  }
0x5a: {  	_ =	shalt  }
0x5b: {  	_ =	shalt  }
0x5c: {  	_ =	shalt  }
0x5d: {  	_ =	shalt  }
0x5e: {  	_ =	shalt  }
0x5f: {  	_ =	shalt  }
0x60: {  	_ =	shalt  }
0x61: {  	_ =	shalt  }
0x62: {  	_ =	shalt  }
0x63: {  	_ =	shalt  }
0x64: {  	_ =	shalt  }
0x65: {  	_ =	shalt  }
0x66: {  	_ =	shalt  }
0x67: {  	_ =	shalt  }
0x68: {  	_ =	shalt  }
0x69: {  	_ =	shalt  }
0x6a: {  	_ =	shalt  }
0x6b: {  	_ =	shalt  }
0x6c: {  	_ =	shalt  }
0x6d: {  	_ =	shalt  }
0x6e: {  	_ =	shalt  }
0x6f: {  	_ =	shalt  }
0x70: {  	_ =	shalt  }
0x71: {  	_ =	shalt  }
0x72: {  	_ =	shalt  }
0x73: {  	_ =	shalt  }
0x74: {  	_ =	shalt  }
0x75: {  	_ =	shalt  }
0x76: {  	_ =	shalt  }
0x77: {  	_ =	shalt  }
0x78: {  	_ =	shalt  }
0x79: {  	_ =	shalt  }
0x7a: {  	_ =	shalt  }
0x7b: {  	_ =	shalt  }
0x7c: {  	_ =	shalt  }
0x7d: {  	_ =	shalt  }
0x7e: {  	_ =	shalt  }
0x7f: {  	_ =	shalt  }
0x80: {  	_ =	shalt  }
0x81: {  	_ =	shalt  }
0x82: {  	_ =	shalt  }
0x83: {  	_ =	shalt  }
0x84: {  	_ =	shalt  }
0x85: {  	_ =	shalt  }
0x86: {  	_ =	shalt  }
0x87: {  	_ =	shalt  }
.Lfunc_end0:
.L_simem_size_0:
called_computation_lowered:
.L_overlay_start_0:
0x88: {  	s2 =	sld [smem:$0x3FD9]  }
0x89: {  	s3 =	sld [smem:$0x3FFE];
	_ =	sdelay $0x1  }
0x8a: {  	s1 =	srdreg.scid  }
0x8b: {  	s0 =	sand.u32 $0x1, s1  }
0x8c: {  	s17 =	sshll.u32 s0, $0xA;
	s2 =	sadd.s32 s3, s2  }
0x8d: {  	s2 =	sadd.s32 s2, s17  }
0x8e: {  	[smem:$0x3FC6] =	sst s2  }
0x8f: {  	_ = 	snop  }
0x90: {  	s2 =	sld [smem:$0x3FC8]  }
0x91: {  	s18 =	sld [smem:$0x3FD0];
	(tm) =	ssettm $0x1  }
0x92: {  	s4 =	sld [smem:$0x3FFB];
	_ =	sdelay $0x3  }
0x93: {  	_ =	strace s4  }
0x94: {  	s4 =	sld [smem:$0x3FFC];
	_ =	sdelay $0x3  }
0x95: {  	_ =	strace s4  }
0x96: {  	s4 =	sld [smem:$0x3FFD];
	_ =	sdelay $0x3  }
0x97: {  	_ =	strace s4  }
0x98: {  	_ =	strace $0x8FFFFFFF  }
0x99: {  	s19 =	sld [smem:$0x3FDB];
	_ =	sdelay $0x1  }
0x9a: {  	s5 =	simm.s32 $_scs_section_size  }
0x9b: {  	s6 =	simm.s32 $_size__tile_overlayer_lowered;
	s7 =	simm.s32 $_tile_overlayer_lowered  }
0x9c: {  	s22 =	simm.s32 $0x1BFF;
	s21 =	sshll.u32 s7, $0x1;
	s4 =	sadd.s32 s5, s19  }
0x9d: {  	s8 =	simm.s32 $0x0;
	s20 =	sshll.u32 s6, $0x1;
	s6 =	sadd.s32 s21, s4  }
0x9e: {  	[timem:s8], [sflag:s22] =	dma.local [hbm:s6], s20  }
0x9f: {  	_ =	swait.ge [sflag:s22], s20  }
0xa0: {  	s5 =	ssub.s32 $0x0, s20;
	[sflag:s22] =	ssyncset.done $0x0  }
0xa1: {  	[sflag:s22] =	ssyncadd.s32 s5;
	_ =	sdelay $0x1  }
0xa2: {  	s23 =	simm.s32 $0x1B8B  }
0xa3: {  	_ =	swait.ge [sflag:s23], $0x1  }
0xa4: {  	[sflag:s23] =	ssyncset.done $0x0  }
0xa5: {  	s25 =	simm.s32 $0x1B8E;
	s24 =	sld [smem:$0x3FFE];
	[sflag:s23] =	ssyncadd.s32 $0xFFFFFFFF  }
0xa6: {  	s26 =	simm.s32 $execute0_lowered;
	[smem:$0x3FD2] =	sst s25  }
0xa7: {  	s6 =	sshll.u32 s26, $0x1;
	_ =	strace $0x80000046;
	[dreg:$0x1] =	wrdreg $0xFFFFFFFF  }
0xa8: {  	s28 =	simm.s32 $_size_execute0_lowered;
	s4 =	sadd.s32 s4, s6;
	[dreg:$0x0] =	wrdreg $0x0  }
0xa9: {  	s6 =	sshll.u32 s28, $0x1;
	[dreg:$0x2] =	wrdreg s4  }
0xaa: {  	[dreg:$0x3] =	wrdreg s6  }
0xab: {  	[dreg:$0x4] =	wrdreg $0xC0  }
0xac: {  	_ =	task [dreg:s8], $0x5FFFF  }
0xad: {  	[dreg:$0x1] =	wrdreg $0xFFFFFFFF  }
0xae: {  	[dreg:$0x0] =	wrdreg $0x60  }
0xaf: {  	[dreg:$0x2] =	wrdreg s24  }
0xb0: {  	[dreg:$0x3] =	wrdreg s2  }
0xb1: {  	[dreg:$0x4] =	wrdreg s18  }
0xb2: {  	[dreg:$0x5] =	wrdreg $0x9  }
0xb3: {  	_ =	task.clear_ibuf [dreg:s8], $0x6FFFF;
	_ =	strace $0x90000046  }
0xb4: {  	s29 =	simm.s32 $0x9;
	_ =	strace $0x80000048  }
0xb5: {  	_ =	swait.ge [sflag:s29], $0x1  }
0xb6: {  	[sflag:s29] =	ssyncadd.s32 $0xFFFFFFFF  }
0xb7: {  	_ =	strace $0x90000048  }
0xb8: {  	_ =	sfence  }
0xb9: {  	s30 =	sld [smem:$0x0];
	_ =	sdelay $0x2  }
0xba: {  	s31 =	sshll.u32 s1, $0xD;
	s1 =	sshrl.u32 s1, $0x2  }
0xbb: {  	s3 =	sand.u32 $0x4000, s31;
	s1 =	sadd.s32 s1, s30  }
0xbc: {  	s0 =	sor.u32 s3, s0;
	s1 =	sshll.u32 s1, $0x11  }
0xbd: {  	s0 =	sor.u32 s1, s0  }
0xbe: {  	s0 =	sadd.s32 $0x8F2B, s0  }
0xbf: {  	[sflag:s0] =	ssyncadd.remote.s32 $0x1  }
0xc0: {  	_ =	sfence.sel $0xFFFF  }
0xc1: {  	[dreg:$0x0] =	wrdreg $0xFFFFFFFF;
	(pc) =	sbr.abs _section_cstart, $3  }
0xc2: {  	[dreg:$0x1] =	wrdreg $0xFFFFFFFF  }
0xc3: {  	_ =	task.clear_ibuf [dreg:s8], $0x2FFFF;
	_ =	strace $0x9FFFFFFF  }
0xc4: {  	(tm) =	ssettm $0x7FFFFFFF  }
0xc5: {  	_ =	shalt  }
tec
execute0_lowered:
.L_overlay_start_1:
0x0: {  	(tag) =	ssettag $0x1  }
0x1: {  	s0 =	rddreg [dreg:$0x0]  }
0x2: {  	s2 =	rddreg [dreg:$0x1]  }
0x3: {  	s1 =	srdreg.scid;
	s4 =	stileid.u32  }
0x4: {  	s3 =	rddreg [dreg:$0x2];
	s15 =	simm.s32 $0x7;
	s16 =	simm.s32 $0x80  }
0x5: {  	s17 =	simm.s32 $0x1C00;
	s18 =	simm.s32 $0x5C00;
	s20 =	simm.s32 $0x9C00  }
0x6: {  	s22 =	simm.s32 $0xDC00;
	s23 =	simm.s32 $0x1;
	s28 =	simm.s32 $0x15C00  }
0x7: {  	s29 =	simm.s32 $0x2;
	s1 =	sand.u32 $0x1, s1;
	s5 =	sshll.u32 s4, $0x1  }
0x8: {  	s30 =	simm.s32 $0x4;
	s31 =	simm.s32 $0x3;
	s6 =	sor.u32 s1, s5  }
0x9: {  	s21 =	simm.s32 $0x0;
	s4 =	simm.s32 $0x0;
	s5 =	smul.u32 $0x380, s6  }
0xa: {  	[smem:$0x7FF] =	sst s4;
	s1 =	ssub.s32 $0x2, s1;
	s8 =	smul.u32 $0x19000, s6  }
0xb: {  	_ =	strace $0x80000047;
	s24 =	sshrl.u32 s1, $0x1;
	s25 =	smul.u32 $0x1900, s6  }
0xc: {  	s7 =	sadd.s32 s5, s0;
	s5 =	smul.u32 $0xC8000, s6;
	s0 =	sadd.s32 $0x600, s0  }
0xd: {  	s8 =	sadd.s32 s3, s8;
	s10 =	sadd.s32 $0x200, s25;
	s25 =	simm.s32 $0x11C00  }
0xe: {  	[dreg:$0x4] =	wrdreg s0;
	s0 =	ssub.s32 s1, s24;
	s7 =	sadd.s32 $0x800, s7  }
0xf: {  	s1 =	simm.s32 $0x5;
	s26 =	sshrl.u32 s5, $0x3;
	[dreg:$0x5] =	wrdreg s7  }
0x10: {  	s13 =	smax.u32 s0, $0x1;
	s0 =	simm.s32 $0x6;
	s6 =	sadd.s32 s3, s26  }
0x11: {  	s9 =	sadd.s32 $0x1000, s6;
	s11 =	sadd.s32 $0x17000, s6;
	s12 =	sadd.s32 $0x18000, s6  }
.LBB2_1:
0x12: {  	s6 =	rddreg [dreg:$0x4];
	s7 =	simm.s32 $0x19C00  }
0x13: {  	[tilespmem:s7], [sflag:$0x7] =	stream.linear.gather [hbm4b:s6+s4], $0x400, $0x38;
	[tilespmem:$0x1A000] =	vst v63  }
0x14: {  	_ =	swait.ge [sflag:s15], $0x400  }
0x15: {  	[sflag:s15] =	ssyncset.done $0x0  }
0x16: {  	s19 =	rddreg [dreg:$0x5];
	[sflag:s15] =	ssyncadd.s32 $0xFFFFFC00  }
0x17: {  	[tilespmem:s4], [sflag:$0x7] =	stream.linear.gather [hbm4b:s19+s4], $0x1900, $0x38;
	[tilespmem:$0x1A000] =	vst v63  }
0x18: {  	_ =	swait.ge [sflag:s15], $0x1900  }
0x19: {  	[sflag:s15] =	ssyncset.done $0x0  }
0x1a: {  	[sflag:s15] =	ssyncadd.s32 $0xFFFFE700  }
0x1b: {  	v0 =	vld [tilespmem:$0x19C00];
	[tilespmem:s17], [sflag:$0x1] =	stream.indirect.gather [hbm4b:s2+s16], $0x80, s4, s16, $0xb8  }
0x1c: {  	_ = 	snop  }
0x1d: {  	[tilespmem:s18], [sflag:$0x1] =	stream.indirect.gather [hbm4b:s2+s16], $0x80, s16, s16, $0xb8;
	[tilespmem:$0x1A000] =	vst v63  }
0x1e: {  	s24 =	simm.s32 $0x100  }
0x1f: {  	[tilespmem:s20], [sflag:$0x2] =	stream.indirect.gather [hbm4b:s2+s16], $0x80, s24, s16, $0xb8;
	[tilespmem:$0x1A000] =	vst v63  }
0x20: {  	s26 =	simm.s32 $0x180  }
0x21: {  	[tilespmem:s22], [sflag:$0x2] =	stream.indirect.gather [hbm4b:s2+s16], $0x80, s26, s16, $0xb8;
	[tilespmem:$0x1A000] =	vst v63  }
0x22: {  	_ =	swait.ge [sflag:s23], $0x4000  }
0x23: {  	[sflag:s23] =	ssyncset.done $0x0  }
0x24: {  	[sflag:s23] =	ssyncadd.s32 $0xFFFFC000  }
0x25: {  	_ =	swait.ge [sflag:s23], $0x4000  }
0x26: {  	[sflag:s23] =	ssyncset.done $0x0  }
0x27: {  	s14 =	simm.s32 $0x1C80;
	[sflag:s23] =	ssyncadd.s32 $0xFFFFC000  }
0x28: {  	v1 =	vld [tilespmem:s14+$0x70]  }
0x29: {  	v2 =	vld [tilespmem:s14+$0xFFFFFF90]  }
0x2a: {  	v3 =	vld [tilespmem:s14+$0xFFFFFFA0]  }
0x2b: {  	v4 =	vld [tilespmem:s14+$0xFFFFFFB0]  }
0x2c: {  	v5 =	vld [tilespmem:s14+$0xFFFFFFC0]  }
0x2d: {  	v6 =	vld [tilespmem:s14+$0xFFFFFFD0]  }
0x2e: {  	v8 =	vld [tilespmem:s14+$0xFFFFFFE0]  }
0x2f: {  	v10 =	vld [tilespmem:s14+$0xFFFFFFF0]  }
0x30: {  	v11 =	vld [tilespmem:s14+$0x0]  }
0x31: {  	v12 =	vld [tilespmem:s14+$0x10]  }
0x32: {  	v13 =	vld [tilespmem:s14+$0x20]  }
0x33: {  	v14 =	vld [tilespmem:s14+$0x30]  }
0x34: {  	v15 =	vld [tilespmem:s14+$0x40]  }
0x35: {  	v18 =	vld [tilespmem:s14+$0xFFFFFF80];
	v7 =	vand.u32 $0x80000000, v1  }
0x36: {  	v9 =	vand.u32 $0x80000000, v2;
	vm0 =	veq.f32 v1, $0.0e+00;
	vm1 =	veq.f32 v3, $0.0e+00  }
0x37: {  	v16 =	vld [tilespmem:s14+$0x50];
	vm2 =	veq.f32 v4, $0.0e+00;
	vm3 =	veq.f32 v5, $0.0e+00;
	vm4 =	veq.f32 v6, $0.0e+00  }
0x38: {  	v17 =	vld [tilespmem:s14+$0x60];
	vm5 =	veq.f32 v8, $0.0e+00;
	vm6 =	veq.f32 v10, $0.0e+00;
	vm7 =	veq.f32 v11, $0.0e+00  }
0x39: {  	vm8 =	veq.f32 v12, $0.0e+00;
	vm9 =	veq.f32 v13, $0.0e+00;
	vm10 =	veq.f32 v14, $0.0e+00  }
0x3a: {  	vm11 =	veq.f32 v15, $0.0e+00;
	vm14 =	veq.f32 v18, $0.0e+00;
	v7 =	vor.u32 v0, v7  }
0x3b: {  	v1 =	vor.u32 v0, v9;
	v9 =	vand.u32 $0x80000000, v3;
	v7 =	vsel vm0, $0x0, v7  }
0x3c: {  	vm0 =	veq.f32 v2, $0.0e+00;
	v2 =	vor.u32 v0, v9;
	v9 =	vand.u32 $0x80000000, v4  }
0x3d: {  	vm13 =	veq.f32 v16, $0.0e+00;
	vm12 =	veq.f32 v17, $0.0e+00;
	v3 =	vor.u32 v0, v9  }
0x3e: {  	[tilespmem:s14+$0x70] =	vst v7;
	v7 =	vand.u32 $0x80000000, v5;
	v9 =	vand.u32 $0x80000000, v12;
	v12 =	vand.u32 $0x80000000, v15  }
0x3f: {  	v15 =	vand.u32 $0x80000000, v18;
	v4 =	vor.u32 v0, v7;
	v7 =	vand.u32 $0x80000000, v6  }
0x40: {  	v9 =	vor.u32 v0, v9;
	v12 =	vor.u32 v0, v12;
	v15 =	vor.u32 v0, v15  }
0x41: {  	v5 =	vor.u32 v0, v7;
	v7 =	vand.u32 $0x80000000, v8;
	v8 =	vand.u32 $0x80000000, v11  }
0x42: {  	v11 =	vand.u32 $0x80000000, v14;
	v14 =	vand.u32 $0x80000000, v17;
	v6 =	vor.u32 v0, v7  }
0x43: {  	v7 =	vand.u32 $0x80000000, v10;
	v8 =	vor.u32 v0, v8;
	v10 =	vand.u32 $0x80000000, v13  }
0x44: {  	v11 =	vor.u32 v0, v11;
	v13 =	vand.u32 $0x80000000, v16;
	v14 =	vor.u32 v0, v14  }
0x45: {  	s6 =	simm.s32 $0x1D80;
	s19 =	simm.s32 $0x0;
	v7 =	vor.u32 v0, v7;
	v10 =	vor.u32 v0, v10;
	v13 =	vor.u32 v0, v13  }
.LBB2_2:
0x46: {  	v16 =	vld [tilespmem:s6+$0x70];
	s19 =	sadd.s32 $0x2, s19;
	v15 =	vsel vm14, $0x0, v15;
	v1 =	vsel vm0, $0x0, v1;
	v2 =	vsel vm1, $0x0, v2  }
0x47: {  	v3 =	vsel vm2, $0x0, v3;
	v4 =	vsel vm3, $0x0, v4;
	v5 =	vsel vm4, $0x0, v5;
	v17 =	vld [tilespmem:s6+$0xFFFFFF90];
	p0 =	slt.u32 s19, $0xFE;
	[tilespmem:s14+$0xFFFFFF80] =	vst v15  }
0x48: {  	v6 =	vsel vm5, $0x0, v6;
	v7 =	vsel vm6, $0x0, v7;
	v8 =	vsel vm7, $0x0, v8;
	v15 =	vld [tilespmem:s6+$0xFFFFFFA0];
	[tilespmem:s14+$0xFFFFFF90] =	vst v1  }
0x49: {  	v9 =	vsel vm8, $0x0, v9;
	v10 =	vsel vm9, $0x0, v10;
	v11 =	vsel vm10, $0x0, v11;
	v18 =	vld [tilespmem:s6+$0xFFFFFFB0];
	[tilespmem:s14+$0xFFFFFFA0] =	vst v2  }
0x4a: {  	v12 =	vsel vm11, $0x0, v12;
	v13 =	vsel vm13, $0x0, v13;
	v14 =	vsel vm12, $0x0, v14;
	v19 =	vld [tilespmem:s6+$0xFFFFFFC0];
	[tilespmem:s14+$0xFFFFFFB0] =	vst v3  }
0x4b: {  	v20 =	vld [tilespmem:s6+$0xFFFFFFD0];
	v1 =	vand.u32 $0x80000000, v16;
	[tilespmem:s14+$0xFFFFFFC0] =	vst v4  }
0x4c: {  	vm0 =	veq.f32 v16, $0.0e+00;
	v2 =	vand.u32 $0x80000000, v17;
	v21 =	vld [tilespmem:s6+$0xFFFFFFE0];
	v3 =	vor.u32 v0, v1;
	[tilespmem:s14+$0xFFFFFFD0] =	vst v5  }
0x4d: {  	v1 =	vor.u32 v0, v2;
	v2 =	vand.u32 $0x80000000, v15;
	v16 =	vld [tilespmem:s6+$0xFFFFFFF0];
	v3 =	vsel vm0, $0x0, v3;
	[tilespmem:s14+$0xFFFFFFE0] =	vst v6  }
0x4e: {  	vm0 =	veq.f32 v17, $0.0e+00;
	v2 =	vor.u32 v0, v2;
	v4 =	vand.u32 $0x80000000, v18;
	v17 =	vld [tilespmem:s6+$0x0];
	[tilespmem:s6+$0x70] =	vst v3  }
0x4f: {  	vm1 =	veq.f32 v15, $0.0e+00;
	v3 =	vor.u32 v0, v4;
	v4 =	vand.u32 $0x80000000, v19;
	v15 =	vld [tilespmem:s6+$0x10];
	[tilespmem:s14+$0xFFFFFFF0] =	vst v7  }
0x50: {  	vm2 =	veq.f32 v18, $0.0e+00;
	v4 =	vor.u32 v0, v4;
	v5 =	vand.u32 $0x80000000, v20;
	v18 =	vld [tilespmem:s6+$0x20];
	[tilespmem:s14+$0x0] =	vst v8  }
0x51: {  	vm3 =	veq.f32 v19, $0.0e+00;
	v5 =	vor.u32 v0, v5;
	v6 =	vand.u32 $0x80000000, v21;
	v19 =	vld [tilespmem:s6+$0x30];
	[tilespmem:s14+$0x10] =	vst v9  }
0x52: {  	vm4 =	veq.f32 v20, $0.0e+00;
	v6 =	vor.u32 v0, v6;
	v7 =	vand.u32 $0x80000000, v16;
	v20 =	vld [tilespmem:s6+$0x40];
	[tilespmem:s14+$0x20] =	vst v10  }
0x53: {  	vm5 =	veq.f32 v21, $0.0e+00;
	v7 =	vor.u32 v0, v7;
	v8 =	vand.u32 $0x80000000, v17;
	v21 =	vld [tilespmem:s6+$0x50];
	[tilespmem:s14+$0x30] =	vst v11  }
0x54: {  	vm6 =	veq.f32 v16, $0.0e+00;
	v8 =	vor.u32 v0, v8;
	v9 =	vand.u32 $0x80000000, v15;
	v16 =	vld [tilespmem:s6+$0x60];
	[tilespmem:s14+$0x40] =	vst v12  }
0x55: {  	vm7 =	veq.f32 v17, $0.0e+00;
	v22 =	vld [tilespmem:s6+$0xFFFFFF80];
	v9 =	vor.u32 v0, v9;
	v10 =	vand.u32 $0x80000000, v18;
	[tilespmem:s14+$0x50] =	vst v13  }
0x56: {  	vm8 =	veq.f32 v15, $0.0e+00;
	v10 =	vor.u32 v0, v10;
	v11 =	vand.u32 $0x80000000, v19;
	[tilespmem:s14+$0x60] =	vst v14;
	s14 =	smov.u32 s6  }
.Ltmp0:
0x57: {  	vm9 =	veq.f32 v18, $0.0e+00;
	v11 =	vor.u32 v0, v11;
	v12 =	vand.u32 $0x80000000, v20;
	(pc) =	sbr.rel @p0 .LBB2_2-.Ltmp0, $4  }
0x58: {  	vm10 =	veq.f32 v19, $0.0e+00;
	v12 =	vor.u32 v0, v12;
	v13 =	vand.u32 $0x80000000, v21  }
0x59: {  	vm11 =	veq.f32 v20, $0.0e+00;
	v13 =	vor.u32 v0, v13;
	v14 =	vand.u32 $0x80000000, v16  }
0x5a: {  	v15 =	vand.u32 $0x80000000, v22;
	vm14 =	veq.f32 v22, $0.0e+00;
	v14 =	vor.u32 v0, v14  }
0x5b: {  	s6 =	sadd.s32 $0x100, s6;
	vm13 =	veq.f32 v21, $0.0e+00;
	vm12 =	veq.f32 v16, $0.0e+00;
	v15 =	vor.u32 v0, v15  }
0x5c: {  	v15 =	vsel vm14, $0x0, v15  }
0x5d: {  	v1 =	vsel vm0, $0x0, v1;
	[tilespmem:s14+$0xFFFFFF80] =	vst v15  }
0x5e: {  	v2 =	vsel vm1, $0x0, v2;
	[tilespmem:s14+$0xFFFFFF90] =	vst v1  }
0x5f: {  	v1 =	vsel vm2, $0x0, v3;
	[tilespmem:s14+$0xFFFFFFA0] =	vst v2  }
0x60: {  	v2 =	vsel vm3, $0x0, v4;
	[tilespmem:s14+$0xFFFFFFB0] =	vst v1  }
0x61: {  	v1 =	vsel vm4, $0x0, v5;
	[tilespmem:s14+$0xFFFFFFC0] =	vst v2  }
0x62: {  	v2 =	vsel vm5, $0x0, v6;
	[tilespmem:s14+$0xFFFFFFD0] =	vst v1  }
0x63: {  	v1 =	vsel vm6, $0x0, v7;
	[tilespmem:s14+$0xFFFFFFE0] =	vst v2  }
0x64: {  	v2 =	vsel vm7, $0x0, v8;
	[tilespmem:s14+$0xFFFFFFF0] =	vst v1  }
0x65: {  	v1 =	vsel vm8, $0x0, v9;
	[tilespmem:s14+$0x0] =	vst v2  }
0x66: {  	v2 =	vsel vm9, $0x0, v10;
	[tilespmem:s14+$0x10] =	vst v1  }
0x67: {  	v1 =	vsel vm10, $0x0, v11;
	[tilespmem:s14+$0x20] =	vst v2  }
0x68: {  	v2 =	vsel vm11, $0x0, v12;
	[tilespmem:s14+$0x30] =	vst v1  }
0x69: {  	v1 =	vsel vm13, $0x0, v13;
	[tilespmem:s14+$0x40] =	vst v2  }
0x6a: {  	v2 =	vsel vm12, $0x0, v14;
	[tilespmem:s14+$0x50] =	vst v1  }
0x6b: {  	[tilespmem:s14+$0x60] =	vst v2  }
0x6c: {  	[hbm4b:s8+s4] =	stream.linear.scatter [tilespmem:s17], [sflag:$0x4], $0x8000, $0x38;
	[tilespmem:$0x1A000] =	vst v63  }
0x6d: {  	s6 =	simm.s32 $0x200  }
0x6e: {  	[tilespmem:s25], [sflag:$0x3] =	stream.indirect.gather [hbm4b:s2+s16], $0x80, s6, s16, $0xb8;
	[tilespmem:$0x1A000] =	vst v63  }
0x6f: {  	s26 =	simm.s32 $0x280  }
0x70: {  	[tilespmem:s28], [sflag:$0x3] =	stream.indirect.gather [hbm4b:s2+s16], $0x80, s26, s16, $0xb8;
	[tilespmem:$0x1A000] =	vst v63  }
0x71: {  	_ =	swait.ge [sflag:s29], $0x4000  }
0x72: {  	[sflag:s29] =	ssyncset.done $0x0  }
0x73: {  	[sflag:s29] =	ssyncadd.s32 $0xFFFFC000  }
0x74: {  	_ =	swait.ge [sflag:s29], $0x4000  }
0x75: {  	[sflag:s29] =	ssyncset.done $0x0  }
0x76: {  	s14 =	simm.s32 $0x9C80;
	[sflag:s29] =	ssyncadd.s32 $0xFFFFC000  }
0x77: {  	v1 =	vld [tilespmem:s14+$0x70]  }
0x78: {  	v2 =	vld [tilespmem:s14+$0xFFFFFF90]  }
0x79: {  	v3 =	vld [tilespmem:s14+$0xFFFFFFA0]  }
0x7a: {  	v4 =	vld [tilespmem:s14+$0xFFFFFFB0]  }
0x7b: {  	v5 =	vld [tilespmem:s14+$0xFFFFFFC0]  }
0x7c: {  	v6 =	vld [tilespmem:s14+$0xFFFFFFD0]  }
0x7d: {  	v8 =	vld [tilespmem:s14+$0xFFFFFFE0]  }
0x7e: {  	v10 =	vld [tilespmem:s14+$0xFFFFFFF0]  }
0x7f: {  	v11 =	vld [tilespmem:s14+$0x0]  }
0x80: {  	v12 =	vld [tilespmem:s14+$0x10]  }
0x81: {  	v13 =	vld [tilespmem:s14+$0x20]  }
0x82: {  	v14 =	vld [tilespmem:s14+$0x30]  }
0x83: {  	v15 =	vld [tilespmem:s14+$0x40]  }
0x84: {  	v18 =	vld [tilespmem:s14+$0xFFFFFF80];
	v7 =	vand.u32 $0x80000000, v1  }
0x85: {  	v9 =	vand.u32 $0x80000000, v2;
	vm0 =	veq.f32 v1, $0.0e+00;
	vm1 =	veq.f32 v3, $0.0e+00  }
0x86: {  	v16 =	vld [tilespmem:s14+$0x50];
	vm2 =	veq.f32 v4, $0.0e+00;
	vm3 =	veq.f32 v5, $0.0e+00;
	vm4 =	veq.f32 v6, $0.0e+00  }
0x87: {  	v17 =	vld [tilespmem:s14+$0x60];
	vm5 =	veq.f32 v8, $0.0e+00;
	vm6 =	veq.f32 v10, $0.0e+00;
	vm7 =	veq.f32 v11, $0.0e+00  }
0x88: {  	vm8 =	veq.f32 v12, $0.0e+00;
	vm9 =	veq.f32 v13, $0.0e+00;
	vm10 =	veq.f32 v14, $0.0e+00  }
0x89: {  	vm11 =	veq.f32 v15, $0.0e+00;
	vm14 =	veq.f32 v18, $0.0e+00;
	v7 =	vor.u32 v0, v7  }
0x8a: {  	v1 =	vor.u32 v0, v9;
	v9 =	vand.u32 $0x80000000, v3;
	v7 =	vsel vm0, $0x0, v7  }
0x8b: {  	vm0 =	veq.f32 v2, $0.0e+00;
	v2 =	vor.u32 v0, v9;
	v9 =	vand.u32 $0x80000000, v4  }
0x8c: {  	vm13 =	veq.f32 v16, $0.0e+00;
	vm12 =	veq.f32 v17, $0.0e+00;
	v3 =	vor.u32 v0, v9  }
0x8d: {  	[tilespmem:s14+$0x70] =	vst v7;
	v7 =	vand.u32 $0x80000000, v5;
	v9 =	vand.u32 $0x80000000, v12;
	v12 =	vand.u32 $0x80000000, v15  }
0x8e: {  	v15 =	vand.u32 $0x80000000, v18;
	v4 =	vor.u32 v0, v7;
	v7 =	vand.u32 $0x80000000, v6  }
0x8f: {  	v9 =	vor.u32 v0, v9;
	v12 =	vor.u32 v0, v12;
	v15 =	vor.u32 v0, v15  }
0x90: {  	v5 =	vor.u32 v0, v7;
	v7 =	vand.u32 $0x80000000, v8;
	v8 =	vand.u32 $0x80000000, v11  }
0x91: {  	v11 =	vand.u32 $0x80000000, v14;
	v14 =	vand.u32 $0x80000000, v17;
	v6 =	vor.u32 v0, v7  }
0x92: {  	v7 =	vand.u32 $0x80000000, v10;
	v8 =	vor.u32 v0, v8;
	v10 =	vand.u32 $0x80000000, v13  }
0x93: {  	v11 =	vor.u32 v0, v11;
	v13 =	vand.u32 $0x80000000, v16;
	v14 =	vor.u32 v0, v14  }
0x94: {  	s19 =	simm.s32 $0x0;
	s6 =	simm.s32 $0x9D80;
	v7 =	vor.u32 v0, v7;
	v10 =	vor.u32 v0, v10;
	v13 =	vor.u32 v0, v13  }
.LBB2_4:
0x95: {  	v16 =	vld [tilespmem:s6+$0x70];
	s19 =	sadd.s32 $0x2, s19;
	v15 =	vsel vm14, $0x0, v15;
	v1 =	vsel vm0, $0x0, v1;
	v2 =	vsel vm1, $0x0, v2  }
0x96: {  	v3 =	vsel vm2, $0x0, v3;
	v4 =	vsel vm3, $0x0, v4;
	v5 =	vsel vm4, $0x0, v5;
	v17 =	vld [tilespmem:s6+$0xFFFFFF90];
	p0 =	slt.u32 s19, $0xFE;
	[tilespmem:s14+$0xFFFFFF80] =	vst v15  }
0x97: {  	v6 =	vsel vm5, $0x0, v6;
	v7 =	vsel vm6, $0x0, v7;
	v8 =	vsel vm7, $0x0, v8;
	v15 =	vld [tilespmem:s6+$0xFFFFFFA0];
	[tilespmem:s14+$0xFFFFFF90] =	vst v1  }
0x98: {  	v9 =	vsel vm8, $0x0, v9;
	v10 =	vsel vm9, $0x0, v10;
	v11 =	vsel vm10, $0x0, v11;
	v18 =	vld [tilespmem:s6+$0xFFFFFFB0];
	[tilespmem:s14+$0xFFFFFFA0] =	vst v2  }
0x99: {  	v12 =	vsel vm11, $0x0, v12;
	v13 =	vsel vm13, $0x0, v13;
	v14 =	vsel vm12, $0x0, v14;
	v19 =	vld [tilespmem:s6+$0xFFFFFFC0];
	[tilespmem:s14+$0xFFFFFFB0] =	vst v3  }
0x9a: {  	v20 =	vld [tilespmem:s6+$0xFFFFFFD0];
	v1 =	vand.u32 $0x80000000, v16;
	[tilespmem:s14+$0xFFFFFFC0] =	vst v4  }
0x9b: {  	vm0 =	veq.f32 v16, $0.0e+00;
	v2 =	vand.u32 $0x80000000, v17;
	v21 =	vld [tilespmem:s6+$0xFFFFFFE0];
	v3 =	vor.u32 v0, v1;
	[tilespmem:s14+$0xFFFFFFD0] =	vst v5  }
0x9c: {  	v1 =	vor.u32 v0, v2;
	v2 =	vand.u32 $0x80000000, v15;
	v16 =	vld [tilespmem:s6+$0xFFFFFFF0];
	v3 =	vsel vm0, $0x0, v3;
	[tilespmem:s14+$0xFFFFFFE0] =	vst v6  }
0x9d: {  	vm0 =	veq.f32 v17, $0.0e+00;
	v2 =	vor.u32 v0, v2;
	v4 =	vand.u32 $0x80000000, v18;
	v17 =	vld [tilespmem:s6+$0x0];
	[tilespmem:s6+$0x70] =	vst v3  }
0x9e: {  	vm1 =	veq.f32 v15, $0.0e+00;
	v3 =	vor.u32 v0, v4;
	v4 =	vand.u32 $0x80000000, v19;
	v15 =	vld [tilespmem:s6+$0x10];
	[tilespmem:s14+$0xFFFFFFF0] =	vst v7  }
0x9f: {  	vm2 =	veq.f32 v18, $0.0e+00;
	v4 =	vor.u32 v0, v4;
	v5 =	vand.u32 $0x80000000, v20;
	v18 =	vld [tilespmem:s6+$0x20];
	[tilespmem:s14+$0x0] =	vst v8  }
0xa0: {  	vm3 =	veq.f32 v19, $0.0e+00;
	v5 =	vor.u32 v0, v5;
	v6 =	vand.u32 $0x80000000, v21;
	v19 =	vld [tilespmem:s6+$0x30];
	[tilespmem:s14+$0x10] =	vst v9  }
0xa1: {  	vm4 =	veq.f32 v20, $0.0e+00;
	v6 =	vor.u32 v0, v6;
	v7 =	vand.u32 $0x80000000, v16;
	v20 =	vld [tilespmem:s6+$0x40];
	[tilespmem:s14+$0x20] =	vst v10  }
0xa2: {  	vm5 =	veq.f32 v21, $0.0e+00;
	v7 =	vor.u32 v0, v7;
	v8 =	vand.u32 $0x80000000, v17;
	v21 =	vld [tilespmem:s6+$0x50];
	[tilespmem:s14+$0x30] =	vst v11  }
0xa3: {  	vm6 =	veq.f32 v16, $0.0e+00;
	v8 =	vor.u32 v0, v8;
	v9 =	vand.u32 $0x80000000, v15;
	v16 =	vld [tilespmem:s6+$0x60];
	[tilespmem:s14+$0x40] =	vst v12  }
0xa4: {  	vm7 =	veq.f32 v17, $0.0e+00;
	v22 =	vld [tilespmem:s6+$0xFFFFFF80];
	v9 =	vor.u32 v0, v9;
	v10 =	vand.u32 $0x80000000, v18;
	[tilespmem:s14+$0x50] =	vst v13  }
0xa5: {  	vm8 =	veq.f32 v15, $0.0e+00;
	v10 =	vor.u32 v0, v10;
	v11 =	vand.u32 $0x80000000, v19;
	[tilespmem:s14+$0x60] =	vst v14;
	s14 =	smov.u32 s6  }
.Ltmp1:
0xa6: {  	vm9 =	veq.f32 v18, $0.0e+00;
	v11 =	vor.u32 v0, v11;
	v12 =	vand.u32 $0x80000000, v20;
	(pc) =	sbr.rel @p0 .LBB2_4-.Ltmp1, $4  }
0xa7: {  	vm10 =	veq.f32 v19, $0.0e+00;
	v12 =	vor.u32 v0, v12;
	v13 =	vand.u32 $0x80000000, v21  }
0xa8: {  	vm11 =	veq.f32 v20, $0.0e+00;
	v13 =	vor.u32 v0, v13;
	v14 =	vand.u32 $0x80000000, v16  }
0xa9: {  	v15 =	vand.u32 $0x80000000, v22;
	vm14 =	veq.f32 v22, $0.0e+00;
	v14 =	vor.u32 v0, v14  }
0xaa: {  	s6 =	sadd.s32 $0x100, s6;
	vm13 =	veq.f32 v21, $0.0e+00;
	vm12 =	veq.f32 v16, $0.0e+00;
	v15 =	vor.u32 v0, v15  }
0xab: {  	v15 =	vsel vm14, $0x0, v15  }
0xac: {  	v1 =	vsel vm0, $0x0, v1;
	[tilespmem:s14+$0xFFFFFF80] =	vst v15  }
0xad: {  	v2 =	vsel vm1, $0x0, v2;
	[tilespmem:s14+$0xFFFFFF90] =	vst v1  }
0xae: {  	v1 =	vsel vm2, $0x0, v3;
	[tilespmem:s14+$0xFFFFFFA0] =	vst v2  }
0xaf: {  	v2 =	vsel vm3, $0x0, v4;
	[tilespmem:s14+$0xFFFFFFB0] =	vst v1  }
0xb0: {  	v1 =	vsel vm4, $0x0, v5;
	[tilespmem:s14+$0xFFFFFFC0] =	vst v2  }
0xb1: {  	v2 =	vsel vm5, $0x0, v6;
	[tilespmem:s14+$0xFFFFFFD0] =	vst v1  }
0xb2: {  	v1 =	vsel vm6, $0x0, v7;
	[tilespmem:s14+$0xFFFFFFE0] =	vst v2  }
0xb3: {  	v2 =	vsel vm7, $0x0, v8;
	[tilespmem:s14+$0xFFFFFFF0] =	vst v1  }
0xb4: {  	v1 =	vsel vm8, $0x0, v9;
	[tilespmem:s14+$0x0] =	vst v2  }
0xb5: {  	v2 =	vsel vm9, $0x0, v10;
	[tilespmem:s14+$0x10] =	vst v1  }
0xb6: {  	v1 =	vsel vm10, $0x0, v11;
	[tilespmem:s14+$0x20] =	vst v2  }
0xb7: {  	v2 =	vsel vm11, $0x0, v12;
	[tilespmem:s14+$0x30] =	vst v1  }
0xb8: {  	v1 =	vsel vm13, $0x0, v13;
	[tilespmem:s14+$0x40] =	vst v2  }
0xb9: {  	v2 =	vsel vm12, $0x0, v14;
	[tilespmem:s14+$0x50] =	vst v1  }
0xba: {  	s24 =	simm.s32 $0x0;
	[tilespmem:s14+$0x60] =	vst v2  }
0xbb: {  	[hbm4b:s9+s24] =	stream.linear.scatter [tilespmem:s20], [sflag:$0x5], $0x8000, $0x38;
	[tilespmem:$0x1A000] =	vst v63  }
.LBB2_6:
0xbc: {  	s14 =	smul.u32 $0x3, s24;
	_ =	sdelay $0x1  }
0xbd: {  	_ =	swait.ge [sflag:s30], $0x8000;
	s26 =	sadd.s32 $0x3, s14  }
0xbe: {  	[sflag:s30] =	ssyncset.done $0x0;
	s6 =	sshll.u32 s26, $0x8  }
0xbf: {  	[sflag:s30] =	ssyncadd.s32 $0xFFFF8000;
	s6 =	sand.u32 $0x3FFFFF00, s6  }
0xc0: {  	[tilespmem:s17], [sflag:$0x1] =	stream.indirect.gather [hbm4b:s2+s16], $0x80, s6, s16, $0xb8;
	[tilespmem:$0x1A000] =	vst v63  }
0xc1: {  	s6 =	sor.u32 $0x80, s6  }
0xc2: {  	[tilespmem:s18], [sflag:$0x1] =	stream.indirect.gather [hbm4b:s2+s16], $0x80, s6, s16, $0xb8;
	[tilespmem:$0x1A000] =	vst v63  }
0xc3: {  	_ =	swait.ge [sflag:s31], $0x4000  }
0xc4: {  	[sflag:s31] =	ssyncset.done $0x0  }
0xc5: {  	[sflag:s31] =	ssyncadd.s32 $0xFFFFC000  }
0xc6: {  	_ =	swait.ge [sflag:s31], $0x4000  }
0xc7: {  	[sflag:s31] =	ssyncset.done $0x0  }
0xc8: {  	s19 =	simm.s32 $0x11C80;
	[sflag:s31] =	ssyncadd.s32 $0xFFFFC000  }
0xc9: {  	v1 =	vld [tilespmem:s19+$0x70]  }
0xca: {  	v2 =	vld [tilespmem:s19+$0xFFFFFF90]  }
0xcb: {  	v3 =	vld [tilespmem:s19+$0xFFFFFFA0]  }
0xcc: {  	v4 =	vld [tilespmem:s19+$0xFFFFFFB0]  }
0xcd: {  	v5 =	vld [tilespmem:s19+$0xFFFFFFC0]  }
0xce: {  	v6 =	vld [tilespmem:s19+$0xFFFFFFD0]  }
0xcf: {  	v8 =	vld [tilespmem:s19+$0xFFFFFFE0]  }
0xd0: {  	v10 =	vld [tilespmem:s19+$0xFFFFFFF0]  }
0xd1: {  	v11 =	vld [tilespmem:s19+$0x0]  }
0xd2: {  	v12 =	vld [tilespmem:s19+$0x10]  }
0xd3: {  	v13 =	vld [tilespmem:s19+$0x20]  }
0xd4: {  	v14 =	vld [tilespmem:s19+$0x30]  }
0xd5: {  	v15 =	vld [tilespmem:s19+$0x40]  }
0xd6: {  	v18 =	vld [tilespmem:s19+$0xFFFFFF80];
	v7 =	vand.u32 $0x80000000, v1  }
0xd7: {  	v9 =	vand.u32 $0x80000000, v2;
	vm0 =	veq.f32 v1, $0.0e+00;
	vm1 =	veq.f32 v3, $0.0e+00  }
0xd8: {  	v16 =	vld [tilespmem:s19+$0x50];
	vm2 =	veq.f32 v4, $0.0e+00;
	vm3 =	veq.f32 v5, $0.0e+00;
	vm4 =	veq.f32 v6, $0.0e+00  }
0xd9: {  	v17 =	vld [tilespmem:s19+$0x60];
	vm5 =	veq.f32 v8, $0.0e+00;
	vm6 =	veq.f32 v10, $0.0e+00;
	vm7 =	veq.f32 v11, $0.0e+00  }
0xda: {  	vm8 =	veq.f32 v12, $0.0e+00;
	vm9 =	veq.f32 v13, $0.0e+00;
	vm10 =	veq.f32 v14, $0.0e+00  }
0xdb: {  	vm11 =	veq.f32 v15, $0.0e+00;
	vm14 =	veq.f32 v18, $0.0e+00;
	v7 =	vor.u32 v0, v7  }
0xdc: {  	v1 =	vor.u32 v0, v9;
	v9 =	vand.u32 $0x80000000, v3;
	v7 =	vsel vm0, $0x0, v7  }
0xdd: {  	vm0 =	veq.f32 v2, $0.0e+00;
	v2 =	vor.u32 v0, v9;
	v9 =	vand.u32 $0x80000000, v4  }
0xde: {  	vm13 =	veq.f32 v16, $0.0e+00;
	vm12 =	veq.f32 v17, $0.0e+00;
	v3 =	vor.u32 v0, v9  }
0xdf: {  	[tilespmem:s19+$0x70] =	vst v7;
	v7 =	vand.u32 $0x80000000, v5;
	v9 =	vand.u32 $0x80000000, v12;
	v12 =	vand.u32 $0x80000000, v15  }
0xe0: {  	v15 =	vand.u32 $0x80000000, v18;
	v4 =	vor.u32 v0, v7;
	v7 =	vand.u32 $0x80000000, v6  }
0xe1: {  	v9 =	vor.u32 v0, v9;
	v12 =	vor.u32 v0, v12;
	v15 =	vor.u32 v0, v15  }
0xe2: {  	v5 =	vor.u32 v0, v7;
	v7 =	vand.u32 $0x80000000, v8;
	v8 =	vand.u32 $0x80000000, v11  }
0xe3: {  	v11 =	vand.u32 $0x80000000, v14;
	v14 =	vand.u32 $0x80000000, v17;
	v6 =	vor.u32 v0, v7  }
0xe4: {  	v7 =	vand.u32 $0x80000000, v10;
	v8 =	vor.u32 v0, v8;
	v10 =	vand.u32 $0x80000000, v13  }
0xe5: {  	v11 =	vor.u32 v0, v11;
	v13 =	vand.u32 $0x80000000, v16;
	v14 =	vor.u32 v0, v14  }
0xe6: {  	s7 =	simm.s32 $0x11D80;
	s6 =	simm.s32 $0x0;
	v7 =	vor.u32 v0, v7;
	v10 =	vor.u32 v0, v10;
	v13 =	vor.u32 v0, v13  }
.LBB2_7:
0xe7: {  	v16 =	vld [tilespmem:s7+$0x70];
	s6 =	sadd.s32 $0x2, s6;
	v15 =	vsel vm14, $0x0, v15;
	v1 =	vsel vm0, $0x0, v1;
	v2 =	vsel vm1, $0x0, v2  }
0xe8: {  	v3 =	vsel vm2, $0x0, v3;
	v4 =	vsel vm3, $0x0, v4;
	v5 =	vsel vm4, $0x0, v5;
	v17 =	vld [tilespmem:s7+$0xFFFFFF90];
	p0 =	slt.u32 s6, $0xFE;
	[tilespmem:s19+$0xFFFFFF80] =	vst v15  }
0xe9: {  	v6 =	vsel vm5, $0x0, v6;
	v7 =	vsel vm6, $0x0, v7;
	v8 =	vsel vm7, $0x0, v8;
	v15 =	vld [tilespmem:s7+$0xFFFFFFA0];
	[tilespmem:s19+$0xFFFFFF90] =	vst v1  }
0xea: {  	v9 =	vsel vm8, $0x0, v9;
	v10 =	vsel vm9, $0x0, v10;
	v11 =	vsel vm10, $0x0, v11;
	v18 =	vld [tilespmem:s7+$0xFFFFFFB0];
	[tilespmem:s19+$0xFFFFFFA0] =	vst v2  }
0xeb: {  	v12 =	vsel vm11, $0x0, v12;
	v13 =	vsel vm13, $0x0, v13;
	v14 =	vsel vm12, $0x0, v14;
	v19 =	vld [tilespmem:s7+$0xFFFFFFC0];
	[tilespmem:s19+$0xFFFFFFB0] =	vst v3  }
0xec: {  	v20 =	vld [tilespmem:s7+$0xFFFFFFD0];
	v1 =	vand.u32 $0x80000000, v16;
	[tilespmem:s19+$0xFFFFFFC0] =	vst v4  }
0xed: {  	vm0 =	veq.f32 v16, $0.0e+00;
	v2 =	vand.u32 $0x80000000, v17;
	v21 =	vld [tilespmem:s7+$0xFFFFFFE0];
	v3 =	vor.u32 v0, v1;
	[tilespmem:s19+$0xFFFFFFD0] =	vst v5  }
0xee: {  	v1 =	vor.u32 v0, v2;
	v2 =	vand.u32 $0x80000000, v15;
	v16 =	vld [tilespmem:s7+$0xFFFFFFF0];
	v3 =	vsel vm0, $0x0, v3;
	[tilespmem:s19+$0xFFFFFFE0] =	vst v6  }
0xef: {  	vm0 =	veq.f32 v17, $0.0e+00;
	v2 =	vor.u32 v0, v2;
	v4 =	vand.u32 $0x80000000, v18;
	v17 =	vld [tilespmem:s7+$0x0];
	[tilespmem:s7+$0x70] =	vst v3  }
0xf0: {  	vm1 =	veq.f32 v15, $0.0e+00;
	v3 =	vor.u32 v0, v4;
	v4 =	vand.u32 $0x80000000, v19;
	v15 =	vld [tilespmem:s7+$0x10];
	[tilespmem:s19+$0xFFFFFFF0] =	vst v7  }
0xf1: {  	vm2 =	veq.f32 v18, $0.0e+00;
	v4 =	vor.u32 v0, v4;
	v5 =	vand.u32 $0x80000000, v20;
	v18 =	vld [tilespmem:s7+$0x20];
	[tilespmem:s19+$0x0] =	vst v8  }
0xf2: {  	vm3 =	veq.f32 v19, $0.0e+00;
	v5 =	vor.u32 v0, v5;
	v6 =	vand.u32 $0x80000000, v21;
	v19 =	vld [tilespmem:s7+$0x30];
	[tilespmem:s19+$0x10] =	vst v9  }
0xf3: {  	vm4 =	veq.f32 v20, $0.0e+00;
	v6 =	vor.u32 v0, v6;
	v7 =	vand.u32 $0x80000000, v16;
	v20 =	vld [tilespmem:s7+$0x40];
	[tilespmem:s19+$0x20] =	vst v10  }
0xf4: {  	vm5 =	veq.f32 v21, $0.0e+00;
	v7 =	vor.u32 v0, v7;
	v8 =	vand.u32 $0x80000000, v17;
	v21 =	vld [tilespmem:s7+$0x50];
	[tilespmem:s19+$0x30] =	vst v11  }
0xf5: {  	vm6 =	veq.f32 v16, $0.0e+00;
	v8 =	vor.u32 v0, v8;
	v9 =	vand.u32 $0x80000000, v15;
	v16 =	vld [tilespmem:s7+$0x60];
	[tilespmem:s19+$0x40] =	vst v12  }
0xf6: {  	vm7 =	veq.f32 v17, $0.0e+00;
	v22 =	vld [tilespmem:s7+$0xFFFFFF80];
	v9 =	vor.u32 v0, v9;
	v10 =	vand.u32 $0x80000000, v18;
	[tilespmem:s19+$0x50] =	vst v13  }
0xf7: {  	vm8 =	veq.f32 v15, $0.0e+00;
	v10 =	vor.u32 v0, v10;
	v11 =	vand.u32 $0x80000000, v19;
	[tilespmem:s19+$0x60] =	vst v14;
	s19 =	smov.u32 s7  }
.Ltmp2:
0xf8: {  	vm9 =	veq.f32 v18, $0.0e+00;
	v11 =	vor.u32 v0, v11;
	v12 =	vand.u32 $0x80000000, v20;
	(pc) =	sbr.rel @p0 .LBB2_7-.Ltmp2, $4  }
0xf9: {  	vm10 =	veq.f32 v19, $0.0e+00;
	v12 =	vor.u32 v0, v12;
	v13 =	vand.u32 $0x80000000, v21  }
0xfa: {  	vm11 =	veq.f32 v20, $0.0e+00;
	v13 =	vor.u32 v0, v13;
	v14 =	vand.u32 $0x80000000, v16  }
0xfb: {  	v15 =	vand.u32 $0x80000000, v22;
	vm14 =	veq.f32 v22, $0.0e+00;
	v14 =	vor.u32 v0, v14  }
0xfc: {  	s7 =	sadd.s32 $0x100, s7;
	vm13 =	veq.f32 v21, $0.0e+00;
	vm12 =	veq.f32 v16, $0.0e+00;
	v15 =	vor.u32 v0, v15  }
0xfd: {  	v15 =	vsel vm14, $0x0, v15  }
0xfe: {  	v1 =	vsel vm0, $0x0, v1;
	[tilespmem:s19+$0xFFFFFF80] =	vst v15  }
0xff: {  	v2 =	vsel vm1, $0x0, v2;
	[tilespmem:s19+$0xFFFFFF90] =	vst v1  }
0x100: {  	v1 =	vsel vm2, $0x0, v3;
	[tilespmem:s19+$0xFFFFFFA0] =	vst v2  }
0x101: {  	v2 =	vsel vm3, $0x0, v4;
	[tilespmem:s19+$0xFFFFFFB0] =	vst v1  }
0x102: {  	v1 =	vsel vm4, $0x0, v5;
	[tilespmem:s19+$0xFFFFFFC0] =	vst v2  }
0x103: {  	v2 =	vsel vm5, $0x0, v6;
	[tilespmem:s19+$0xFFFFFFD0] =	vst v1  }
0x104: {  	v1 =	vsel vm6, $0x0, v7;
	[tilespmem:s19+$0xFFFFFFE0] =	vst v2  }
0x105: {  	v2 =	vsel vm7, $0x0, v8;
	[tilespmem:s19+$0xFFFFFFF0] =	vst v1  }
0x106: {  	v1 =	vsel vm8, $0x0, v9;
	[tilespmem:s19+$0x0] =	vst v2  }
0x107: {  	v2 =	vsel vm9, $0x0, v10;
	[tilespmem:s19+$0x10] =	vst v1  }
0x108: {  	s6 =	smul.u32 $0x300, s24;
	v1 =	vsel vm10, $0x0, v11;
	[tilespmem:s19+$0x20] =	vst v2  }
0x109: {  	v2 =	vsel vm11, $0x0, v12;
	[tilespmem:s19+$0x30] =	vst v1  }
0x10a: {  	s6 =	sadd.s32 s6, s10;
	v1 =	vsel vm13, $0x0, v13;
	[tilespmem:s19+$0x40] =	vst v2  }
0x10b: {  	s6 =	sshll.u32 s6, $0x4;
	v2 =	vsel vm12, $0x0, v14;
	[tilespmem:s19+$0x50] =	vst v1  }
0x10c: {  	s6 =	sadd.s32 s3, s6;
	[tilespmem:s19+$0x60] =	vst v2  }
0x10d: {  	[hbm4b:s6+s4] =	stream.linear.scatter [tilespmem:s25], [sflag:$0x6], $0x8000, $0x38;
	[tilespmem:$0x1A000] =	vst v63  }
0x10e: {  	s14 =	sadd.s32 $0x4, s14;
	_ =	swait.ge [sflag:s1], $0x8000  }
0x10f: {  	s19 =	sshll.u32 s14, $0x8;
	[sflag:s1] =	ssyncset.done $0x0  }
0x110: {  	s6 =	sand.u32 $0x3FFFFF00, s19;
	[sflag:s1] =	ssyncadd.s32 $0xFFFF8000  }
0x111: {  	[tilespmem:s20], [sflag:$0x2] =	stream.indirect.gather [hbm4b:s2+s16], $0x80, s6, s16, $0xb8;
	[tilespmem:$0x1A000] =	vst v63  }
0x112: {  	s6 =	sor.u32 $0x80, s6  }
0x113: {  	[tilespmem:s22], [sflag:$0x2] =	stream.indirect.gather [hbm4b:s2+s16], $0x80, s6, s16, $0xb8;
	[tilespmem:$0x1A000] =	vst v63  }
0x114: {  	_ =	swait.ge [sflag:s23], $0x4000  }
0x115: {  	[sflag:s23] =	ssyncset.done $0x0  }
0x116: {  	[sflag:s23] =	ssyncadd.s32 $0xFFFFC000  }
0x117: {  	_ =	swait.ge [sflag:s23], $0x4000  }
0x118: {  	[sflag:s23] =	ssyncset.done $0x0  }
0x119: {  	s19 =	simm.s32 $0x1C80;
	[sflag:s23] =	ssyncadd.s32 $0xFFFFC000  }
0x11a: {  	v1 =	vld [tilespmem:s19+$0x70]  }
0x11b: {  	v2 =	vld [tilespmem:s19+$0xFFFFFF90]  }
0x11c: {  	v3 =	vld [tilespmem:s19+$0xFFFFFFA0]  }
0x11d: {  	v4 =	vld [tilespmem:s19+$0xFFFFFFB0]  }
0x11e: {  	v5 =	vld [tilespmem:s19+$0xFFFFFFC0]  }
0x11f: {  	v6 =	vld [tilespmem:s19+$0xFFFFFFD0]  }
0x120: {  	v8 =	vld [tilespmem:s19+$0xFFFFFFE0]  }
0x121: {  	v10 =	vld [tilespmem:s19+$0xFFFFFFF0]  }
0x122: {  	v11 =	vld [tilespmem:s19+$0x0]  }
0x123: {  	v12 =	vld [tilespmem:s19+$0x10]  }
0x124: {  	v13 =	vld [tilespmem:s19+$0x20]  }
0x125: {  	v14 =	vld [tilespmem:s19+$0x30]  }
0x126: {  	v15 =	vld [tilespmem:s19+$0x40]  }
0x127: {  	v18 =	vld [tilespmem:s19+$0xFFFFFF80];
	v7 =	vand.u32 $0x80000000, v1  }
0x128: {  	v9 =	vand.u32 $0x80000000, v2;
	vm0 =	veq.f32 v1, $0.0e+00;
	vm1 =	veq.f32 v3, $0.0e+00  }
0x129: {  	v16 =	vld [tilespmem:s19+$0x50];
	vm2 =	veq.f32 v4, $0.0e+00;
	vm3 =	veq.f32 v5, $0.0e+00;
	vm4 =	veq.f32 v6, $0.0e+00  }
0x12a: {  	v17 =	vld [tilespmem:s19+$0x60];
	vm5 =	veq.f32 v8, $0.0e+00;
	vm6 =	veq.f32 v10, $0.0e+00;
	vm7 =	veq.f32 v11, $0.0e+00  }
0x12b: {  	vm8 =	veq.f32 v12, $0.0e+00;
	vm9 =	veq.f32 v13, $0.0e+00;
	vm10 =	veq.f32 v14, $0.0e+00  }
0x12c: {  	vm11 =	veq.f32 v15, $0.0e+00;
	vm14 =	veq.f32 v18, $0.0e+00;
	v7 =	vor.u32 v0, v7  }
0x12d: {  	v1 =	vor.u32 v0, v9;
	v9 =	vand.u32 $0x80000000, v3;
	v7 =	vsel vm0, $0x0, v7  }
0x12e: {  	vm0 =	veq.f32 v2, $0.0e+00;
	v2 =	vor.u32 v0, v9;
	v9 =	vand.u32 $0x80000000, v4  }
0x12f: {  	vm13 =	veq.f32 v16, $0.0e+00;
	vm12 =	veq.f32 v17, $0.0e+00;
	v3 =	vor.u32 v0, v9  }
0x130: {  	[tilespmem:s19+$0x70] =	vst v7;
	v7 =	vand.u32 $0x80000000, v5;
	v9 =	vand.u32 $0x80000000, v12;
	v12 =	vand.u32 $0x80000000, v15  }
0x131: {  	v15 =	vand.u32 $0x80000000, v18;
	v4 =	vor.u32 v0, v7;
	v7 =	vand.u32 $0x80000000, v6  }
0x132: {  	v9 =	vor.u32 v0, v9;
	v12 =	vor.u32 v0, v12;
	v15 =	vor.u32 v0, v15  }
0x133: {  	v5 =	vor.u32 v0, v7;
	v7 =	vand.u32 $0x80000000, v8;
	v8 =	vand.u32 $0x80000000, v11  }
0x134: {  	v11 =	vand.u32 $0x80000000, v14;
	v14 =	vand.u32 $0x80000000, v17;
	v6 =	vor.u32 v0, v7  }
0x135: {  	v7 =	vand.u32 $0x80000000, v10;
	v8 =	vor.u32 v0, v8;
	v10 =	vand.u32 $0x80000000, v13  }
0x136: {  	v11 =	vor.u32 v0, v11;
	v13 =	vand.u32 $0x80000000, v16;
	v14 =	vor.u32 v0, v14  }
0x137: {  	s7 =	simm.s32 $0x1D80;
	s6 =	simm.s32 $0x0;
	v7 =	vor.u32 v0, v7;
	v10 =	vor.u32 v0, v10;
	v13 =	vor.u32 v0, v13  }
.LBB2_9:
0x138: {  	v16 =	vld [tilespmem:s7+$0x70];
	s6 =	sadd.s32 $0x2, s6;
	v15 =	vsel vm14, $0x0, v15;
	v1 =	vsel vm0, $0x0, v1;
	v2 =	vsel vm1, $0x0, v2  }
0x139: {  	v3 =	vsel vm2, $0x0, v3;
	v4 =	vsel vm3, $0x0, v4;
	v5 =	vsel vm4, $0x0, v5;
	v17 =	vld [tilespmem:s7+$0xFFFFFF90];
	p0 =	slt.u32 s6, $0xFE;
	[tilespmem:s19+$0xFFFFFF80] =	vst v15  }
0x13a: {  	v6 =	vsel vm5, $0x0, v6;
	v7 =	vsel vm6, $0x0, v7;
	v8 =	vsel vm7, $0x0, v8;
	v15 =	vld [tilespmem:s7+$0xFFFFFFA0];
	[tilespmem:s19+$0xFFFFFF90] =	vst v1  }
0x13b: {  	v9 =	vsel vm8, $0x0, v9;
	v10 =	vsel vm9, $0x0, v10;
	v11 =	vsel vm10, $0x0, v11;
	v18 =	vld [tilespmem:s7+$0xFFFFFFB0];
	[tilespmem:s19+$0xFFFFFFA0] =	vst v2  }
0x13c: {  	v12 =	vsel vm11, $0x0, v12;
	v13 =	vsel vm13, $0x0, v13;
	v14 =	vsel vm12, $0x0, v14;
	v19 =	vld [tilespmem:s7+$0xFFFFFFC0];
	[tilespmem:s19+$0xFFFFFFB0] =	vst v3  }
0x13d: {  	v20 =	vld [tilespmem:s7+$0xFFFFFFD0];
	v1 =	vand.u32 $0x80000000, v16;
	[tilespmem:s19+$0xFFFFFFC0] =	vst v4  }
0x13e: {  	vm0 =	veq.f32 v16, $0.0e+00;
	v2 =	vand.u32 $0x80000000, v17;
	v21 =	vld [tilespmem:s7+$0xFFFFFFE0];
	v3 =	vor.u32 v0, v1;
	[tilespmem:s19+$0xFFFFFFD0] =	vst v5  }
0x13f: {  	v1 =	vor.u32 v0, v2;
	v2 =	vand.u32 $0x80000000, v15;
	v16 =	vld [tilespmem:s7+$0xFFFFFFF0];
	v3 =	vsel vm0, $0x0, v3;
	[tilespmem:s19+$0xFFFFFFE0] =	vst v6  }
0x140: {  	vm0 =	veq.f32 v17, $0.0e+00;
	v2 =	vor.u32 v0, v2;
	v4 =	vand.u32 $0x80000000, v18;
	v17 =	vld [tilespmem:s7+$0x0];
	[tilespmem:s7+$0x70] =	vst v3  }
0x141: {  	vm1 =	veq.f32 v15, $0.0e+00;
	v3 =	vor.u32 v0, v4;
	v4 =	vand.u32 $0x80000000, v19;
	v15 =	vld [tilespmem:s7+$0x10];
	[tilespmem:s19+$0xFFFFFFF0] =	vst v7  }
0x142: {  	vm2 =	veq.f32 v18, $0.0e+00;
	v4 =	vor.u32 v0, v4;
	v5 =	vand.u32 $0x80000000, v20;
	v18 =	vld [tilespmem:s7+$0x20];
	[tilespmem:s19+$0x0] =	vst v8  }
0x143: {  	vm3 =	veq.f32 v19, $0.0e+00;
	v5 =	vor.u32 v0, v5;
	v6 =	vand.u32 $0x80000000, v21;
	v19 =	vld [tilespmem:s7+$0x30];
	[tilespmem:s19+$0x10] =	vst v9  }
0x144: {  	vm4 =	veq.f32 v20, $0.0e+00;
	v6 =	vor.u32 v0, v6;
	v7 =	vand.u32 $0x80000000, v16;
	v20 =	vld [tilespmem:s7+$0x40];
	[tilespmem:s19+$0x20] =	vst v10  }
0x145: {  	vm5 =	veq.f32 v21, $0.0e+00;
	v7 =	vor.u32 v0, v7;
	v8 =	vand.u32 $0x80000000, v17;
	v21 =	vld [tilespmem:s7+$0x50];
	[tilespmem:s19+$0x30] =	vst v11  }
0x146: {  	vm6 =	veq.f32 v16, $0.0e+00;
	v8 =	vor.u32 v0, v8;
	v9 =	vand.u32 $0x80000000, v15;
	v16 =	vld [tilespmem:s7+$0x60];
	[tilespmem:s19+$0x40] =	vst v12  }
0x147: {  	vm7 =	veq.f32 v17, $0.0e+00;
	v22 =	vld [tilespmem:s7+$0xFFFFFF80];
	v9 =	vor.u32 v0, v9;
	v10 =	vand.u32 $0x80000000, v18;
	[tilespmem:s19+$0x50] =	vst v13  }
0x148: {  	vm8 =	veq.f32 v15, $0.0e+00;
	v10 =	vor.u32 v0, v10;
	v11 =	vand.u32 $0x80000000, v19;
	[tilespmem:s19+$0x60] =	vst v14;
	s19 =	smov.u32 s7  }
.Ltmp3:
0x149: {  	vm9 =	veq.f32 v18, $0.0e+00;
	v11 =	vor.u32 v0, v11;
	v12 =	vand.u32 $0x80000000, v20;
	(pc) =	sbr.rel @p0 .LBB2_9-.Ltmp3, $4  }
0x14a: {  	vm10 =	veq.f32 v19, $0.0e+00;
	v12 =	vor.u32 v0, v12;
	v13 =	vand.u32 $0x80000000, v21  }
0x14b: {  	vm11 =	veq.f32 v20, $0.0e+00;
	v13 =	vor.u32 v0, v13;
	v14 =	vand.u32 $0x80000000, v16  }
0x14c: {  	v15 =	vand.u32 $0x80000000, v22;
	vm14 =	veq.f32 v22, $0.0e+00;
	v14 =	vor.u32 v0, v14  }
0x14d: {  	s7 =	sadd.s32 $0x100, s7;
	vm13 =	veq.f32 v21, $0.0e+00;
	vm12 =	veq.f32 v16, $0.0e+00;
	v15 =	vor.u32 v0, v15  }
0x14e: {  	v15 =	vsel vm14, $0x0, v15  }
0x14f: {  	v1 =	vsel vm0, $0x0, v1;
	[tilespmem:s19+$0xFFFFFF80] =	vst v15  }
0x150: {  	v2 =	vsel vm1, $0x0, v2;
	[tilespmem:s19+$0xFFFFFF90] =	vst v1  }
0x151: {  	v1 =	vsel vm2, $0x0, v3;
	[tilespmem:s19+$0xFFFFFFA0] =	vst v2  }
0x152: {  	v2 =	vsel vm3, $0x0, v4;
	[tilespmem:s19+$0xFFFFFFB0] =	vst v1  }
0x153: {  	v1 =	vsel vm4, $0x0, v5;
	[tilespmem:s19+$0xFFFFFFC0] =	vst v2  }
0x154: {  	v2 =	vsel vm5, $0x0, v6;
	[tilespmem:s19+$0xFFFFFFD0] =	vst v1  }
0x155: {  	v1 =	vsel vm6, $0x0, v7;
	[tilespmem:s19+$0xFFFFFFE0] =	vst v2  }
0x156: {  	v2 =	vsel vm7, $0x0, v8;
	[tilespmem:s19+$0xFFFFFFF0] =	vst v1  }
0x157: {  	v1 =	vsel vm8, $0x0, v9;
	[tilespmem:s19+$0x0] =	vst v2  }
0x158: {  	v2 =	vsel vm9, $0x0, v10;
	[tilespmem:s19+$0x10] =	vst v1  }
0x159: {  	v1 =	vsel vm10, $0x0, v11;
	[tilespmem:s19+$0x20] =	vst v2  }
0x15a: {  	s6 =	sshll.u32 s26, $0xF;
	v2 =	vsel vm11, $0x0, v12;
	[tilespmem:s19+$0x30] =	vst v1  }
0x15b: {  	s6 =	sadd.s32 s5, s6;
	v1 =	vsel vm13, $0x0, v13;
	[tilespmem:s19+$0x40] =	vst v2  }
0x15c: {  	s6 =	sshrl.u32 s6, $0x3;
	v2 =	vsel vm12, $0x0, v14;
	[tilespmem:s19+$0x50] =	vst v1  }
0x15d: {  	s26 =	smul.u32 $0xC00, s24;
	s6 =	sadd.s32 s3, s6;
	[tilespmem:s19+$0x60] =	vst v2  }
0x15e: {  	[hbm4b:s6+s4] =	stream.linear.scatter [tilespmem:s17], [sflag:$0x4], $0x8000, $0x38;
	[tilespmem:$0x1A000] =	vst v63  }
0x15f: {  	_ =	swait.ge [sflag:s0], $0x8000  }
0x160: {  	s6 =	sshra.s32 s26, $0x2;
	[sflag:s0] =	ssyncset.done $0x0  }
0x161: {  	s7 =	sadd.s32 $0x500, s6;
	[sflag:s0] =	ssyncadd.s32 $0xFFFF8000  }
0x162: {  	[tilespmem:s25], [sflag:$0x3] =	stream.indirect.gather [hbm4b:s2+s16], $0x80, s7, s16, $0xb8;
	[tilespmem:$0x1A000] =	vst v63  }
0x163: {  	s6 =	sadd.s32 $0x580, s6  }
0x164: {  	[tilespmem:s28], [sflag:$0x3] =	stream.indirect.gather [hbm4b:s2+s16], $0x80, s6, s16, $0xb8;
	[tilespmem:$0x1A000] =	vst v63  }
0x165: {  	_ =	swait.ge [sflag:s29], $0x4000  }
0x166: {  	[sflag:s29] =	ssyncset.done $0x0  }
0x167: {  	[sflag:s29] =	ssyncadd.s32 $0xFFFFC000  }
0x168: {  	_ =	swait.ge [sflag:s29], $0x4000  }
0x169: {  	[sflag:s29] =	ssyncset.done $0x0  }
0x16a: {  	s19 =	simm.s32 $0x9C80;
	[sflag:s29] =	ssyncadd.s32 $0xFFFFC000  }
0x16b: {  	v1 =	vld [tilespmem:s19+$0x70]  }
0x16c: {  	v2 =	vld [tilespmem:s19+$0xFFFFFF90]  }
0x16d: {  	v3 =	vld [tilespmem:s19+$0xFFFFFFA0]  }
0x16e: {  	v4 =	vld [tilespmem:s19+$0xFFFFFFB0]  }
0x16f: {  	v5 =	vld [tilespmem:s19+$0xFFFFFFC0]  }
0x170: {  	v6 =	vld [tilespmem:s19+$0xFFFFFFD0]  }
0x171: {  	v8 =	vld [tilespmem:s19+$0xFFFFFFE0]  }
0x172: {  	v10 =	vld [tilespmem:s19+$0xFFFFFFF0]  }
0x173: {  	v11 =	vld [tilespmem:s19+$0x0]  }
0x174: {  	v12 =	vld [tilespmem:s19+$0x10]  }
0x175: {  	v13 =	vld [tilespmem:s19+$0x20]  }
0x176: {  	v14 =	vld [tilespmem:s19+$0x30]  }
0x177: {  	v15 =	vld [tilespmem:s19+$0x40]  }
0x178: {  	v18 =	vld [tilespmem:s19+$0xFFFFFF80];
	v7 =	vand.u32 $0x80000000, v1  }
0x179: {  	v9 =	vand.u32 $0x80000000, v2;
	vm0 =	veq.f32 v1, $0.0e+00;
	vm1 =	veq.f32 v3, $0.0e+00  }
0x17a: {  	v16 =	vld [tilespmem:s19+$0x50];
	vm2 =	veq.f32 v4, $0.0e+00;
	vm3 =	veq.f32 v5, $0.0e+00;
	vm4 =	veq.f32 v6, $0.0e+00  }
0x17b: {  	v17 =	vld [tilespmem:s19+$0x60];
	vm5 =	veq.f32 v8, $0.0e+00;
	vm6 =	veq.f32 v10, $0.0e+00;
	vm7 =	veq.f32 v11, $0.0e+00  }
0x17c: {  	vm8 =	veq.f32 v12, $0.0e+00;
	vm9 =	veq.f32 v13, $0.0e+00;
	vm10 =	veq.f32 v14, $0.0e+00  }
0x17d: {  	vm11 =	veq.f32 v15, $0.0e+00;
	vm14 =	veq.f32 v18, $0.0e+00;
	v7 =	vor.u32 v0, v7  }
0x17e: {  	v1 =	vor.u32 v0, v9;
	v9 =	vand.u32 $0x80000000, v3;
	v7 =	vsel vm0, $0x0, v7  }
0x17f: {  	vm0 =	veq.f32 v2, $0.0e+00;
	v2 =	vor.u32 v0, v9;
	v9 =	vand.u32 $0x80000000, v4  }
0x180: {  	vm13 =	veq.f32 v16, $0.0e+00;
	vm12 =	veq.f32 v17, $0.0e+00;
	v3 =	vor.u32 v0, v9  }
0x181: {  	[tilespmem:s19+$0x70] =	vst v7;
	v7 =	vand.u32 $0x80000000, v5;
	v9 =	vand.u32 $0x80000000, v12;
	v12 =	vand.u32 $0x80000000, v15  }
0x182: {  	v15 =	vand.u32 $0x80000000, v18;
	v4 =	vor.u32 v0, v7;
	v7 =	vand.u32 $0x80000000, v6  }
0x183: {  	v9 =	vor.u32 v0, v9;
	v12 =	vor.u32 v0, v12;
	v15 =	vor.u32 v0, v15  }
0x184: {  	v5 =	vor.u32 v0, v7;
	v7 =	vand.u32 $0x80000000, v8;
	v8 =	vand.u32 $0x80000000, v11  }
0x185: {  	v11 =	vand.u32 $0x80000000, v14;
	v14 =	vand.u32 $0x80000000, v17;
	v6 =	vor.u32 v0, v7  }
0x186: {  	v7 =	vand.u32 $0x80000000, v10;
	v8 =	vor.u32 v0, v8;
	v10 =	vand.u32 $0x80000000, v13  }
0x187: {  	v11 =	vor.u32 v0, v11;
	v13 =	vand.u32 $0x80000000, v16;
	v14 =	vor.u32 v0, v14  }
0x188: {  	s7 =	simm.s32 $0x9D80;
	s6 =	simm.s32 $0x0;
	v7 =	vor.u32 v0, v7;
	v10 =	vor.u32 v0, v10;
	v13 =	vor.u32 v0, v13  }
.LBB2_11:
0x189: {  	v16 =	vld [tilespmem:s7+$0x70];
	s6 =	sadd.s32 $0x2, s6;
	v15 =	vsel vm14, $0x0, v15;
	v1 =	vsel vm0, $0x0, v1;
	v2 =	vsel vm1, $0x0, v2  }
0x18a: {  	v3 =	vsel vm2, $0x0, v3;
	v4 =	vsel vm3, $0x0, v4;
	v5 =	vsel vm4, $0x0, v5;
	v17 =	vld [tilespmem:s7+$0xFFFFFF90];
	p0 =	slt.u32 s6, $0xFE;
	[tilespmem:s19+$0xFFFFFF80] =	vst v15  }
0x18b: {  	v6 =	vsel vm5, $0x0, v6;
	v7 =	vsel vm6, $0x0, v7;
	v8 =	vsel vm7, $0x0, v8;
	v15 =	vld [tilespmem:s7+$0xFFFFFFA0];
	[tilespmem:s19+$0xFFFFFF90] =	vst v1  }
0x18c: {  	v9 =	vsel vm8, $0x0, v9;
	v10 =	vsel vm9, $0x0, v10;
	v11 =	vsel vm10, $0x0, v11;
	v18 =	vld [tilespmem:s7+$0xFFFFFFB0];
	[tilespmem:s19+$0xFFFFFFA0] =	vst v2  }
0x18d: {  	v12 =	vsel vm11, $0x0, v12;
	v13 =	vsel vm13, $0x0, v13;
	v14 =	vsel vm12, $0x0, v14;
	v19 =	vld [tilespmem:s7+$0xFFFFFFC0];
	[tilespmem:s19+$0xFFFFFFB0] =	vst v3  }
0x18e: {  	v20 =	vld [tilespmem:s7+$0xFFFFFFD0];
	v1 =	vand.u32 $0x80000000, v16;
	[tilespmem:s19+$0xFFFFFFC0] =	vst v4  }
0x18f: {  	vm0 =	veq.f32 v16, $0.0e+00;
	v2 =	vand.u32 $0x80000000, v17;
	v21 =	vld [tilespmem:s7+$0xFFFFFFE0];
	v3 =	vor.u32 v0, v1;
	[tilespmem:s19+$0xFFFFFFD0] =	vst v5  }
0x190: {  	v1 =	vor.u32 v0, v2;
	v2 =	vand.u32 $0x80000000, v15;
	v16 =	vld [tilespmem:s7+$0xFFFFFFF0];
	v3 =	vsel vm0, $0x0, v3;
	[tilespmem:s19+$0xFFFFFFE0] =	vst v6  }
0x191: {  	vm0 =	veq.f32 v17, $0.0e+00;
	v2 =	vor.u32 v0, v2;
	v4 =	vand.u32 $0x80000000, v18;
	v17 =	vld [tilespmem:s7+$0x0];
	[tilespmem:s7+$0x70] =	vst v3  }
0x192: {  	vm1 =	veq.f32 v15, $0.0e+00;
	v3 =	vor.u32 v0, v4;
	v4 =	vand.u32 $0x80000000, v19;
	v15 =	vld [tilespmem:s7+$0x10];
	[tilespmem:s19+$0xFFFFFFF0] =	vst v7  }
0x193: {  	vm2 =	veq.f32 v18, $0.0e+00;
	v4 =	vor.u32 v0, v4;
	v5 =	vand.u32 $0x80000000, v20;
	v18 =	vld [tilespmem:s7+$0x20];
	[tilespmem:s19+$0x0] =	vst v8  }
0x194: {  	vm3 =	veq.f32 v19, $0.0e+00;
	v5 =	vor.u32 v0, v5;
	v6 =	vand.u32 $0x80000000, v21;
	v19 =	vld [tilespmem:s7+$0x30];
	[tilespmem:s19+$0x10] =	vst v9  }
0x195: {  	vm4 =	veq.f32 v20, $0.0e+00;
	v6 =	vor.u32 v0, v6;
	v7 =	vand.u32 $0x80000000, v16;
	v20 =	vld [tilespmem:s7+$0x40];
	[tilespmem:s19+$0x20] =	vst v10  }
0x196: {  	vm5 =	veq.f32 v21, $0.0e+00;
	v7 =	vor.u32 v0, v7;
	v8 =	vand.u32 $0x80000000, v17;
	v21 =	vld [tilespmem:s7+$0x50];
	[tilespmem:s19+$0x30] =	vst v11  }
0x197: {  	vm6 =	veq.f32 v16, $0.0e+00;
	v8 =	vor.u32 v0, v8;
	v9 =	vand.u32 $0x80000000, v15;
	v16 =	vld [tilespmem:s7+$0x60];
	[tilespmem:s19+$0x40] =	vst v12  }
0x198: {  	vm7 =	veq.f32 v17, $0.0e+00;
	v22 =	vld [tilespmem:s7+$0xFFFFFF80];
	v9 =	vor.u32 v0, v9;
	v10 =	vand.u32 $0x80000000, v18;
	[tilespmem:s19+$0x50] =	vst v13  }
0x199: {  	vm8 =	veq.f32 v15, $0.0e+00;
	v10 =	vor.u32 v0, v10;
	v11 =	vand.u32 $0x80000000, v19;
	[tilespmem:s19+$0x60] =	vst v14;
	s19 =	smov.u32 s7  }
.Ltmp4:
0x19a: {  	vm9 =	veq.f32 v18, $0.0e+00;
	v11 =	vor.u32 v0, v11;
	v12 =	vand.u32 $0x80000000, v20;
	(pc) =	sbr.rel @p0 .LBB2_11-.Ltmp4, $4  }
0x19b: {  	vm10 =	veq.f32 v19, $0.0e+00;
	v12 =	vor.u32 v0, v12;
	v13 =	vand.u32 $0x80000000, v21  }
0x19c: {  	vm11 =	veq.f32 v20, $0.0e+00;
	v13 =	vor.u32 v0, v13;
	v14 =	vand.u32 $0x80000000, v16  }
0x19d: {  	v15 =	vand.u32 $0x80000000, v22;
	vm14 =	veq.f32 v22, $0.0e+00;
	v14 =	vor.u32 v0, v14  }
0x19e: {  	s7 =	sadd.s32 $0x100, s7;
	vm13 =	veq.f32 v21, $0.0e+00;
	vm12 =	veq.f32 v16, $0.0e+00;
	v15 =	vor.u32 v0, v15  }
0x19f: {  	v15 =	vsel vm14, $0x0, v15  }
0x1a0: {  	v1 =	vsel vm0, $0x0, v1;
	[tilespmem:s19+$0xFFFFFF80] =	vst v15  }
0x1a1: {  	v2 =	vsel vm1, $0x0, v2;
	[tilespmem:s19+$0xFFFFFF90] =	vst v1  }
0x1a2: {  	v1 =	vsel vm2, $0x0, v3;
	[tilespmem:s19+$0xFFFFFFA0] =	vst v2  }
0x1a3: {  	v2 =	vsel vm3, $0x0, v4;
	[tilespmem:s19+$0xFFFFFFB0] =	vst v1  }
0x1a4: {  	v1 =	vsel vm4, $0x0, v5;
	[tilespmem:s19+$0xFFFFFFC0] =	vst v2  }
0x1a5: {  	v2 =	vsel vm5, $0x0, v6;
	[tilespmem:s19+$0xFFFFFFD0] =	vst v1  }
0x1a6: {  	v1 =	vsel vm6, $0x0, v7;
	[tilespmem:s19+$0xFFFFFFE0] =	vst v2  }
0x1a7: {  	v2 =	vsel vm7, $0x0, v8;
	[tilespmem:s19+$0xFFFFFFF0] =	vst v1  }
0x1a8: {  	v1 =	vsel vm8, $0x0, v9;
	[tilespmem:s19+$0x0] =	vst v2  }
0x1a9: {  	s24 =	sadd.s32 $0x1, s24;
	v2 =	vsel vm9, $0x0, v10;
	[tilespmem:s19+$0x10] =	vst v1  }
0x1aa: {  	p0 =	sne.s32 s24, $0x7;
	v1 =	vsel vm10, $0x0, v11;
	[tilespmem:s19+$0x20] =	vst v2  }
.Ltmp5:
0x1ab: {  	s6 =	sshll.u32 s14, $0xF;
	v2 =	vsel vm11, $0x0, v12;
	[tilespmem:s19+$0x30] =	vst v1;
	(pc) =	sbr.rel @p0 .LBB2_6-.Ltmp5, $4  }
0x1ac: {  	s6 =	sadd.s32 s5, s6;
	v1 =	vsel vm13, $0x0, v13;
	[tilespmem:s19+$0x40] =	vst v2  }
0x1ad: {  	s6 =	sshrl.u32 s6, $0x3;
	v2 =	vsel vm12, $0x0, v14;
	[tilespmem:s19+$0x50] =	vst v1  }
0x1ae: {  	s6 =	sadd.s32 s3, s6;
	[tilespmem:s19+$0x60] =	vst v2  }
0x1af: {  	[hbm4b:s6+s4] =	stream.linear.scatter [tilespmem:s20], [sflag:$0x5], $0x8000, $0x38;
	[tilespmem:$0x1A000] =	vst v63  }
0x1b0: {  	_ =	swait.ge [sflag:s30], $0x8000  }
0x1b1: {  	[sflag:s30] =	ssyncset.done $0x0  }
0x1b2: {  	s6 =	simm.s32 $0x1800;
	[sflag:s30] =	ssyncadd.s32 $0xFFFF8000  }
0x1b3: {  	[tilespmem:s17], [sflag:$0x1] =	stream.indirect.gather [hbm4b:s2+s16], $0x80, s6, s16, $0xb8;
	[tilespmem:$0x1A000] =	vst v63  }
0x1b4: {  	s26 =	simm.s32 $0x1880  }
0x1b5: {  	[tilespmem:s18], [sflag:$0x1] =	stream.indirect.gather [hbm4b:s2+s16], $0x80, s26, s16, $0xb8;
	[tilespmem:$0x1A000] =	vst v63  }
0x1b6: {  	_ =	swait.ge [sflag:s31], $0x4000  }
0x1b7: {  	[sflag:s31] =	ssyncset.done $0x0  }
0x1b8: {  	[sflag:s31] =	ssyncadd.s32 $0xFFFFC000  }
0x1b9: {  	_ =	swait.ge [sflag:s31], $0x4000  }
0x1ba: {  	[sflag:s31] =	ssyncset.done $0x0  }
0x1bb: {  	s14 =	simm.s32 $0x11C80;
	[sflag:s31] =	ssyncadd.s32 $0xFFFFC000  }
0x1bc: {  	v1 =	vld [tilespmem:s14+$0x70]  }
0x1bd: {  	v2 =	vld [tilespmem:s14+$0xFFFFFF90]  }
0x1be: {  	v3 =	vld [tilespmem:s14+$0xFFFFFFA0]  }
0x1bf: {  	v4 =	vld [tilespmem:s14+$0xFFFFFFB0]  }
0x1c0: {  	v5 =	vld [tilespmem:s14+$0xFFFFFFC0]  }
0x1c1: {  	v6 =	vld [tilespmem:s14+$0xFFFFFFD0]  }
0x1c2: {  	v8 =	vld [tilespmem:s14+$0xFFFFFFE0]  }
0x1c3: {  	v10 =	vld [tilespmem:s14+$0xFFFFFFF0]  }
0x1c4: {  	v11 =	vld [tilespmem:s14+$0x0]  }
0x1c5: {  	v12 =	vld [tilespmem:s14+$0x10]  }
0x1c6: {  	v13 =	vld [tilespmem:s14+$0x20]  }
0x1c7: {  	v14 =	vld [tilespmem:s14+$0x30]  }
0x1c8: {  	v15 =	vld [tilespmem:s14+$0x40]  }
0x1c9: {  	v18 =	vld [tilespmem:s14+$0xFFFFFF80];
	v7 =	vand.u32 $0x80000000, v1  }
0x1ca: {  	v9 =	vand.u32 $0x80000000, v2;
	vm0 =	veq.f32 v1, $0.0e+00;
	vm1 =	veq.f32 v3, $0.0e+00  }
0x1cb: {  	v16 =	vld [tilespmem:s14+$0x50];
	vm2 =	veq.f32 v4, $0.0e+00;
	vm3 =	veq.f32 v5, $0.0e+00;
	vm4 =	veq.f32 v6, $0.0e+00  }
0x1cc: {  	v17 =	vld [tilespmem:s14+$0x60];
	vm5 =	veq.f32 v8, $0.0e+00;
	vm6 =	veq.f32 v10, $0.0e+00;
	vm7 =	veq.f32 v11, $0.0e+00  }
0x1cd: {  	vm8 =	veq.f32 v12, $0.0e+00;
	vm9 =	veq.f32 v13, $0.0e+00;
	vm10 =	veq.f32 v14, $0.0e+00  }
0x1ce: {  	vm11 =	veq.f32 v15, $0.0e+00;
	vm14 =	veq.f32 v18, $0.0e+00;
	v7 =	vor.u32 v0, v7  }
0x1cf: {  	v1 =	vor.u32 v0, v9;
	v9 =	vand.u32 $0x80000000, v3;
	v7 =	vsel vm0, $0x0, v7  }
0x1d0: {  	vm0 =	veq.f32 v2, $0.0e+00;
	v2 =	vor.u32 v0, v9;
	v9 =	vand.u32 $0x80000000, v4  }
0x1d1: {  	vm13 =	veq.f32 v16, $0.0e+00;
	vm12 =	veq.f32 v17, $0.0e+00;
	v3 =	vor.u32 v0, v9  }
0x1d2: {  	[tilespmem:s14+$0x70] =	vst v7;
	v7 =	vand.u32 $0x80000000, v5;
	v9 =	vand.u32 $0x80000000, v12;
	v12 =	vand.u32 $0x80000000, v15  }
0x1d3: {  	v15 =	vand.u32 $0x80000000, v18;
	v4 =	vor.u32 v0, v7;
	v7 =	vand.u32 $0x80000000, v6  }
0x1d4: {  	v9 =	vor.u32 v0, v9;
	v12 =	vor.u32 v0, v12;
	v15 =	vor.u32 v0, v15  }
0x1d5: {  	v5 =	vor.u32 v0, v7;
	v7 =	vand.u32 $0x80000000, v8;
	v8 =	vand.u32 $0x80000000, v11  }
0x1d6: {  	v11 =	vand.u32 $0x80000000, v14;
	v14 =	vand.u32 $0x80000000, v17;
	v6 =	vor.u32 v0, v7  }
0x1d7: {  	v7 =	vand.u32 $0x80000000, v10;
	v8 =	vor.u32 v0, v8;
	v10 =	vand.u32 $0x80000000, v13  }
0x1d8: {  	v11 =	vor.u32 v0, v11;
	v13 =	vand.u32 $0x80000000, v16;
	v14 =	vor.u32 v0, v14  }
0x1d9: {  	s7 =	simm.s32 $0x11D80;
	s6 =	simm.s32 $0x0;
	v7 =	vor.u32 v0, v7;
	v10 =	vor.u32 v0, v10;
	v13 =	vor.u32 v0, v13  }
.LBB2_14:
0x1da: {  	v16 =	vld [tilespmem:s7+$0x70];
	s6 =	sadd.s32 $0x2, s6;
	v15 =	vsel vm14, $0x0, v15;
	v1 =	vsel vm0, $0x0, v1;
	v2 =	vsel vm1, $0x0, v2  }
0x1db: {  	v3 =	vsel vm2, $0x0, v3;
	v4 =	vsel vm3, $0x0, v4;
	v5 =	vsel vm4, $0x0, v5;
	v17 =	vld [tilespmem:s7+$0xFFFFFF90];
	p0 =	slt.u32 s6, $0xFE;
	[tilespmem:s14+$0xFFFFFF80] =	vst v15  }
0x1dc: {  	v6 =	vsel vm5, $0x0, v6;
	v7 =	vsel vm6, $0x0, v7;
	v8 =	vsel vm7, $0x0, v8;
	v15 =	vld [tilespmem:s7+$0xFFFFFFA0];
	[tilespmem:s14+$0xFFFFFF90] =	vst v1  }
0x1dd: {  	v9 =	vsel vm8, $0x0, v9;
	v10 =	vsel vm9, $0x0, v10;
	v11 =	vsel vm10, $0x0, v11;
	v18 =	vld [tilespmem:s7+$0xFFFFFFB0];
	[tilespmem:s14+$0xFFFFFFA0] =	vst v2  }
0x1de: {  	v12 =	vsel vm11, $0x0, v12;
	v13 =	vsel vm13, $0x0, v13;
	v14 =	vsel vm12, $0x0, v14;
	v19 =	vld [tilespmem:s7+$0xFFFFFFC0];
	[tilespmem:s14+$0xFFFFFFB0] =	vst v3  }
0x1df: {  	v20 =	vld [tilespmem:s7+$0xFFFFFFD0];
	v1 =	vand.u32 $0x80000000, v16;
	[tilespmem:s14+$0xFFFFFFC0] =	vst v4  }
0x1e0: {  	vm0 =	veq.f32 v16, $0.0e+00;
	v2 =	vand.u32 $0x80000000, v17;
	v21 =	vld [tilespmem:s7+$0xFFFFFFE0];
	v3 =	vor.u32 v0, v1;
	[tilespmem:s14+$0xFFFFFFD0] =	vst v5  }
0x1e1: {  	v1 =	vor.u32 v0, v2;
	v2 =	vand.u32 $0x80000000, v15;
	v16 =	vld [tilespmem:s7+$0xFFFFFFF0];
	v3 =	vsel vm0, $0x0, v3;
	[tilespmem:s14+$0xFFFFFFE0] =	vst v6  }
0x1e2: {  	vm0 =	veq.f32 v17, $0.0e+00;
	v2 =	vor.u32 v0, v2;
	v4 =	vand.u32 $0x80000000, v18;
	v17 =	vld [tilespmem:s7+$0x0];
	[tilespmem:s7+$0x70] =	vst v3  }
0x1e3: {  	vm1 =	veq.f32 v15, $0.0e+00;
	v3 =	vor.u32 v0, v4;
	v4 =	vand.u32 $0x80000000, v19;
	v15 =	vld [tilespmem:s7+$0x10];
	[tilespmem:s14+$0xFFFFFFF0] =	vst v7  }
0x1e4: {  	vm2 =	veq.f32 v18, $0.0e+00;
	v4 =	vor.u32 v0, v4;
	v5 =	vand.u32 $0x80000000, v20;
	v18 =	vld [tilespmem:s7+$0x20];
	[tilespmem:s14+$0x0] =	vst v8  }
0x1e5: {  	vm3 =	veq.f32 v19, $0.0e+00;
	v5 =	vor.u32 v0, v5;
	v6 =	vand.u32 $0x80000000, v21;
	v19 =	vld [tilespmem:s7+$0x30];
	[tilespmem:s14+$0x10] =	vst v9  }
0x1e6: {  	vm4 =	veq.f32 v20, $0.0e+00;
	v6 =	vor.u32 v0, v6;
	v7 =	vand.u32 $0x80000000, v16;
	v20 =	vld [tilespmem:s7+$0x40];
	[tilespmem:s14+$0x20] =	vst v10  }
0x1e7: {  	vm5 =	veq.f32 v21, $0.0e+00;
	v7 =	vor.u32 v0, v7;
	v8 =	vand.u32 $0x80000000, v17;
	v21 =	vld [tilespmem:s7+$0x50];
	[tilespmem:s14+$0x30] =	vst v11  }
0x1e8: {  	vm6 =	veq.f32 v16, $0.0e+00;
	v8 =	vor.u32 v0, v8;
	v9 =	vand.u32 $0x80000000, v15;
	v16 =	vld [tilespmem:s7+$0x60];
	[tilespmem:s14+$0x40] =	vst v12  }
0x1e9: {  	vm7 =	veq.f32 v17, $0.0e+00;
	v22 =	vld [tilespmem:s7+$0xFFFFFF80];
	v9 =	vor.u32 v0, v9;
	v10 =	vand.u32 $0x80000000, v18;
	[tilespmem:s14+$0x50] =	vst v13  }
0x1ea: {  	vm8 =	veq.f32 v15, $0.0e+00;
	v10 =	vor.u32 v0, v10;
	v11 =	vand.u32 $0x80000000, v19;
	[tilespmem:s14+$0x60] =	vst v14;
	s14 =	smov.u32 s7  }
.Ltmp6:
0x1eb: {  	vm9 =	veq.f32 v18, $0.0e+00;
	v11 =	vor.u32 v0, v11;
	v12 =	vand.u32 $0x80000000, v20;
	(pc) =	sbr.rel @p0 .LBB2_14-.Ltmp6, $4  }
0x1ec: {  	vm10 =	veq.f32 v19, $0.0e+00;
	v12 =	vor.u32 v0, v12;
	v13 =	vand.u32 $0x80000000, v21  }
0x1ed: {  	vm11 =	veq.f32 v20, $0.0e+00;
	v13 =	vor.u32 v0, v13;
	v14 =	vand.u32 $0x80000000, v16  }
0x1ee: {  	v15 =	vand.u32 $0x80000000, v22;
	vm14 =	veq.f32 v22, $0.0e+00;
	v14 =	vor.u32 v0, v14  }
0x1ef: {  	s7 =	sadd.s32 $0x100, s7;
	vm13 =	veq.f32 v21, $0.0e+00;
	vm12 =	veq.f32 v16, $0.0e+00;
	v15 =	vor.u32 v0, v15  }
0x1f0: {  	v15 =	vsel vm14, $0x0, v15  }
0x1f1: {  	v1 =	vsel vm0, $0x0, v1;
	[tilespmem:s14+$0xFFFFFF80] =	vst v15  }
0x1f2: {  	v2 =	vsel vm1, $0x0, v2;
	[tilespmem:s14+$0xFFFFFF90] =	vst v1  }
0x1f3: {  	v1 =	vsel vm2, $0x0, v3;
	[tilespmem:s14+$0xFFFFFFA0] =	vst v2  }
0x1f4: {  	v2 =	vsel vm3, $0x0, v4;
	[tilespmem:s14+$0xFFFFFFB0] =	vst v1  }
0x1f5: {  	v1 =	vsel vm4, $0x0, v5;
	[tilespmem:s14+$0xFFFFFFC0] =	vst v2  }
0x1f6: {  	v2 =	vsel vm5, $0x0, v6;
	[tilespmem:s14+$0xFFFFFFD0] =	vst v1  }
0x1f7: {  	v1 =	vsel vm6, $0x0, v7;
	[tilespmem:s14+$0xFFFFFFE0] =	vst v2  }
0x1f8: {  	v2 =	vsel vm7, $0x0, v8;
	[tilespmem:s14+$0xFFFFFFF0] =	vst v1  }
0x1f9: {  	v1 =	vsel vm8, $0x0, v9;
	[tilespmem:s14+$0x0] =	vst v2  }
0x1fa: {  	v2 =	vsel vm9, $0x0, v10;
	[tilespmem:s14+$0x10] =	vst v1  }
0x1fb: {  	v1 =	vsel vm10, $0x0, v11;
	[tilespmem:s14+$0x20] =	vst v2  }
0x1fc: {  	v2 =	vsel vm11, $0x0, v12;
	[tilespmem:s14+$0x30] =	vst v1  }
0x1fd: {  	v1 =	vsel vm13, $0x0, v13;
	[tilespmem:s14+$0x40] =	vst v2  }
0x1fe: {  	v2 =	vsel vm12, $0x0, v14;
	[tilespmem:s14+$0x50] =	vst v1  }
0x1ff: {  	[tilespmem:s14+$0x60] =	vst v2  }
0x200: {  	[hbm4b:s11+s4] =	stream.linear.scatter [tilespmem:s25], [sflag:$0x6], $0x8000, $0x38;
	[tilespmem:$0x1A000] =	vst v63  }
0x201: {  	_ =	swait.ge [sflag:s1], $0x8000  }
0x202: {  	[sflag:s1] =	ssyncset.done $0x0  }
0x203: {  	[sflag:s1] =	ssyncadd.s32 $0xFFFF8000  }
0x204: {  	_ =	swait.ge [sflag:s23], $0x4000  }
0x205: {  	[sflag:s23] =	ssyncset.done $0x0  }
0x206: {  	[sflag:s23] =	ssyncadd.s32 $0xFFFFC000  }
0x207: {  	_ =	swait.ge [sflag:s23], $0x4000  }
0x208: {  	[sflag:s23] =	ssyncset.done $0x0  }
0x209: {  	s14 =	simm.s32 $0x1C80;
	[sflag:s23] =	ssyncadd.s32 $0xFFFFC000  }
0x20a: {  	v1 =	vld [tilespmem:s14+$0x70]  }
0x20b: {  	v2 =	vld [tilespmem:s14+$0xFFFFFF90]  }
0x20c: {  	v3 =	vld [tilespmem:s14+$0xFFFFFFA0]  }
0x20d: {  	v4 =	vld [tilespmem:s14+$0xFFFFFFB0]  }
0x20e: {  	v5 =	vld [tilespmem:s14+$0xFFFFFFC0]  }
0x20f: {  	v6 =	vld [tilespmem:s14+$0xFFFFFFD0]  }
0x210: {  	v8 =	vld [tilespmem:s14+$0xFFFFFFE0]  }
0x211: {  	v10 =	vld [tilespmem:s14+$0xFFFFFFF0]  }
0x212: {  	v11 =	vld [tilespmem:s14+$0x0]  }
0x213: {  	v12 =	vld [tilespmem:s14+$0x10]  }
0x214: {  	v13 =	vld [tilespmem:s14+$0x20]  }
0x215: {  	v14 =	vld [tilespmem:s14+$0x30]  }
0x216: {  	v15 =	vld [tilespmem:s14+$0x40]  }
0x217: {  	v18 =	vld [tilespmem:s14+$0xFFFFFF80];
	v7 =	vand.u32 $0x80000000, v1  }
0x218: {  	v9 =	vand.u32 $0x80000000, v2;
	vm0 =	veq.f32 v1, $0.0e+00;
	vm1 =	veq.f32 v3, $0.0e+00  }
0x219: {  	v16 =	vld [tilespmem:s14+$0x50];
	vm2 =	veq.f32 v4, $0.0e+00;
	vm3 =	veq.f32 v5, $0.0e+00;
	vm4 =	veq.f32 v6, $0.0e+00  }
0x21a: {  	v17 =	vld [tilespmem:s14+$0x60];
	vm5 =	veq.f32 v8, $0.0e+00;
	vm6 =	veq.f32 v10, $0.0e+00;
	vm7 =	veq.f32 v11, $0.0e+00  }
0x21b: {  	vm8 =	veq.f32 v12, $0.0e+00;
	vm9 =	veq.f32 v13, $0.0e+00;
	vm10 =	veq.f32 v14, $0.0e+00  }
0x21c: {  	vm11 =	veq.f32 v15, $0.0e+00;
	vm14 =	veq.f32 v18, $0.0e+00;
	v7 =	vor.u32 v0, v7  }
0x21d: {  	v1 =	vor.u32 v0, v9;
	v9 =	vand.u32 $0x80000000, v3;
	v7 =	vsel vm0, $0x0, v7  }
0x21e: {  	vm0 =	veq.f32 v2, $0.0e+00;
	v2 =	vor.u32 v0, v9;
	v9 =	vand.u32 $0x80000000, v4  }
0x21f: {  	vm13 =	veq.f32 v16, $0.0e+00;
	vm12 =	veq.f32 v17, $0.0e+00;
	v3 =	vor.u32 v0, v9  }
0x220: {  	[tilespmem:s14+$0x70] =	vst v7;
	v7 =	vand.u32 $0x80000000, v5;
	v9 =	vand.u32 $0x80000000, v12;
	v12 =	vand.u32 $0x80000000, v15  }
0x221: {  	v15 =	vand.u32 $0x80000000, v18;
	v4 =	vor.u32 v0, v7;
	v7 =	vand.u32 $0x80000000, v6  }
0x222: {  	v9 =	vor.u32 v0, v9;
	v12 =	vor.u32 v0, v12;
	v15 =	vor.u32 v0, v15  }
0x223: {  	v5 =	vor.u32 v0, v7;
	v7 =	vand.u32 $0x80000000, v8;
	v8 =	vand.u32 $0x80000000, v11  }
0x224: {  	v11 =	vand.u32 $0x80000000, v14;
	v14 =	vand.u32 $0x80000000, v17;
	v6 =	vor.u32 v0, v7  }
0x225: {  	v7 =	vand.u32 $0x80000000, v10;
	v8 =	vor.u32 v0, v8;
	v10 =	vand.u32 $0x80000000, v13  }
0x226: {  	v11 =	vor.u32 v0, v11;
	v13 =	vand.u32 $0x80000000, v16;
	v14 =	vor.u32 v0, v14  }
0x227: {  	s6 =	simm.s32 $0x0;
	s7 =	simm.s32 $0x1D80;
	v7 =	vor.u32 v0, v7;
	v10 =	vor.u32 v0, v10;
	v13 =	vor.u32 v0, v13  }
.LBB2_16:
0x228: {  	v16 =	vld [tilespmem:s7+$0x70];
	s6 =	sadd.s32 $0x2, s6;
	v15 =	vsel vm14, $0x0, v15;
	v1 =	vsel vm0, $0x0, v1;
	v2 =	vsel vm1, $0x0, v2  }
0x229: {  	v3 =	vsel vm2, $0x0, v3;
	v4 =	vsel vm3, $0x0, v4;
	v5 =	vsel vm4, $0x0, v5;
	v17 =	vld [tilespmem:s7+$0xFFFFFF90];
	p0 =	slt.u32 s6, $0xFE;
	[tilespmem:s14+$0xFFFFFF80] =	vst v15  }
0x22a: {  	v6 =	vsel vm5, $0x0, v6;
	v7 =	vsel vm6, $0x0, v7;
	v8 =	vsel vm7, $0x0, v8;
	v15 =	vld [tilespmem:s7+$0xFFFFFFA0];
	[tilespmem:s14+$0xFFFFFF90] =	vst v1  }
0x22b: {  	v9 =	vsel vm8, $0x0, v9;
	v10 =	vsel vm9, $0x0, v10;
	v11 =	vsel vm10, $0x0, v11;
	v18 =	vld [tilespmem:s7+$0xFFFFFFB0];
	[tilespmem:s14+$0xFFFFFFA0] =	vst v2  }
0x22c: {  	v12 =	vsel vm11, $0x0, v12;
	v13 =	vsel vm13, $0x0, v13;
	v14 =	vsel vm12, $0x0, v14;
	v19 =	vld [tilespmem:s7+$0xFFFFFFC0];
	[tilespmem:s14+$0xFFFFFFB0] =	vst v3  }
0x22d: {  	v20 =	vld [tilespmem:s7+$0xFFFFFFD0];
	v1 =	vand.u32 $0x80000000, v16;
	[tilespmem:s14+$0xFFFFFFC0] =	vst v4  }
0x22e: {  	vm0 =	veq.f32 v16, $0.0e+00;
	v2 =	vand.u32 $0x80000000, v17;
	v21 =	vld [tilespmem:s7+$0xFFFFFFE0];
	v3 =	vor.u32 v0, v1;
	[tilespmem:s14+$0xFFFFFFD0] =	vst v5  }
0x22f: {  	v1 =	vor.u32 v0, v2;
	v2 =	vand.u32 $0x80000000, v15;
	v16 =	vld [tilespmem:s7+$0xFFFFFFF0];
	v3 =	vsel vm0, $0x0, v3;
	[tilespmem:s14+$0xFFFFFFE0] =	vst v6  }
0x230: {  	vm0 =	veq.f32 v17, $0.0e+00;
	v2 =	vor.u32 v0, v2;
	v4 =	vand.u32 $0x80000000, v18;
	v17 =	vld [tilespmem:s7+$0x0];
	[tilespmem:s7+$0x70] =	vst v3  }
0x231: {  	vm1 =	veq.f32 v15, $0.0e+00;
	v3 =	vor.u32 v0, v4;
	v4 =	vand.u32 $0x80000000, v19;
	v15 =	vld [tilespmem:s7+$0x10];
	[tilespmem:s14+$0xFFFFFFF0] =	vst v7  }
0x232: {  	vm2 =	veq.f32 v18, $0.0e+00;
	v4 =	vor.u32 v0, v4;
	v5 =	vand.u32 $0x80000000, v20;
	v18 =	vld [tilespmem:s7+$0x20];
	[tilespmem:s14+$0x0] =	vst v8  }
0x233: {  	vm3 =	veq.f32 v19, $0.0e+00;
	v5 =	vor.u32 v0, v5;
	v6 =	vand.u32 $0x80000000, v21;
	v19 =	vld [tilespmem:s7+$0x30];
	[tilespmem:s14+$0x10] =	vst v9  }
0x234: {  	vm4 =	veq.f32 v20, $0.0e+00;
	v6 =	vor.u32 v0, v6;
	v7 =	vand.u32 $0x80000000, v16;
	v20 =	vld [tilespmem:s7+$0x40];
	[tilespmem:s14+$0x20] =	vst v10  }
0x235: {  	vm5 =	veq.f32 v21, $0.0e+00;
	v7 =	vor.u32 v0, v7;
	v8 =	vand.u32 $0x80000000, v17;
	v21 =	vld [tilespmem:s7+$0x50];
	[tilespmem:s14+$0x30] =	vst v11  }
0x236: {  	vm6 =	veq.f32 v16, $0.0e+00;
	v8 =	vor.u32 v0, v8;
	v9 =	vand.u32 $0x80000000, v15;
	v16 =	vld [tilespmem:s7+$0x60];
	[tilespmem:s14+$0x40] =	vst v12  }
0x237: {  	vm7 =	veq.f32 v17, $0.0e+00;
	v22 =	vld [tilespmem:s7+$0xFFFFFF80];
	v9 =	vor.u32 v0, v9;
	v10 =	vand.u32 $0x80000000, v18;
	[tilespmem:s14+$0x50] =	vst v13  }
0x238: {  	vm8 =	veq.f32 v15, $0.0e+00;
	v10 =	vor.u32 v0, v10;
	v11 =	vand.u32 $0x80000000, v19;
	[tilespmem:s14+$0x60] =	vst v14;
	s14 =	smov.u32 s7  }
.Ltmp7:
0x239: {  	vm9 =	veq.f32 v18, $0.0e+00;
	v11 =	vor.u32 v0, v11;
	v12 =	vand.u32 $0x80000000, v20;
	(pc) =	sbr.rel @p0 .LBB2_16-.Ltmp7, $4  }
0x23a: {  	vm10 =	veq.f32 v19, $0.0e+00;
	v12 =	vor.u32 v0, v12;
	v13 =	vand.u32 $0x80000000, v21  }
0x23b: {  	vm11 =	veq.f32 v20, $0.0e+00;
	v13 =	vor.u32 v0, v13;
	v14 =	vand.u32 $0x80000000, v16  }
0x23c: {  	v15 =	vand.u32 $0x80000000, v22;
	vm14 =	veq.f32 v22, $0.0e+00;
	v14 =	vor.u32 v0, v14  }
0x23d: {  	s7 =	sadd.s32 $0x100, s7;
	vm13 =	veq.f32 v21, $0.0e+00;
	vm12 =	veq.f32 v16, $0.0e+00;
	v15 =	vor.u32 v0, v15  }
0x23e: {  	v0 =	vsel vm14, $0x0, v15  }
0x23f: {  	v1 =	vsel vm0, $0x0, v1;
	[tilespmem:s14+$0xFFFFFF80] =	vst v0  }
0x240: {  	v51 =	vsel vm1, $0x0, v2;
	[tilespmem:s14+$0xFFFFFF90] =	vst v1  }
0x241: {  	v52 =	vsel vm2, $0x0, v3;
	[tilespmem:s14+$0xFFFFFFA0] =	vst v51  }
0x242: {  	v53 =	vsel vm3, $0x0, v4;
	[tilespmem:s14+$0xFFFFFFB0] =	vst v52  }
0x243: {  	v54 =	vsel vm4, $0x0, v5;
	[tilespmem:s14+$0xFFFFFFC0] =	vst v53  }
0x244: {  	v55 =	vsel vm5, $0x0, v6;
	[tilespmem:s14+$0xFFFFFFD0] =	vst v54  }
0x245: {  	v56 =	vsel vm6, $0x0, v7;
	[tilespmem:s14+$0xFFFFFFE0] =	vst v55  }
0x246: {  	v57 =	vsel vm7, $0x0, v8;
	[tilespmem:s14+$0xFFFFFFF0] =	vst v56  }
0x247: {  	v58 =	vsel vm8, $0x0, v9;
	[tilespmem:s14+$0x0] =	vst v57  }
0x248: {  	v59 =	vsel vm9, $0x0, v10;
	[tilespmem:s14+$0x10] =	vst v58  }
0x249: {  	v60 =	vsel vm10, $0x0, v11;
	[tilespmem:s14+$0x20] =	vst v59  }
0x24a: {  	v61 =	vsel vm11, $0x0, v12;
	[tilespmem:s14+$0x30] =	vst v60  }
0x24b: {  	v62 =	vsel vm13, $0x0, v13;
	[tilespmem:s14+$0x40] =	vst v61  }
0x24c: {  	v63 =	vsel vm12, $0x0, v14;
	[tilespmem:s14+$0x50] =	vst v62  }
0x24d: {  	s21 =	sadd.s32 $0x1, s21;
	[tilespmem:s14+$0x60] =	vst v63  }
0x24e: {  	[hbm4b:s12+s4] =	stream.linear.scatter [tilespmem:s17], [sflag:$0x4], $0x8000, $0x38;
	[tilespmem:$0x1A000] =	vst v63  }
0x24f: {  	p0 =	sne.s32 s21, s13;
	_ =	swait.ge [sflag:s0], $0x8000  }
.Ltmp8:
0x250: {  	[sflag:s0] =	ssyncset.done $0x0;
	(pc) =	sbr.rel @p0 .LBB2_1-.Ltmp8, $4  }
0x251: {  	[sflag:s0] =	ssyncadd.s32 $0xFFFF8000  }
0x252: {  	_ =	swait.ge [sflag:s30], $0x8000  }
0x253: {  	[sflag:s30] =	ssyncset.done $0x0  }
0x254: {  	[sflag:s30] =	ssyncadd.s32 $0xFFFF8000  }
0x255: {  	_ =	sfence.sel $0x180000  }
0x256: {  	[bflag:$0x0] =	sbarrier.arrive $0xFFFF  }
0x257: {  	_ =	strace $0x90000047  }
0x258: {  	s0 =	stileid.u32;
	[bflag:$0x2] =	sbarrier.arrive $0xFFFF  }
0x259: {  	p0 =	sne.s32 s0, $0x0;
	s0 =	rddreg [dreg:$0x3]  }
0x25a: {  	s0 =	sadd.s32 @!p0 $0x100000, s0  }
0x25b: {  	[sflag:s0] =	ssyncadd.tile.s32 @!p0 $0x1;
	_ =	shalt  }
.Lfunc_end2:
_tile_overlayer_lowered:
.L_overlay_start_2:
0x25c: {  	(tag) =	ssettag $0x2  }
0x25d: {  	s0 =	rddreg [dreg:$0x0];
	s2 =	stileid.u32  }
0x25e: {  	s1 =	rddreg [dreg:$0x1];
	p0 =	sne.s32 s2, $0x0  }
0x25f: {  	s3 =	rddreg [dreg:$0x2];
	[bflag:$0x3] =	sbarrier.arrive $0xFFFF;
	s2 =	simm.s32 @!p0 $0x1C07  }
0x260: {  	[timem:s3], [sflag:s2] =	dma.local @!p0 [hbm:s0], s1  }
0x261: {  	s0 =	simm.s32 @!p0 $0x7  }
0x262: {  	_ =	swait.ge @!p0 [sflag:s0], s1  }
0x263: {  	s1 =	ssub.s32 @!p0 $0x0, s1;
	[sflag:s0] =	ssyncset.done @!p0 $0x0  }
0x264: {  	[sflag:s0] =	ssyncadd.s32 @!p0 s1  }
0x265: {  	[bflag:$0x3] =	sbarrier.arrive $0xFFFF  }
0x266: {  	_ =	shalt  }

</sc_bundles>
